<compile_context>
chip_gen: v7x
topology: tpu7x:2x2x1
jax: 0.10.2.dev20260603
libtpu: 0.0.44.dev20260713+nightly
codegen_flags: <defaults>
</compile_context>

<pallas_src>
import functools
import math

import jax
import jax.numpy as jnp
from jax.experimental import pallas as pl
from jax.experimental.pallas import tpu as pltpu
from jax.experimental.pallas import tpu_sc as plsc

B, N = 2, 2048
DP, DM, K = 128, 512, 16
BN = B * N
NIDX = BN * K

BLKP = 512
BLKQ = 256
BLKH = 128
_HI = jax.lax.Precision.HIGHEST


def _preproc(features, xyzp, fc1_wT, fc1_b, wqT, wkT, wvT):
    def body(f_ref, xp_ref, w1_ref, b1_ref, wq_ref, wk_ref, wv_ref,
             q_ref, kv_ref, xt_ref):
        x = jnp.dot(f_ref[...], w1_ref[...]) + b1_ref[...]
        q_ref[...] = jnp.dot(x, wq_ref[...])
        k = jnp.dot(x, wk_ref[...])
        v = jnp.dot(x, wv_ref[...])

        def _rne_hi(t):
            u = jax.lax.bitcast_convert_type(t, jnp.uint32)
            r = u + jnp.uint32(0x7FFF) + ((u >> 16) & jnp.uint32(1))
            return r & jnp.uint32(0xFFFF0000)

        packed = _rne_hi(k) | (_rne_hi(v) >> 16)
        kv_ref[...] = jax.lax.bitcast_convert_type(packed, jnp.int32)
        kn = jnp.maximum(jnp.sqrt(jnp.sum(k * k, axis=1, keepdims=True)), 1e-8)
        lane = jax.lax.broadcasted_iota(jnp.int32, (BLKP, 128), 1)
        xt_ref[...] = jnp.where(lane == 3,
                                jnp.broadcast_to(1.0 / kn, (BLKP, 128)),
                                xp_ref[...])

    grid = (BN // BLKP,)
    return pl.pallas_call(
        body,
        grid=grid,
        in_specs=[
            pl.BlockSpec((BLKP, DP), lambda i: (i, 0)),
            pl.BlockSpec((BLKP, 128), lambda i: (i, 0)),
            pl.BlockSpec((DP, DM), lambda i: (0, 0)),
            pl.BlockSpec((1, DM), lambda i: (0, 0)),
            pl.BlockSpec((DM, DM), lambda i: (0, 0)),
            pl.BlockSpec((DM, DM), lambda i: (0, 0)),
            pl.BlockSpec((DM, DM), lambda i: (0, 0)),
        ],
        out_specs=[
            pl.BlockSpec((BLKP, DM), lambda i: (i, 0)),
            pl.BlockSpec((BLKP, DM), lambda i: (i, 0)),
            pl.BlockSpec((BLKP, 128), lambda i: (i, 0)),
        ],
        out_shape=[
            jax.ShapeDtypeStruct((BN, DM), jnp.float32),
            jax.ShapeDtypeStruct((BN, DM), jnp.int32),
            jax.ShapeDtypeStruct((BN, 128), jnp.float32),
        ],
    )(features, xyzp, fc1_wT, fc1_b, wqT, wkT, wvT)


def _knn(xyz8, xyz_all_t, base_row):

    def body(xq_ref, xa_ref, idx_ref):
        xq = xq_ref[...]
        xa = xa_ref[0]
        qs2 = jnp.sum(xq * xq, axis=1, keepdims=True)
        ps2 = jnp.sum(xa * xa, axis=0, keepdims=True)
        qp = jnp.dot(xq, xa, precision=jax.lax.Precision.DEFAULT)
        dist = (qs2 + ps2) - 2.0 * qp
        iota_f = jax.lax.broadcasted_iota(
            jnp.int32, (BLKQ, N), 1).astype(jnp.float32)
        kiota = jax.lax.broadcasted_iota(jnp.int32, (BLKQ, K), 1)
        sel = jnp.zeros((BLKQ, K), jnp.float32)
        d = dist
        for j in range(K):
            mv = jnp.min(d, axis=1, keepdims=True)
            c = jnp.where(d == mv, iota_f, 4096.0)
            idxf = jnp.min(c, axis=1, keepdims=True)
            sel = jnp.where(kiota == j, idxf, sel)
            d = jnp.where(c == idxf, jnp.inf, d)
        idx_ref[...] = sel.astype(jnp.int32) + base_row

    return pl.pallas_call(
        body,
        grid=(N // BLKQ,),
        in_specs=[
            pl.BlockSpec((BLKQ, 8), lambda g: (g, 0)),
            pl.BlockSpec((1, 8, N), lambda g: (0, 0, 0)),
        ],
        out_specs=pl.BlockSpec((BLKQ, K), lambda g: (g, 0)),
        out_shape=jax.ShapeDtypeStruct((N, K), jnp.int32),
    )(xyz8, xyz_all_t)


def _gather_sc(kv, xg, idx_flat):
    NI = idx_flat.shape[0]
    NC, NS = 2, 16
    NW = NC * NS
    BPW = NI // NW
    C = 128
    S = BPW // C
    mesh = plsc.VectorSubcoreMesh(core_axis_name="c", subcore_axis_name="s")

    @functools.partial(
        pl.kernel,
        out_type=(
            jax.ShapeDtypeStruct((NI, DM), jnp.int32),
            jax.ShapeDtypeStruct((NI, 128), jnp.float32),
        ),
        mesh=mesh,
        scratch_types=[
            pltpu.VMEM((C,), jnp.int32),
            pltpu.VMEM((C, DM), jnp.int32),
            pltpu.VMEM((C, 128), jnp.float32),
            pltpu.SemaphoreType.DMA,
            pltpu.SemaphoreType.DMA,
        ],
    )
    def kern(kv_hbm, xg_hbm, idx_hbm, kvo_hbm, xo_hbm,
             idxc, kvbuf, xbuf, sk, sx):
        wid = jax.lax.axis_index("s") * NC + jax.lax.axis_index("c")
        base = wid * BPW

        @pl.loop(0, S)
        def _(s):
            off = base + s * C
            pltpu.sync_copy(idx_hbm.at[pl.ds(off, C)], idxc)
            ck = pltpu.async_copy(kv_hbm.at[idxc], kvbuf, sk)
            cx = pltpu.async_copy(xg_hbm.at[idxc], xbuf, sx)
            ck.wait()
            cx.wait()
            pltpu.sync_copy(kvbuf, kvo_hbm.at[pl.ds(off, C)])
            pltpu.sync_copy(xbuf, xo_hbm.at[pl.ds(off, C)])

    return kern(kv, xg, idx_flat)


def _heavy(kvg, xg, q, xq8, pre,
           dw1T, db1, dw2T, db2, sw0, swT, sim_b,
           gw1T, gb1, gw2T, gb2, fc2T, fc2_b, prev=None, row_offset=0):
    NR = q.shape[0]
    M = BLKH * K
    OFF = row_offset // BLKH
    inv_scale = 1.0 / math.sqrt(float(DM))

    def body(kv_ref, xg_ref, q_ref, xq_ref, pre_ref,
             dw1_ref, db1_ref, dw2_ref, db2_ref, sw0_ref, swT_ref, sb_ref,
             gw1_ref, gb1_ref, gw2_ref, gb2_ref, fc2_ref, fb_ref,
             *rest):
        attn_ref, res_ref = rest[-2], rest[-1]
        ku = jax.lax.bitcast_convert_type(kv_ref[...], jnp.uint32)
        kf32 = jax.lax.bitcast_convert_type(ku & jnp.uint32(0xFFFF0000),
                                            jnp.float32)
        vf32 = jax.lax.bitcast_convert_type(ku << 16, jnp.float32)
        q = q_ref[...]
        qn = jnp.maximum(jnp.sqrt(jnp.sum(q * q, axis=1, keepdims=True)), 1e-8)
        qe = jnp.broadcast_to(q[:, None, :], (BLKH, K, DM)).reshape(M, DM)
        qne = jnp.broadcast_to(qn[:, None, :], (BLKH, K, 1)).reshape(M, 1)
        xe = jnp.broadcast_to(xq_ref[...][:, None, :], (BLKH, K, 128)).reshape(M, 128)

        d = (xe - xg_ref[...]).astype(jnp.bfloat16)
        s1 = jnp.maximum(
            jnp.dot(d, dw1_ref[...], preferred_element_type=jnp.float32)
            + db1_ref[...], 0.0).astype(jnp.bfloat16)
        pos = (jnp.dot(s1, dw2_ref[...], preferred_element_type=jnp.float32)
               + db2_ref[...])

        num = jnp.sum(qe * kf32, axis=1, keepdims=True)
        ikn = xg_ref[...][:, 3:4]
        sim = num * ((1.0 / qne) * ikn)

        qmk = (qe - kf32).astype(jnp.bfloat16)
        rel = (sim * sw0_ref[...]
               + jnp.dot(qmk, swT_ref[...], preferred_element_type=jnp.float32)
               + sb_ref[...])
        h = (rel + pos).astype(jnp.bfloat16)
        a1 = jnp.maximum(
            jnp.dot(h, gw1_ref[...], preferred_element_type=jnp.float32)
            + gb1_ref[...], 0.0).astype(jnp.bfloat16)
        logits = (jnp.dot(a1, gw2_ref[...], preferred_element_type=jnp.float32)
                  + gb2_ref[...])
        l3 = (logits * inv_scale).reshape(BLKH, K, DM)
        e = jnp.exp(l3)
        s = jnp.sum(e, axis=1, keepdims=True)
        attn3 = e * (1.0 / s)
        attn_ref[...] = attn3.reshape(M, DM)

        ve = (vf32 + pos).reshape(BLKH, K, DM)
        res = jnp.sum(attn3 * ve, axis=1)
        res_ref[...] = (jnp.dot(res, fc2_ref[...], precision=_HI)
                        + fb_ref[...] + pre_ref[...])

    grid = (NR // BLKH,)
    wspec = lambda shape: pl.BlockSpec(shape, lambda i: tuple(0 for _ in shape))
    in_specs = [
        pl.BlockSpec((M, DM), lambda i: (i, 0)),
        pl.BlockSpec((M, 128), lambda i: (i, 0)),
        pl.BlockSpec((BLKH, DM), lambda i: (i, 0)),
        pl.BlockSpec((BLKH, 128), lambda i: (i, 0)),
        pl.BlockSpec((BLKH, DP), lambda i: (i, 0)),
        wspec((128, DM)), wspec((1, DM)), wspec((DM, DM)), wspec((1, DM)),
        wspec((1, DM)), wspec((DM, DM)), wspec((1, DM)),
        wspec((DM, DM)), wspec((1, DM)), wspec((DM, DM)), wspec((1, DM)),
        wspec((DM, DP)), wspec((1, DP)),
    ]
    args = [kvg, xg, q, xq8, pre,
            dw1T, db1, dw2T, db2, sw0, swT, sim_b,
            gw1T, gb1, gw2T, gb2, fc2T, fc2_b]
    aliases = {}
    if prev is not None:
        anyspec = pl.BlockSpec(memory_space=pltpu.MemorySpace.HBM)
        in_specs += [anyspec, anyspec]
        args += [prev[0], prev[1]]
        aliases = {18: 0, 19: 1}
    return pl.pallas_call(
        body,
        grid=grid,
        in_specs=in_specs,
        out_specs=[
            pl.BlockSpec((M, DM), lambda i: (i + OFF, 0)),
            pl.BlockSpec((BLKH, DP), lambda i: (i + OFF, 0)),
        ],
        out_shape=[
            jax.ShapeDtypeStruct((NIDX, DM), jnp.float32),
            jax.ShapeDtypeStruct((BN, DP), jnp.float32),
        ],
        input_output_aliases=aliases,
    )(*args)


def kernel(xyz, features, fc1_w, fc1_b, fc2_w, fc2_b, delta_w1, delta_b1,
           delta_w2, delta_b2, gamma_w1, gamma_b1, gamma_w2, gamma_b2,
           wq, wk, wv, sim_w, sim_b):
    feats = features.reshape(BN, DP)
    xyz_flat = xyz.reshape(BN, 3)
    q, kvtab, xg_tab = _preproc(feats, jnp.pad(xyz_flat, ((0, 0), (0, 125))),
                                fc1_w.T, fc1_b[None, :], wq.T, wk.T, wv.T)

    xyz8 = jnp.pad(xyz_flat, ((0, 0), (0, 5)))
    xyz_all_t = jnp.pad(xyz, ((0, 0), (0, 0), (0, 5))).transpose(0, 2, 1)


    dw1T = jnp.pad(delta_w1.T, ((0, 125), (0, 0))).astype(jnp.bfloat16)
    weights = (
        dw1T, delta_b1[None, :],
        delta_w2.T.astype(jnp.bfloat16), delta_b2[None, :],
        sim_w[:, 0][None, :], sim_w[:, 1:].T.astype(jnp.bfloat16),
        sim_b[None, :],
        gamma_w1.T.astype(jnp.bfloat16), gamma_b1[None, :],
        gamma_w2.T.astype(jnp.bfloat16), gamma_b2[None, :],
        fc2_w.T, fc2_b[None, :])

    prev = None
    for b in range(B):
        rows = slice(b * N, (b + 1) * N)
        idx_b = _knn(xyz8[rows], xyz_all_t[b:b + 1], b * N)
        kvg, xg = _gather_sc(kvtab, xg_tab, idx_b.reshape(N * K))
        prev = _heavy(kvg, xg, q[rows], xg_tab[rows], feats[rows],
                      *weights, prev=prev, row_offset=b * N)

    attn_flat, res_flat = prev
    res = res_flat.reshape(B, N, DP)
    attn = attn_flat.reshape(B, N, K, DM)
    return (res, attn)

# --- scband reference (transcript-rebuilt; emitter-appended) ---
"""Pipeline reference for scband-transformer-block-cosine-35802847379565 (READ-ONLY COPY).

The authoritative reference and input builder live on the scoring server;
editing this copy changes nothing except your own understanding.
"""

import jax, jax.numpy as jnp
import numpy as np

B, N = 2, 2048
D_POINTS, D_MODEL, K = 128, 512, 16


def _square_distance(src, dst):
    s2 = jnp.sum(src ** 2, axis=-1)[:, :, None]
    d2 = jnp.sum(dst ** 2, axis=-1)[:, None, :]
    return s2 + d2 - 2.0 * jnp.einsum('bnd,bmd->bnm', src, dst)


def _index_points(points, idx):
    b = jnp.arange(points.shape[0])[:, None, None]
    return points[b, idx]


def setup_inputs(seed: int = 0) -> dict:
    key = jax.random.key(seed)
    ks = jax.random.split(key, 20)
    s = 0.03
    return {
        'xyz': jax.random.normal(ks[0], (B, N, 3), jnp.float32),
        'features': jax.random.normal(ks[1], (B, N, D_POINTS), jnp.float32),
        'fc1_w': jax.random.normal(ks[2], (D_MODEL, D_POINTS), jnp.float32) * s,
        'fc1_b': jnp.zeros((D_MODEL,), jnp.float32),
        'fc2_w': jax.random.normal(ks[3], (D_POINTS, D_MODEL), jnp.float32) * s,
        'fc2_b': jnp.zeros((D_POINTS,), jnp.float32),
        'delta_w1': jax.random.normal(ks[4], (D_MODEL, 3), jnp.float32) * s,
        'delta_b1': jnp.zeros((D_MODEL,), jnp.float32),
        'delta_w2': jax.random.normal(ks[5], (D_MODEL, D_MODEL), jnp.float32) * s,
        'delta_b2': jnp.zeros((D_MODEL,), jnp.float32),
        'gamma_w1': jax.random.normal(ks[6], (D_MODEL, D_MODEL), jnp.float32) * s,
        'gamma_b1': jnp.zeros((D_MODEL,), jnp.float32),
        'gamma_w2': jax.random.normal(ks[7], (D_MODEL, D_MODEL), jnp.float32) * s,
        'gamma_b2': jnp.zeros((D_MODEL,), jnp.float32),
        'wq': jax.random.normal(ks[8], (D_MODEL, D_MODEL), jnp.float32) * s,
        'wk': jax.random.normal(ks[9], (D_MODEL, D_MODEL), jnp.float32) * s,
        'wv': jax.random.normal(ks[10], (D_MODEL, D_MODEL), jnp.float32) * s,
        'sim_w': jax.random.normal(ks[11], (D_MODEL, D_MODEL + 1), jnp.float32) * s,
        'sim_b': jnp.zeros((D_MODEL,), jnp.float32),
    }


def reference(xyz, features, fc1_w, fc1_b, fc2_w, fc2_b, delta_w1, delta_b1,
              delta_w2, delta_b2, gamma_w1, gamma_b1, gamma_w2, gamma_b2,
              wq, wk, wv, sim_w, sim_b):
    dists = _square_distance(xyz, xyz)
    knn_idx = jnp.argsort(dists, axis=-1)[:, :, :K]
    knn_xyz = _index_points(xyz, knn_idx)
    pre = features
    x = features @ fc1_w.T + fc1_b
    q = x @ wq.T
    k = _index_points(x @ wk.T, knn_idx)
    v = _index_points(x @ wv.T, knn_idx)
    d = xyz[:, :, None, :] - knn_xyz
    pos_enc = jax.nn.relu(d @ delta_w1.T + delta_b1) @ delta_w2.T + delta_b2
    qe = q[:, :, None, :]
    num = jnp.sum(qe * k, axis=-1)
    qn = jnp.maximum(jnp.sqrt(jnp.sum(qe * qe, axis=-1)), 1e-8)
    kn = jnp.maximum(jnp.sqrt(jnp.sum(k * k, axis=-1)), 1e-8)
    similarity = num / (qn * kn)
    relative_q_k = jnp.concatenate([similarity[..., None], qe - k], axis=-1)
    relative_q_k = relative_q_k @ sim_w.T + sim_b
    h = relative_q_k + pos_enc
    attn = jax.nn.relu(h @ gamma_w1.T + gamma_b1) @ gamma_w2.T + gamma_b2
    attn = jax.nn.softmax(attn / np.sqrt(D_MODEL), axis=-2)
    res = jnp.einsum('bmnf,bmnf->bmf', attn, v + pos_enc)
    res = res @ fc2_w.T + fc2_b + pre
    return (res, attn)

if __name__ == "__main__":
    import jax
    _d = setup_inputs()
    print(jax.jit(kernel)(*tuple(_d.values())))

</pallas_src>

<mosaic_0001>
#map = affine_map<(d0, d1) -> (0, 0)>
#map1 = affine_map<(d0, d1) -> (0)>
module attributes {stable_mosaic.version = 14 : i64} {
  func.func @kern(%arg0: i32, %arg1: i32, %arg2: memref<4096x512xi32, #tpu.memory_space<hbm>>, %arg3: memref<4096x128xf32, #tpu.memory_space<hbm>>, %arg4: memref<32768xi32, #tpu.memory_space<hbm>>, %arg5: memref<32768x512xi32, #tpu.memory_space<hbm>>, %arg6: memref<32768x128xf32, #tpu.memory_space<hbm>>, %arg7: memref<128xi32, #tpu.memory_space<vmem>>, %arg8: memref<128x512xi32, #tpu.memory_space<vmem>>, %arg9: memref<128x128xf32, #tpu.memory_space<vmem>>, %arg10: memref<!tpu.dma_semaphore, #tpu.memory_space<semaphore_mem>>, %arg11: memref<!tpu.dma_semaphore, #tpu.memory_space<semaphore_mem>>) attributes {dimension_semantics = [#tpu.dimension_semantics<core_parallel>, #tpu.dimension_semantics<subcore_parallel>], iteration_bounds = array<i64: 2, 16>, scalar_prefetch = 0 : i64, scratch_operands = 5 : i64, tpu.core_type = #tpu.core_type<sc_vector_subcore>, window_params = [{transform_indices = #map}, {transform_indices = #map}, {transform_indices = #map1}, {transform_indices = #map}, {transform_indices = #map}]} {
    %mul3A = arith.constant 2 : i32
    %mul3A_0 = arith.muli %arg1, %mul3A : i32
    %add3A = arith.addi %mul3A_0, %arg0 : i32
    %mul3A_1 = arith.constant 1024 : i32
    %mul3A_2 = arith.muli %add3A, %mul3A_1 : i32
    %scan3A = arith.constant 0 : i32
    %scan3A_3 = arith.constant 8 : i32
    %scan3A_4 = arith.addi %scan3A, %scan3A_3 : i32
    %scan3A_5 = arith.constant 1 : i32
    scf.for %scan3A_7 = %scan3A to %scan3A_4 step %scan3A_5  : i32 {
      %mul3A_8 = arith.constant 1 : i32
      %mul3A_9 = arith.muli %scan3A_7, %mul3A_8 : i32
      %add3A_10 = arith.constant 0 : i32
      %add3A_11 = arith.addi %add3A_10, %mul3A_9 : i32
      %mul3A_12 = arith.constant 128 : i32
      %mul3A_13 = arith.muli %add3A_11, %mul3A_12 : i32
      %add3A_14 = arith.addi %mul3A_2, %mul3A_13 : i32
      "tpu.region"() ({
        %run_scoped3A = tpu.sem_alloc : memref<!tpu.dma_semaphore, #tpu.memory_space<semaphore_mem>>
        %dma_start3A_25 = tpu.memref_slice %arg4[%add3A_14] : memref<32768xi32, #tpu.memory_space<hbm>> -> memref<128xi32, #tpu.memory_space<hbm>>
        %dma_start3A_26 = tpu.memref_slice %arg4[%add3A_14] : memref<32768xi32, #tpu.memory_space<hbm>> -> memref<128xi32, #tpu.memory_space<hbm>>
        tpu.enqueue_dma source(%dma_start3A_26 : memref<128xi32, #tpu.memory_space<hbm>>) target(%arg7 : memref<128xi32, #tpu.memory_space<vmem>>) target_semaphore(%run_scoped3A : memref<!tpu.dma_semaphore, #tpu.memory_space<semaphore_mem>>)
        %dma_wait3A_27 = tpu.memref_slice %arg4[%add3A_14] : memref<32768xi32, #tpu.memory_space<hbm>> -> memref<128xi32, #tpu.memory_space<hbm>>
        %dma_wait3A_28 = tpu.memref_slice %arg4[%add3A_14] : memref<32768xi32, #tpu.memory_space<hbm>> -> memref<128xi32, #tpu.memory_space<hbm>>
        tpu.wait_dma2 semaphore(%run_scoped3A : memref<!tpu.dma_semaphore, #tpu.memory_space<semaphore_mem>>) src(%dma_wait3A_28 : memref<128xi32, #tpu.memory_space<hbm>>) dst(%arg7 : memref<128xi32, #tpu.memory_space<vmem>>)
        tpu.yield
      }) : () -> ()
      %dma_start3A = arith.constant 0 : i32
      %dma_start3A_15 = arith.constant 0 : i32
      %dma_start3A_16 = tpu.memref_slice %arg2[%dma_start3A, %dma_start3A_15] : memref<4096x512xi32, #tpu.memory_space<hbm>> -> memref<4096x512xi32, #tpu.memory_space<hbm>>
      tpu.enqueue_indirect_dma source(%dma_start3A_16 : memref<4096x512xi32, #tpu.memory_space<hbm>>) target(%arg8 : memref<128x512xi32, #tpu.memory_space<vmem>>) offsets(%arg7 : memref<128xi32, #tpu.memory_space<vmem>>) semaphore(%arg10 : memref<!tpu.dma_semaphore, #tpu.memory_space<semaphore_mem>>)
      %dma_start3A_17 = arith.constant 0 : i32
      %dma_start3A_18 = arith.constant 0 : i32
      %dma_start3A_19 = tpu.memref_slice %arg3[%dma_start3A_17, %dma_start3A_18] : memref<4096x128xf32, #tpu.memory_space<hbm>> -> memref<4096x128xf32, #tpu.memory_space<hbm>>
      tpu.enqueue_indirect_dma source(%dma_start3A_19 : memref<4096x128xf32, #tpu.memory_space<hbm>>) target(%arg9 : memref<128x128xf32, #tpu.memory_space<vmem>>) offsets(%arg7 : memref<128xi32, #tpu.memory_space<vmem>>) semaphore(%arg11 : memref<!tpu.dma_semaphore, #tpu.memory_space<semaphore_mem>>)
      %dma_wait3A = arith.constant 0 : i32
      %dma_wait3A_20 = arith.constant 0 : i32
      %dma_wait3A_21 = tpu.memref_slice %arg2[%dma_wait3A, %dma_wait3A_20] : memref<4096x512xi32, #tpu.memory_space<hbm>> -> memref<4096x512xi32, #tpu.memory_space<hbm>>
      tpu.wait_indirect_dma semaphore(%arg10 : memref<!tpu.dma_semaphore, #tpu.memory_space<semaphore_mem>>) src(%dma_wait3A_21 : memref<4096x512xi32, #tpu.memory_space<hbm>>) dst(%arg8 : memref<128x512xi32, #tpu.memory_space<vmem>>)
      %dma_wait3A_22 = arith.constant 0 : i32
      %dma_wait3A_23 = arith.constant 0 : i32
      %dma_wait3A_24 = tpu.memref_slice %arg3[%dma_wait3A_22, %dma_wait3A_23] : memref<4096x128xf32, #tpu.memory_space<hbm>> -> memref<4096x128xf32, #tpu.memory_space<hbm>>
      tpu.wait_indirect_dma semaphore(%arg11 : memref<!tpu.dma_semaphore, #tpu.memory_space<semaphore_mem>>) src(%dma_wait3A_24 : memref<4096x128xf32, #tpu.memory_space<hbm>>) dst(%arg9 : memref<128x128xf32, #tpu.memory_space<vmem>>)
      "tpu.region"() ({
        %run_scoped3A = tpu.sem_alloc : memref<!tpu.dma_semaphore, #tpu.memory_space<semaphore_mem>>
        %dma_start3A_25 = arith.constant 0 : i32
        %dma_start3A_26 = tpu.memref_slice %arg5[%add3A_14, %dma_start3A_25] : memref<32768x512xi32, #tpu.memory_space<hbm>> -> memref<128x512xi32, #tpu.memory_space<hbm>>
        %dma_start3A_27 = arith.constant 0 : i32
        %dma_start3A_28 = tpu.memref_slice %arg5[%add3A_14, %dma_start3A_27] : memref<32768x512xi32, #tpu.memory_space<hbm>> -> memref<128x512xi32, #tpu.memory_space<hbm>>
        tpu.enqueue_dma source(%arg8 : memref<128x512xi32, #tpu.memory_space<vmem>>) target(%dma_start3A_28 : memref<128x512xi32, #tpu.memory_space<hbm>>) target_semaphore(%run_scoped3A : memref<!tpu.dma_semaphore, #tpu.memory_space<semaphore_mem>>)
        %dma_wait3A_29 = arith.constant 0 : i32
        %dma_wait3A_30 = tpu.memref_slice %arg5[%add3A_14, %dma_wait3A_29] : memref<32768x512xi32, #tpu.memory_space<hbm>> -> memref<128x512xi32, #tpu.memory_space<hbm>>
        %dma_wait3A_31 = arith.constant 0 : i32
        %dma_wait3A_32 = tpu.memref_slice %arg5[%add3A_14, %dma_wait3A_31] : memref<32768x512xi32, #tpu.memory_space<hbm>> -> memref<128x512xi32, #tpu.memory_space<hbm>>
        tpu.wait_dma2 semaphore(%run_scoped3A : memref<!tpu.dma_semaphore, #tpu.memory_space<semaphore_mem>>) src(%arg8 : memref<128x512xi32, #tpu.memory_space<vmem>>) dst(%dma_wait3A_32 : memref<128x512xi32, #tpu.memory_space<hbm>>)
        tpu.yield
      }) : () -> ()
      "tpu.region"() ({
        %run_scoped3A = tpu.sem_alloc : memref<!tpu.dma_semaphore, #tpu.memory_space<semaphore_mem>>
        %dma_start3A_25 = arith.constant 0 : i32
        %dma_start3A_26 = tpu.memref_slice %arg6[%add3A_14, %dma_start3A_25] : memref<32768x128xf32, #tpu.memory_space<hbm>> -> memref<128x128xf32, #tpu.memory_space<hbm>>
        %dma_start3A_27 = arith.constant 0 : i32
        %dma_start3A_28 = tpu.memref_slice %arg6[%add3A_14, %dma_start3A_27] : memref<32768x128xf32, #tpu.memory_space<hbm>> -> memref<128x128xf32, #tpu.memory_space<hbm>>
        tpu.enqueue_dma source(%arg9 : memref<128x128xf32, #tpu.memory_space<vmem>>) target(%dma_start3A_28 : memref<128x128xf32, #tpu.memory_space<hbm>>) target_semaphore(%run_scoped3A : memref<!tpu.dma_semaphore, #tpu.memory_space<semaphore_mem>>)
        %dma_wait3A_29 = arith.constant 0 : i32
        %dma_wait3A_30 = tpu.memref_slice %arg6[%add3A_14, %dma_wait3A_29] : memref<32768x128xf32, #tpu.memory_space<hbm>> -> memref<128x128xf32, #tpu.memory_space<hbm>>
        %dma_wait3A_31 = arith.constant 0 : i32
        %dma_wait3A_32 = tpu.memref_slice %arg6[%add3A_14, %dma_wait3A_31] : memref<32768x128xf32, #tpu.memory_space<hbm>> -> memref<128x128xf32, #tpu.memory_space<hbm>>
        tpu.wait_dma2 semaphore(%run_scoped3A : memref<!tpu.dma_semaphore, #tpu.memory_space<semaphore_mem>>) src(%arg9 : memref<128x128xf32, #tpu.memory_space<vmem>>) dst(%dma_wait3A_32 : memref<128x128xf32, #tpu.memory_space<hbm>>)
        tpu.yield
      }) : () -> ()
    }
    %scan3A_6 = arith.constant 8 : i32
    return
  }
}

#map = affine_map<(d0, d1) -> (0, 0)>
#map1 = affine_map<(d0, d1) -> (0)>
module attributes {stable_mosaic.version = 14 : i64} {
  func.func @kern(%arg0: i32, %arg1: i32, %arg2: memref<4096x512xi32, #tpu.memory_space<hbm>>, %arg3: memref<4096x128xf32, #tpu.memory_space<hbm>>, %arg4: memref<32768xi32, #tpu.memory_space<hbm>>, %arg5: memref<32768x512xi32, #tpu.memory_space<hbm>>, %arg6: memref<32768x128xf32, #tpu.memory_space<hbm>>, %arg7: memref<128xi32, #tpu.memory_space<vmem>>, %arg8: memref<128x512xi32, #tpu.memory_space<vmem>>, %arg9: memref<128x128xf32, #tpu.memory_space<vmem>>, %arg10: memref<!tpu.dma_semaphore, #tpu.memory_space<semaphore_mem>>, %arg11: memref<!tpu.dma_semaphore, #tpu.memory_space<semaphore_mem>>) attributes {dimension_semantics = [#tpu.dimension_semantics<core_parallel>, #tpu.dimension_semantics<subcore_parallel>], iteration_bounds = array<i64: 2, 16>, scalar_prefetch = 0 : i64, scratch_operands = 5 : i64, tpu.core_type = #tpu.core_type<sc_vector_subcore>, window_params = [{transform_indices = #map}, {transform_indices = #map}, {transform_indices = #map1}, {transform_indices = #map}, {transform_indices = #map}]} {
    %mul3A = arith.constant 2 : i32
    %mul3A_0 = arith.muli %arg1, %mul3A : i32
    %add3A = arith.addi %mul3A_0, %arg0 : i32
    %mul3A_1 = arith.constant 1024 : i32
    %mul3A_2 = arith.muli %add3A, %mul3A_1 : i32
    %scan3A = arith.constant 0 : i32
    %scan3A_3 = arith.constant 8 : i32
    %scan3A_4 = arith.addi %scan3A, %scan3A_3 : i32
    %scan3A_5 = arith.constant 1 : i32
    scf.for %scan3A_7 = %scan3A to %scan3A_4 step %scan3A_5  : i32 {
      %mul3A_8 = arith.constant 1 : i32
      %mul3A_9 = arith.muli %scan3A_7, %mul3A_8 : i32
      %add3A_10 = arith.constant 0 : i32
      %add3A_11 = arith.addi %add3A_10, %mul3A_9 : i32
      %mul3A_12 = arith.constant 128 : i32
      %mul3A_13 = arith.muli %add3A_11, %mul3A_12 : i32
      %add3A_14 = arith.addi %mul3A_2, %mul3A_13 : i32
      "tpu.region"() ({
        %run_scoped3A = tpu.sem_alloc : memref<!tpu.dma_semaphore, #tpu.memory_space<semaphore_mem>>
        %dma_start3A_25 = tpu.memref_slice %arg4[%add3A_14] : memref<32768xi32, #tpu.memory_space<hbm>> -> memref<128xi32, #tpu.memory_space<hbm>>
        %dma_start3A_26 = tpu.memref_slice %arg4[%add3A_14] : memref<32768xi32, #tpu.memory_space<hbm>> -> memref<128xi32, #tpu.memory_space<hbm>>
        tpu.enqueue_dma source(%dma_start3A_26 : memref<128xi32, #tpu.memory_space<hbm>>) target(%arg7 : memref<128xi32, #tpu.memory_space<vmem>>) target_semaphore(%run_scoped3A : memref<!tpu.dma_semaphore, #tpu.memory_space<semaphore_mem>>)
        %dma_wait3A_27 = tpu.memref_slice %arg4[%add3A_14] : memref<32768xi32, #tpu.memory_space<hbm>> -> memref<128xi32, #tpu.memory_space<hbm>>
        %dma_wait3A_28 = tpu.memref_slice %arg4[%add3A_14] : memref<32768xi32, #tpu.memory_space<hbm>> -> memref<128xi32, #tpu.memory_space<hbm>>
        tpu.wait_dma2 semaphore(%run_scoped3A : memref<!tpu.dma_semaphore, #tpu.memory_space<semaphore_mem>>) src(%dma_wait3A_28 : memref<128xi32, #tpu.memory_space<hbm>>) dst(%arg7 : memref<128xi32, #tpu.memory_space<vmem>>)
        tpu.yield
      }) : () -> ()
      %dma_start3A = arith.constant 0 : i32
      %dma_start3A_15 = arith.constant 0 : i32
      %dma_start3A_16 = tpu.memref_slice %arg2[%dma_start3A, %dma_start3A_15] : memref<4096x512xi32, #tpu.memory_space<hbm>> -> memref<4096x512xi32, #tpu.memory_space<hbm>>
      tpu.enqueue_indirect_dma source(%dma_start3A_16 : memref<4096x512xi32, #tpu.memory_space<hbm>>) target(%arg8 : memref<128x512xi32, #tpu.memory_space<vmem>>) offsets(%arg7 : memref<128xi32, #tpu.memory_space<vmem>>) semaphore(%arg10 : memref<!tpu.dma_semaphore, #tpu.memory_space<semaphore_mem>>)
      %dma_start3A_17 = arith.constant 0 : i32
      %dma_start3A_18 = arith.constant 0 : i32
      %dma_start3A_19 = tpu.memref_slice %arg3[%dma_start3A_17, %dma_start3A_18] : memref<4096x128xf32, #tpu.memory_space<hbm>> -> memref<4096x128xf32, #tpu.memory_space<hbm>>
      tpu.enqueue_indirect_dma source(%dma_start3A_19 : memref<4096x128xf32, #tpu.memory_space<hbm>>) target(%arg9 : memref<128x128xf32, #tpu.memory_space<vmem>>) offsets(%arg7 : memref<128xi32, #tpu.memory_space<vmem>>) semaphore(%arg11 : memref<!tpu.dma_semaphore, #tpu.memory_space<semaphore_mem>>)
      %dma_wait3A = arith.constant 0 : i32
      %dma_wait3A_20 = arith.constant 0 : i32
      %dma_wait3A_21 = tpu.memref_slice %arg2[%dma_wait3A, %dma_wait3A_20] : memref<4096x512xi32, #tpu.memory_space<hbm>> -> memref<4096x512xi32, #tpu.memory_space<hbm>>
      tpu.wait_indirect_dma semaphore(%arg10 : memref<!tpu.dma_semaphore, #tpu.memory_space<semaphore_mem>>) src(%dma_wait3A_21 : memref<4096x512xi32, #tpu.memory_space<hbm>>) dst(%arg8 : memref<128x512xi32, #tpu.memory_space<vmem>>)
      %dma_wait3A_22 = arith.constant 0 : i32
      %dma_wait3A_23 = arith.constant 0 : i32
      %dma_wait3A_24 = tpu.memref_slice %arg3[%dma_wait3A_22, %dma_wait3A_23] : memref<4096x128xf32, #tpu.memory_space<hbm>> -> memref<4096x128xf32, #tpu.memory_space<hbm>>
      tpu.wait_indirect_dma semaphore(%arg11 : memref<!tpu.dma_semaphore, #tpu.memory_space<semaphore_mem>>) src(%dma_wait3A_24 : memref<4096x128xf32, #tpu.memory_space<hbm>>) dst(%arg9 : memref<128x128xf32, #tpu.memory_space<vmem>>)
      "tpu.region"() ({
        %run_scoped3A = tpu.sem_alloc : memref<!tpu.dma_semaphore, #tpu.memory_space<semaphore_mem>>
        %dma_start3A_25 = arith.constant 0 : i32
        %dma_start3A_26 = tpu.memref_slice %arg5[%add3A_14, %dma_start3A_25] : memref<32768x512xi32, #tpu.memory_space<hbm>> -> memref<128x512xi32, #tpu.memory_space<hbm>>
        %dma_start3A_27 = arith.constant 0 : i32
        %dma_start3A_28 = tpu.memref_slice %arg5[%add3A_14, %dma_start3A_27] : memref<32768x512xi32, #tpu.memory_space<hbm>> -> memref<128x512xi32, #tpu.memory_space<hbm>>
        tpu.enqueue_dma source(%arg8 : memref<128x512xi32, #tpu.memory_space<vmem>>) target(%dma_start3A_28 : memref<128x512xi32, #tpu.memory_space<hbm>>) target_semaphore(%run_scoped3A : memref<!tpu.dma_semaphore, #tpu.memory_space<semaphore_mem>>)
        %dma_wait3A_29 = arith.constant 0 : i32
        %dma_wait3A_30 = tpu.memref_slice %arg5[%add3A_14, %dma_wait3A_29] : memref<32768x512xi32, #tpu.memory_space<hbm>> -> memref<128x512xi32, #tpu.memory_space<hbm>>
        %dma_wait3A_31 = arith.constant 0 : i32
        %dma_wait3A_32 = tpu.memref_slice %arg5[%add3A_14, %dma_wait3A_31] : memref<32768x512xi32, #tpu.memory_space<hbm>> -> memref<128x512xi32, #tpu.memory_space<hbm>>
        tpu.wait_dma2 semaphore(%run_scoped3A : memref<!tpu.dma_semaphore, #tpu.memory_space<semaphore_mem>>) src(%arg8 : memref<128x512xi32, #tpu.memory_space<vmem>>) dst(%dma_wait3A_32 : memref<128x512xi32, #tpu.memory_space<hbm>>)
        tpu.yield
      }) : () -> ()
      "tpu.region"() ({
        %run_scoped3A = tpu.sem_alloc : memref<!tpu.dma_semaphore, #tpu.memory_space<semaphore_mem>>
        %dma_start3A_25 = arith.constant 0 : i32
        %dma_start3A_26 = tpu.memref_slice %arg6[%add3A_14, %dma_start3A_25] : memref<32768x128xf32, #tpu.memory_space<hbm>> -> memref<128x128xf32, #tpu.memory_space<hbm>>
        %dma_start3A_27 = arith.constant 0 : i32
        %dma_start3A_28 = tpu.memref_slice %arg6[%add3A_14, %dma_start3A_27] : memref<32768x128xf32, #tpu.memory_space<hbm>> -> memref<128x128xf32, #tpu.memory_space<hbm>>
        tpu.enqueue_dma source(%arg9 : memref<128x128xf32, #tpu.memory_space<vmem>>) target(%dma_start3A_28 : memref<128x128xf32, #tpu.memory_space<hbm>>) target_semaphore(%run_scoped3A : memref<!tpu.dma_semaphore, #tpu.memory_space<semaphore_mem>>)
        %dma_wait3A_29 = arith.constant 0 : i32
        %dma_wait3A_30 = tpu.memref_slice %arg6[%add3A_14, %dma_wait3A_29] : memref<32768x128xf32, #tpu.memory_space<hbm>> -> memref<128x128xf32, #tpu.memory_space<hbm>>
        %dma_wait3A_31 = arith.constant 0 : i32
        %dma_wait3A_32 = tpu.memref_slice %arg6[%add3A_14, %dma_wait3A_31] : memref<32768x128xf32, #tpu.memory_space<hbm>> -> memref<128x128xf32, #tpu.memory_space<hbm>>
        tpu.wait_dma2 semaphore(%run_scoped3A : memref<!tpu.dma_semaphore, #tpu.memory_space<semaphore_mem>>) src(%arg9 : memref<128x128xf32, #tpu.memory_space<vmem>>) dst(%dma_wait3A_32 : memref<128x128xf32, #tpu.memory_space<hbm>>)
        tpu.yield
      }) : () -> ()
    }
    %scan3A_6 = arith.constant 8 : i32
    return
  }
}

module attributes {stable_mosaic.version = 14 : i64} {
  func.func @body(%arg0: i32, %arg1: memref<256x8xf32, #tpu.memory_space<vmem>>, %arg2: memref<1x8x2048xf32, #tpu.memory_space<vmem>>, %arg3: memref<256x16xi32, #tpu.memory_space<vmem>>) attributes {dimension_semantics = [#tpu.dimension_semantics<arbitrary>], iteration_bounds = array<i64: 8>, scalar_prefetch = 0 : i64, scratch_operands = 0 : i64, tpu.core_type = #tpu.core_type<tc>, window_params = [{transform_indices = @transform_0, window_bounds = array<i64: 256, 8>}, {pipeline_mode = #tpu.pipeline_mode<synchronous>, transform_indices = @transform_1, window_bounds = array<i64: 1, 8, 2048>}, {transform_indices = @transform_2, window_bounds = array<i64: 256, 16>}]} {
    %get3A = arith.constant 0 : index
    %get3A_0 = arith.constant 0 : index
    %get3A_1 = vector.load %arg1[%get3A, %get3A_0] : memref<256x8xf32, #tpu.memory_space<vmem>>, vector<256x8xf32>
    %get3A_2 = arith.constant 0 : index
    %get3A_3 = arith.constant 0 : index
    %get3A_4 = arith.constant 0 : index
    %get3A_5 = vector.load %arg2[%get3A_2, %get3A_3, %get3A_4] : memref<1x8x2048xf32, #tpu.memory_space<vmem>>, vector<1x8x2048xf32>
    %get3A_6 = vector.shape_cast %get3A_5 : vector<1x8x2048xf32> to vector<8x2048xf32>
    %mul3A = arith.mulf %get3A_1, %get3A_1 : vector<256x8xf32>
    %reduce_sum3A = arith.constant dense<0.000000e+00> : vector<256xf32>
    %reduce_sum3A_7 = vector.multi_reduction <add>, %mul3A, %reduce_sum3A [1] : vector<256x8xf32> to vector<256xf32>
    %broadcast_in_dim3A = vector.shape_cast %reduce_sum3A_7 : vector<256xf32> to vector<256x1xf32>
    %mul3A_8 = arith.mulf %get3A_6, %get3A_6 : vector<8x2048xf32>
    %reduce_sum3A_9 = arith.constant dense<0.000000e+00> : vector<2048xf32>
    %reduce_sum3A_10 = vector.multi_reduction <add>, %mul3A_8, %reduce_sum3A_9 [0] : vector<8x2048xf32> to vector<2048xf32>
    %broadcast_in_dim3A_11 = vector.shape_cast %reduce_sum3A_10 : vector<2048xf32> to vector<1x2048xf32>
    %dot_general3A = arith.constant dense<0.000000e+00> : vector<256x2048xf32>
    %dot_general3A_12 = tpu.matmul %get3A_1, %get3A_6, %dot_general3A {dimension_numbers = #tpu.dot_dimension_numbers<[1], [0], [0], [1], [0, 0, 1, 1], [], []>, transpose_lhs_hint = false} : vector<256x8xf32>, vector<8x2048xf32>, vector<256x2048xf32> -> vector<256x2048xf32>
    %add3A = vector.broadcast %broadcast_in_dim3A : vector<256x1xf32> to vector<256x2048xf32>
    %add3A_13 = vector.broadcast %broadcast_in_dim3A_11 : vector<1x2048xf32> to vector<256x2048xf32>
    %add3A_14 = arith.addf %add3A, %add3A_13 : vector<256x2048xf32>
    %mul3A_15 = arith.constant 2.000000e+00 : f32
    %mul3A_16 = vector.broadcast %mul3A_15 : f32 to vector<256x2048xf32>
    %mul3A_17 = arith.mulf %mul3A_16, %dot_general3A_12 : vector<256x2048xf32>
    %sub3A = arith.subf %add3A_14, %mul3A_17 : vector<256x2048xf32>
    %iota3A = tpu.iota {dimensions = array<i32: 1>} : vector<256x2048xi32>
    %convert_element_type3A = arith.sitofp %iota3A : vector<256x2048xi32> to vector<256x2048xf32>
    %iota3A_18 = tpu.iota {dimensions = array<i32: 1>} : vector<256x16xi32>
    %broadcast_in_dim3A_19 = arith.constant 0.000000e+00 : f32
    %broadcast_in_dim3A_20 = vector.broadcast %broadcast_in_dim3A_19 : f32 to vector<256x16xf32>
    %reduce_min3A = arith.constant dense<0x7F800000> : vector<256xf32>
    %reduce_min3A_21 = vector.multi_reduction <minimumf>, %sub3A, %reduce_min3A [1] : vector<256x2048xf32> to vector<256xf32>
    %broadcast_in_dim3A_22 = vector.shape_cast %reduce_min3A_21 : vector<256xf32> to vector<256x1xf32>
    %eq3A = vector.broadcast %broadcast_in_dim3A_22 : vector<256x1xf32> to vector<256x2048xf32>
    %eq3A_23 = arith.cmpf oeq, %sub3A, %eq3A : vector<256x2048xf32>
    %jit3A = arith.constant 4.096000e+03 : f32
    %broadcast_in_dim3A_24 = vector.broadcast %jit3A : f32 to vector<256x2048xf32>
    %select_n3A = arith.select %eq3A_23, %convert_element_type3A, %broadcast_in_dim3A_24 : vector<256x2048xi1>, vector<256x2048xf32>
    %reduce_min3A_25 = arith.constant dense<0x7F800000> : vector<256xf32>
    %reduce_min3A_26 = vector.multi_reduction <minimumf>, %select_n3A, %reduce_min3A_25 [1] : vector<256x2048xf32> to vector<256xf32>
    %broadcast_in_dim3A_27 = vector.shape_cast %reduce_min3A_26 : vector<256xf32> to vector<256x1xf32>
    %eq3A_28 = arith.constant 0 : i32
    %eq3A_29 = vector.broadcast %eq3A_28 : i32 to vector<256x16xi32>
    %eq3A_30 = arith.cmpi eq, %iota3A_18, %eq3A_29 : vector<256x16xi32>
    %broadcast_in_dim3A_31 = vector.shape_cast %broadcast_in_dim3A_27 : vector<256x1xf32> to vector<256x1xf32>
    %broadcast_in_dim3A_32 = vector.broadcast %broadcast_in_dim3A_31 : vector<256x1xf32> to vector<256x16xf32>
    %select_n3A_33 = arith.select %eq3A_30, %broadcast_in_dim3A_32, %broadcast_in_dim3A_20 : vector<256x16xi1>, vector<256x16xf32>
    %eq3A_34 = vector.broadcast %broadcast_in_dim3A_27 : vector<256x1xf32> to vector<256x2048xf32>
    %eq3A_35 = arith.cmpf oeq, %select_n3A, %eq3A_34 : vector<256x2048xf32>
    %jit3A_36 = arith.constant 0x7F800000 : f32
    %broadcast_in_dim3A_37 = vector.broadcast %jit3A_36 : f32 to vector<256x2048xf32>
    %select_n3A_38 = arith.select %eq3A_35, %broadcast_in_dim3A_37, %sub3A : vector<256x2048xi1>, vector<256x2048xf32>
    %reduce_min3A_39 = arith.constant dense<0x7F800000> : vector<256xf32>
    %reduce_min3A_40 = vector.multi_reduction <minimumf>, %select_n3A_38, %reduce_min3A_39 [1] : vector<256x2048xf32> to vector<256xf32>
    %broadcast_in_dim3A_41 = vector.shape_cast %reduce_min3A_40 : vector<256xf32> to vector<256x1xf32>
    %eq3A_42 = vector.broadcast %broadcast_in_dim3A_41 : vector<256x1xf32> to vector<256x2048xf32>
    %eq3A_43 = arith.cmpf oeq, %select_n3A_38, %eq3A_42 : vector<256x2048xf32>
    %jit3A_44 = arith.constant 4.096000e+03 : f32
    %broadcast_in_dim3A_45 = vector.broadcast %jit3A_44 : f32 to vector<256x2048xf32>
    %select_n3A_46 = arith.select %eq3A_43, %convert_element_type3A, %broadcast_in_dim3A_45 : vector<256x2048xi1>, vector<256x2048xf32>
    %reduce_min3A_47 = arith.constant dense<0x7F800000> : vector<256xf32>
    %reduce_min3A_48 = vector.multi_reduction <minimumf>, %select_n3A_46, %reduce_min3A_47 [1] : vector<256x2048xf32> to vector<256xf32>
    %broadcast_in_dim3A_49 = vector.shape_cast %reduce_min3A_48 : vector<256xf32> to vector<256x1xf32>
    %eq3A_50 = arith.constant 1 : i32
    %eq3A_51 = vector.broadcast %eq3A_50 : i32 to vector<256x16xi32>
    %eq3A_52 = arith.cmpi eq, %iota3A_18, %eq3A_51 : vector<256x16xi32>
    %broadcast_in_dim3A_53 = vector.shape_cast %broadcast_in_dim3A_49 : vector<256x1xf32> to vector<256x1xf32>
    %broadcast_in_dim3A_54 = vector.broadcast %broadcast_in_dim3A_53 : vector<256x1xf32> to vector<256x16xf32>
    %select_n3A_55 = arith.select %eq3A_52, %broadcast_in_dim3A_54, %select_n3A_33 : vector<256x16xi1>, vector<256x16xf32>
    %eq3A_56 = vector.broadcast %broadcast_in_dim3A_49 : vector<256x1xf32> to vector<256x2048xf32>
    %eq3A_57 = arith.cmpf oeq, %select_n3A_46, %eq3A_56 : vector<256x2048xf32>
    %jit3A_58 = arith.constant 0x7F800000 : f32
    %broadcast_in_dim3A_59 = vector.broadcast %jit3A_58 : f32 to vector<256x2048xf32>
    %select_n3A_60 = arith.select %eq3A_57, %broadcast_in_dim3A_59, %select_n3A_38 : vector<256x2048xi1>, vector<256x2048xf32>
    %reduce_min3A_61 = arith.constant dense<0x7F800000> : vector<256xf32>
    %reduce_min3A_62 = vector.multi_reduction <minimumf>, %select_n3A_60, %reduce_min3A_61 [1] : vector<256x2048xf32> to vector<256xf32>
    %broadcast_in_dim3A_63 = vector.shape_cast %reduce_min3A_62 : vector<256xf32> to vector<256x1xf32>
    %eq3A_64 = vector.broadcast %broadcast_in_dim3A_63 : vector<256x1xf32> to vector<256x2048xf32>
    %eq3A_65 = arith.cmpf oeq, %select_n3A_60, %eq3A_64 : vector<256x2048xf32>
    %jit3A_66 = arith.constant 4.096000e+03 : f32
    %broadcast_in_dim3A_67 = vector.broadcast %jit3A_66 : f32 to vector<256x2048xf32>
    %select_n3A_68 = arith.select %eq3A_65, %convert_element_type3A, %broadcast_in_dim3A_67 : vector<256x2048xi1>, vector<256x2048xf32>
    %reduce_min3A_69 = arith.constant dense<0x7F800000> : vector<256xf32>
    %reduce_min3A_70 = vector.multi_reduction <minimumf>, %select_n3A_68, %reduce_min3A_69 [1] : vector<256x2048xf32> to vector<256xf32>
    %broadcast_in_dim3A_71 = vector.shape_cast %reduce_min3A_70 : vector<256xf32> to vector<256x1xf32>
    %eq3A_72 = arith.constant 2 : i32
    %eq3A_73 = vector.broadcast %eq3A_72 : i32 to vector<256x16xi32>
    %eq3A_74 = arith.cmpi eq, %iota3A_18, %eq3A_73 : vector<256x16xi32>
    %broadcast_in_dim3A_75 = vector.shape_cast %broadcast_in_dim3A_71 : vector<256x1xf32> to vector<256x1xf32>
    %broadcast_in_dim3A_76 = vector.broadcast %broadcast_in_dim3A_75 : vector<256x1xf32> to vector<256x16xf32>
    %select_n3A_77 = arith.select %eq3A_74, %broadcast_in_dim3A_76, %select_n3A_55 : vector<256x16xi1>, vector<256x16xf32>
    %eq3A_78 = vector.broadcast %broadcast_in_dim3A_71 : vector<256x1xf32> to vector<256x2048xf32>
    %eq3A_79 = arith.cmpf oeq, %select_n3A_68, %eq3A_78 : vector<256x2048xf32>
    %jit3A_80 = arith.constant 0x7F800000 : f32
    %broadcast_in_dim3A_81 = vector.broadcast %jit3A_80 : f32 to vector<256x2048xf32>
    %select_n3A_82 = arith.select %eq3A_79, %broadcast_in_dim3A_81, %select_n3A_60 : vector<256x2048xi1>, vector<256x2048xf32>
    %reduce_min3A_83 = arith.constant dense<0x7F800000> : vector<256xf32>
    %reduce_min3A_84 = vector.multi_reduction <minimumf>, %select_n3A_82, %reduce_min3A_83 [1] : vector<256x2048xf32> to vector<256xf32>
    %broadcast_in_dim3A_85 = vector.shape_cast %reduce_min3A_84 : vector<256xf32> to vector<256x1xf32>
    %eq3A_86 = vector.broadcast %broadcast_in_dim3A_85 : vector<256x1xf32> to vector<256x2048xf32>
    %eq3A_87 = arith.cmpf oeq, %select_n3A_82, %eq3A_86 : vector<256x2048xf32>
    %jit3A_88 = arith.constant 4.096000e+03 : f32
    %broadcast_in_dim3A_89 = vector.broadcast %jit3A_88 : f32 to vector<256x2048xf32>
    %select_n3A_90 = arith.select %eq3A_87, %convert_element_type3A, %broadcast_in_dim3A_89 : vector<256x2048xi1>, vector<256x2048xf32>
    %reduce_min3A_91 = arith.constant dense<0x7F800000> : vector<256xf32>
    %reduce_min3A_92 = vector.multi_reduction <minimumf>, %select_n3A_90, %reduce_min3A_91 [1] : vector<256x2048xf32> to vector<256xf32>
    %broadcast_in_dim3A_93 = vector.shape_cast %reduce_min3A_92 : vector<256xf32> to vector<256x1xf32>
    %eq3A_94 = arith.constant 3 : i32
    %eq3A_95 = vector.broadcast %eq3A_94 : i32 to vector<256x16xi32>
    %eq3A_96 = arith.cmpi eq, %iota3A_18, %eq3A_95 : vector<256x16xi32>
    %broadcast_in_dim3A_97 = vector.shape_cast %broadcast_in_dim3A_93 : vector<256x1xf32> to vector<256x1xf32>
    %broadcast_in_dim3A_98 = vector.broadcast %broadcast_in_dim3A_97 : vector<256x1xf32> to vector<256x16xf32>
    %select_n3A_99 = arith.select %eq3A_96, %broadcast_in_dim3A_98, %select_n3A_77 : vector<256x16xi1>, vector<256x16xf32>
    %eq3A_100 = vector.broadcast %broadcast_in_dim3A_93 : vector<256x1xf32> to vector<256x2048xf32>
    %eq3A_101 = arith.cmpf oeq, %select_n3A_90, %eq3A_100 : vector<256x2048xf32>
    %jit3A_102 = arith.constant 0x7F800000 : f32
    %broadcast_in_dim3A_103 = vector.broadcast %jit3A_102 : f32 to vector<256x2048xf32>
    %select_n3A_104 = arith.select %eq3A_101, %broadcast_in_dim3A_103, %select_n3A_82 : vector<256x2048xi1>, vector<256x2048xf32>
    %reduce_min3A_105 = arith.constant dense<0x7F800000> : vector<256xf32>
    %reduce_min3A_106 = vector.multi_reduction <minimumf>, %select_n3A_104, %reduce_min3A_105 [1] : vector<256x2048xf32> to vector<256xf32>
    %broadcast_in_dim3A_107 = vector.shape_cast %reduce_min3A_106 : vector<256xf32> to vector<256x1xf32>
    %eq3A_108 = vector.broadcast %broadcast_in_dim3A_107 : vector<256x1xf32> to vector<256x2048xf32>
    %eq3A_109 = arith.cmpf oeq, %select_n3A_104, %eq3A_108 : vector<256x2048xf32>
    %jit3A_110 = arith.constant 4.096000e+03 : f32
    %broadcast_in_dim3A_111 = vector.broadcast %jit3A_110 : f32 to vector<256x2048xf32>
    %select_n3A_112 = arith.select %eq3A_109, %convert_element_type3A, %broadcast_in_dim3A_111 : vector<256x2048xi1>, vector<256x2048xf32>
    %reduce_min3A_113 = arith.constant dense<0x7F800000> : vector<256xf32>
    %reduce_min3A_114 = vector.multi_reduction <minimumf>, %select_n3A_112, %reduce_min3A_113 [1] : vector<256x2048xf32> to vector<256xf32>
    %broadcast_in_dim3A_115 = vector.shape_cast %reduce_min3A_114 : vector<256xf32> to vector<256x1xf32>
    %eq3A_116 = arith.constant 4 : i32
    %eq3A_117 = vector.broadcast %eq3A_116 : i32 to vector<256x16xi32>
    %eq3A_118 = arith.cmpi eq, %iota3A_18, %eq3A_117 : vector<256x16xi32>
    %broadcast_in_dim3A_119 = vector.shape_cast %broadcast_in_dim3A_115 : vector<256x1xf32> to vector<256x1xf32>
    %broadcast_in_dim3A_120 = vector.broadcast %broadcast_in_dim3A_119 : vector<256x1xf32> to vector<256x16xf32>
    %select_n3A_121 = arith.select %eq3A_118, %broadcast_in_dim3A_120, %select_n3A_99 : vector<256x16xi1>, vector<256x16xf32>
    %eq3A_122 = vector.broadcast %broadcast_in_dim3A_115 : vector<256x1xf32> to vector<256x2048xf32>
    %eq3A_123 = arith.cmpf oeq, %select_n3A_112, %eq3A_122 : vector<256x2048xf32>
    %jit3A_124 = arith.constant 0x7F800000 : f32
    %broadcast_in_dim3A_125 = vector.broadcast %jit3A_124 : f32 to vector<256x2048xf32>
    %select_n3A_126 = arith.select %eq3A_123, %broadcast_in_dim3A_125, %select_n3A_104 : vector<256x2048xi1>, vector<256x2048xf32>
    %reduce_min3A_127 = arith.constant dense<0x7F800000> : vector<256xf32>
    %reduce_min3A_128 = vector.multi_reduction <minimumf>, %select_n3A_126, %reduce_min3A_127 [1] : vector<256x2048xf32> to vector<256xf32>
    %broadcast_in_dim3A_129 = vector.shape_cast %reduce_min3A_128 : vector<256xf32> to vector<256x1xf32>
    %eq3A_130 = vector.broadcast %broadcast_in_dim3A_129 : vector<256x1xf32> to vector<256x2048xf32>
    %eq3A_131 = arith.cmpf oeq, %select_n3A_126, %eq3A_130 : vector<256x2048xf32>
    %jit3A_132 = arith.constant 4.096000e+03 : f32
    %broadcast_in_dim3A_133 = vector.broadcast %jit3A_132 : f32 to vector<256x2048xf32>
    %select_n3A_134 = arith.select %eq3A_131, %convert_element_type3A, %broadcast_in_dim3A_133 : vector<256x2048xi1>, vector<256x2048xf32>
    %reduce_min3A_135 = arith.constant dense<0x7F800000> : vector<256xf32>
    %reduce_min3A_136 = vector.multi_reduction <minimumf>, %select_n3A_134, %reduce_min3A_135 [1] : vector<256x2048xf32> to vector<256xf32>
    %broadcast_in_dim3A_137 = vector.shape_cast %reduce_min3A_136 : vector<256xf32> to vector<256x1xf32>
    %eq3A_138 = arith.constant 5 : i32
    %eq3A_139 = vector.broadcast %eq3A_138 : i32 to vector<256x16xi32>
    %eq3A_140 = arith.cmpi eq, %iota3A_18, %eq3A_139 : vector<256x16xi32>
    %broadcast_in_dim3A_141 = vector.shape_cast %broadcast_in_dim3A_137 : vector<256x1xf32> to vector<256x1xf32>
    %broadcast_in_dim3A_142 = vector.broadcast %broadcast_in_dim3A_141 : vector<256x1xf32> to vector<256x16xf32>
    %select_n3A_143 = arith.select %eq3A_140, %broadcast_in_dim3A_142, %select_n3A_121 : vector<256x16xi1>, vector<256x16xf32>
    %eq3A_144 = vector.broadcast %broadcast_in_dim3A_137 : vector<256x1xf32> to vector<256x2048xf32>
    %eq3A_145 = arith.cmpf oeq, %select_n3A_134, %eq3A_144 : vector<256x2048xf32>
    %jit3A_146 = arith.constant 0x7F800000 : f32
    %broadcast_in_dim3A_147 = vector.broadcast %jit3A_146 : f32 to vector<256x2048xf32>
    %select_n3A_148 = arith.select %eq3A_145, %broadcast_in_dim3A_147, %select_n3A_126 : vector<256x2048xi1>, vector<256x2048xf32>
    %reduce_min3A_149 = arith.constant dense<0x7F800000> : vector<256xf32>
    %reduce_min3A_150 = vector.multi_reduction <minimumf>, %select_n3A_148, %reduce_min3A_149 [1] : vector<256x2048xf32> to vector<256xf32>
    %broadcast_in_dim3A_151 = vector.shape_cast %reduce_min3A_150 : vector<256xf32> to vector<256x1xf32>
    %eq3A_152 = vector.broadcast %broadcast_in_dim3A_151 : vector<256x1xf32> to vector<256x2048xf32>
    %eq3A_153 = arith.cmpf oeq, %select_n3A_148, %eq3A_152 : vector<256x2048xf32>
    %jit3A_154 = arith.constant 4.096000e+03 : f32
    %broadcast_in_dim3A_155 = vector.broadcast %jit3A_154 : f32 to vector<256x2048xf32>
    %select_n3A_156 = arith.select %eq3A_153, %convert_element_type3A, %broadcast_in_dim3A_155 : vector<256x2048xi1>, vector<256x2048xf32>
    %reduce_min3A_157 = arith.constant dense<0x7F800000> : vector<256xf32>
    %reduce_min3A_158 = vector.multi_reduction <minimumf>, %select_n3A_156, %reduce_min3A_157 [1] : vector<256x2048xf32> to vector<256xf32>
    %broadcast_in_dim3A_159 = vector.shape_cast %reduce_min3A_158 : vector<256xf32> to vector<256x1xf32>
    %eq3A_160 = arith.constant 6 : i32
    %eq3A_161 = vector.broadcast %eq3A_160 : i32 to vector<256x16xi32>
    %eq3A_162 = arith.cmpi eq, %iota3A_18, %eq3A_161 : vector<256x16xi32>
    %broadcast_in_dim3A_163 = vector.shape_cast %broadcast_in_dim3A_159 : vector<256x1xf32> to vector<256x1xf32>
    %broadcast_in_dim3A_164 = vector.broadcast %broadcast_in_dim3A_163 : vector<256x1xf32> to vector<256x16xf32>
    %select_n3A_165 = arith.select %eq3A_162, %broadcast_in_dim3A_164, %select_n3A_143 : vector<256x16xi1>, vector<256x16xf32>
    %eq3A_166 = vector.broadcast %broadcast_in_dim3A_159 : vector<256x1xf32> to vector<256x2048xf32>
    %eq3A_167 = arith.cmpf oeq, %select_n3A_156, %eq3A_166 : vector<256x2048xf32>
    %jit3A_168 = arith.constant 0x7F800000 : f32
    %broadcast_in_dim3A_169 = vector.broadcast %jit3A_168 : f32 to vector<256x2048xf32>
    %select_n3A_170 = arith.select %eq3A_167, %broadcast_in_dim3A_169, %select_n3A_148 : vector<256x2048xi1>, vector<256x2048xf32>
    %reduce_min3A_171 = arith.constant dense<0x7F800000> : vector<256xf32>
    %reduce_min3A_172 = vector.multi_reduction <minimumf>, %select_n3A_170, %reduce_min3A_171 [1] : vector<256x2048xf32> to vector<256xf32>
    %broadcast_in_dim3A_173 = vector.shape_cast %reduce_min3A_172 : vector<256xf32> to vector<256x1xf32>
    %eq3A_174 = vector.broadcast %broadcast_in_dim3A_173 : vector<256x1xf32> to vector<256x2048xf32>
    %eq3A_175 = arith.cmpf oeq, %select_n3A_170, %eq3A_174 : vector<256x2048xf32>
    %jit3A_176 = arith.constant 4.096000e+03 : f32
    %broadcast_in_dim3A_177 = vector.broadcast %jit3A_176 : f32 to vector<256x2048xf32>
    %select_n3A_178 = arith.select %eq3A_175, %convert_element_type3A, %broadcast_in_dim3A_177 : vector<256x2048xi1>, vector<256x2048xf32>
    %reduce_min3A_179 = arith.constant dense<0x7F800000> : vector<256xf32>
    %reduce_min3A_180 = vector.multi_reduction <minimumf>, %select_n3A_178, %reduce_min3A_179 [1] : vector<256x2048xf32> to vector<256xf32>
    %broadcast_in_dim3A_181 = vector.shape_cast %reduce_min3A_180 : vector<256xf32> to vector<256x1xf32>
    %eq3A_182 = arith.constant 7 : i32
    %eq3A_183 = vector.broadcast %eq3A_182 : i32 to vector<256x16xi32>
    %eq3A_184 = arith.cmpi eq, %iota3A_18, %eq3A_183 : vector<256x16xi32>
    %broadcast_in_dim3A_185 = vector.shape_cast %broadcast_in_dim3A_181 : vector<256x1xf32> to vector<256x1xf32>
    %broadcast_in_dim3A_186 = vector.broadcast %broadcast_in_dim3A_185 : vector<256x1xf32> to vector<256x16xf32>
    %select_n3A_187 = arith.select %eq3A_184, %broadcast_in_dim3A_186, %select_n3A_165 : vector<256x16xi1>, vector<256x16xf32>
    %eq3A_188 = vector.broadcast %broadcast_in_dim3A_181 : vector<256x1xf32> to vector<256x2048xf32>
    %eq3A_189 = arith.cmpf oeq, %select_n3A_178, %eq3A_188 : vector<256x2048xf32>
    %jit3A_190 = arith.constant 0x7F800000 : f32
    %broadcast_in_dim3A_191 = vector.broadcast %jit3A_190 : f32 to vector<256x2048xf32>
    %select_n3A_192 = arith.select %eq3A_189, %broadcast_in_dim3A_191, %select_n3A_170 : vector<256x2048xi1>, vector<256x2048xf32>
    %reduce_min3A_193 = arith.constant dense<0x7F800000> : vector<256xf32>
    %reduce_min3A_194 = vector.multi_reduction <minimumf>, %select_n3A_192, %reduce_min3A_193 [1] : vector<256x2048xf32> to vector<256xf32>
    %broadcast_in_dim3A_195 = vector.shape_cast %reduce_min3A_194 : vector<256xf32> to vector<256x1xf32>
    %eq3A_196 = vector.broadcast %broadcast_in_dim3A_195 : vector<256x1xf32> to vector<256x2048xf32>
    %eq3A_197 = arith.cmpf oeq, %select_n3A_192, %eq3A_196 : vector<256x2048xf32>
    %jit3A_198 = arith.constant 4.096000e+03 : f32
    %broadcast_in_dim3A_199 = vector.broadcast %jit3A_198 : f32 to vector<256x2048xf32>
    %select_n3A_200 = arith.select %eq3A_197, %convert_element_type3A, %broadcast_in_dim3A_199 : vector<256x2048xi1>, vector<256x2048xf32>
    %reduce_min3A_201 = arith.constant dense<0x7F800000> : vector<256xf32>
    %reduce_min3A_202 = vector.multi_reduction <minimumf>, %select_n3A_200, %reduce_min3A_201 [1] : vector<256x2048xf32> to vector<256xf32>
    %broadcast_in_dim3A_203 = vector.shape_cast %reduce_min3A_202 : vector<256xf32> to vector<256x1xf32>
    %eq3A_204 = arith.constant 8 : i32
    %eq3A_205 = vector.broadcast %eq3A_204 : i32 to vector<256x16xi32>
    %eq3A_206 = arith.cmpi eq, %iota3A_18, %eq3A_205 : vector<256x16xi32>
    %broadcast_in_dim3A_207 = vector.shape_cast %broadcast_in_dim3A_203 : vector<256x1xf32> to vector<256x1xf32>
    %broadcast_in_dim3A_208 = vector.broadcast %broadcast_in_dim3A_207 : vector<256x1xf32> to vector<256x16xf32>
    %select_n3A_209 = arith.select %eq3A_206, %broadcast_in_dim3A_208, %select_n3A_187 : vector<256x16xi1>, vector<256x16xf32>
    %eq3A_210 = vector.broadcast %broadcast_in_dim3A_203 : vector<256x1xf32> to vector<256x2048xf32>
    %eq3A_211 = arith.cmpf oeq, %select_n3A_200, %eq3A_210 : vector<256x2048xf32>
    %jit3A_212 = arith.constant 0x7F800000 : f32
    %broadcast_in_dim3A_213 = vector.broadcast %jit3A_212 : f32 to vector<256x2048xf32>
    %select_n3A_214 = arith.select %eq3A_211, %broadcast_in_dim3A_213, %select_n3A_192 : vector<256x2048xi1>, vector<256x2048xf32>
    %reduce_min3A_215 = arith.constant dense<0x7F800000> : vector<256xf32>
    %reduce_min3A_216 = vector.multi_reduction <minimumf>, %select_n3A_214, %reduce_min3A_215 [1] : vector<256x2048xf32> to vector<256xf32>
    %broadcast_in_dim3A_217 = vector.shape_cast %reduce_min3A_216 : vector<256xf32> to vector<256x1xf32>
    %eq3A_218 = vector.broadcast %broadcast_in_dim3A_217 : vector<256x1xf32> to vector<256x2048xf32>
    %eq3A_219 = arith.cmpf oeq, %select_n3A_214, %eq3A_218 : vector<256x2048xf32>
    %jit3A_220 = arith.constant 4.096000e+03 : f32
    %broadcast_in_dim3A_221 = vector.broadcast %jit3A_220 : f32 to vector<256x2048xf32>
    %select_n3A_222 = arith.select %eq3A_219, %convert_element_type3A, %broadcast_in_dim3A_221 : vector<256x2048xi1>, vector<256x2048xf32>
    %reduce_min3A_223 = arith.constant dense<0x7F800000> : vector<256xf32>
    %reduce_min3A_224 = vector.multi_reduction <minimumf>, %select_n3A_222, %reduce_min3A_223 [1] : vector<256x2048xf32> to vector<256xf32>
    %broadcast_in_dim3A_225 = vector.shape_cast %reduce_min3A_224 : vector<256xf32> to vector<256x1xf32>
    %eq3A_226 = arith.constant 9 : i32
    %eq3A_227 = vector.broadcast %eq3A_226 : i32 to vector<256x16xi32>
    %eq3A_228 = arith.cmpi eq, %iota3A_18, %eq3A_227 : vector<256x16xi32>
    %broadcast_in_dim3A_229 = vector.shape_cast %broadcast_in_dim3A_225 : vector<256x1xf32> to vector<256x1xf32>
    %broadcast_in_dim3A_230 = vector.broadcast %broadcast_in_dim3A_229 : vector<256x1xf32> to vector<256x16xf32>
    %select_n3A_231 = arith.select %eq3A_228, %broadcast_in_dim3A_230, %select_n3A_209 : vector<256x16xi1>, vector<256x16xf32>
    %eq3A_232 = vector.broadcast %broadcast_in_dim3A_225 : vector<256x1xf32> to vector<256x2048xf32>
    %eq3A_233 = arith.cmpf oeq, %select_n3A_222, %eq3A_232 : vector<256x2048xf32>
    %jit3A_234 = arith.constant 0x7F800000 : f32
    %broadcast_in_dim3A_235 = vector.broadcast %jit3A_234 : f32 to vector<256x2048xf32>
    %select_n3A_236 = arith.select %eq3A_233, %broadcast_in_dim3A_235, %select_n3A_214 : vector<256x2048xi1>, vector<256x2048xf32>
    %reduce_min3A_237 = arith.constant dense<0x7F800000> : vector<256xf32>
    %reduce_min3A_238 = vector.multi_reduction <minimumf>, %select_n3A_236, %reduce_min3A_237 [1] : vector<256x2048xf32> to vector<256xf32>
    %broadcast_in_dim3A_239 = vector.shape_cast %reduce_min3A_238 : vector<256xf32> to vector<256x1xf32>
    %eq3A_240 = vector.broadcast %broadcast_in_dim3A_239 : vector<256x1xf32> to vector<256x2048xf32>
    %eq3A_241 = arith.cmpf oeq, %select_n3A_236, %eq3A_240 : vector<256x2048xf32>
    %jit3A_242 = arith.constant 4.096000e+03 : f32
    %broadcast_in_dim3A_243 = vector.broadcast %jit3A_242 : f32 to vector<256x2048xf32>
    %select_n3A_244 = arith.select %eq3A_241, %convert_element_type3A, %broadcast_in_dim3A_243 : vector<256x2048xi1>, vector<256x2048xf32>
    %reduce_min3A_245 = arith.constant dense<0x7F800000> : vector<256xf32>
    %reduce_min3A_246 = vector.multi_reduction <minimumf>, %select_n3A_244, %reduce_min3A_245 [1] : vector<256x2048xf32> to vector<256xf32>
    %broadcast_in_dim3A_247 = vector.shape_cast %reduce_min3A_246 : vector<256xf32> to vector<256x1xf32>
    %eq3A_248 = arith.constant 10 : i32
    %eq3A_249 = vector.broadcast %eq3A_248 : i32 to vector<256x16xi32>
    %eq3A_250 = arith.cmpi eq, %iota3A_18, %eq3A_249 : vector<256x16xi32>
    %broadcast_in_dim3A_251 = vector.shape_cast %broadcast_in_dim3A_247 : vector<256x1xf32> to vector<256x1xf32>
    %broadcast_in_dim3A_252 = vector.broadcast %broadcast_in_dim3A_251 : vector<256x1xf32> to vector<256x16xf32>
    %select_n3A_253 = arith.select %eq3A_250, %broadcast_in_dim3A_252, %select_n3A_231 : vector<256x16xi1>, vector<256x16xf32>
    %eq3A_254 = vector.broadcast %broadcast_in_dim3A_247 : vector<256x1xf32> to vector<256x2048xf32>
    %eq3A_255 = arith.cmpf oeq, %select_n3A_244, %eq3A_254 : vector<256x2048xf32>
    %jit3A_256 = arith.constant 0x7F800000 : f32
    %broadcast_in_dim3A_257 = vector.broadcast %jit3A_256 : f32 to vector<256x2048xf32>
    %select_n3A_258 = arith.select %eq3A_255, %broadcast_in_dim3A_257, %select_n3A_236 : vector<256x2048xi1>, vector<256x2048xf32>
    %reduce_min3A_259 = arith.constant dense<0x7F800000> : vector<256xf32>
    %reduce_min3A_260 = vector.multi_reduction <minimumf>, %select_n3A_258, %reduce_min3A_259 [1] : vector<256x2048xf32> to vector<256xf32>
    %broadcast_in_dim3A_261 = vector.shape_cast %reduce_min3A_260 : vector<256xf32> to vector<256x1xf32>
    %eq3A_262 = vector.broadcast %broadcast_in_dim3A_261 : vector<256x1xf32> to vector<256x2048xf32>
    %eq3A_263 = arith.cmpf oeq, %select_n3A_258, %eq3A_262 : vector<256x2048xf32>
    %jit3A_264 = arith.constant 4.096000e+03 : f32
    %broadcast_in_dim3A_265 = vector.broadcast %jit3A_264 : f32 to vector<256x2048xf32>
    %select_n3A_266 = arith.select %eq3A_263, %convert_element_type3A, %broadcast_in_dim3A_265 : vector<256x2048xi1>, vector<256x2048xf32>
    %reduce_min3A_267 = arith.constant dense<0x7F800000> : vector<256xf32>
    %reduce_min3A_268 = vector.multi_reduction <minimumf>, %select_n3A_266, %reduce_min3A_267 [1] : vector<256x2048xf32> to vector<256xf32>
    %broadcast_in_dim3A_269 = vector.shape_cast %reduce_min3A_268 : vector<256xf32> to vector<256x1xf32>
    %eq3A_270 = arith.constant 11 : i32
    %eq3A_271 = vector.broadcast %eq3A_270 : i32 to vector<256x16xi32>
    %eq3A_272 = arith.cmpi eq, %iota3A_18, %eq3A_271 : vector<256x16xi32>
    %broadcast_in_dim3A_273 = vector.shape_cast %broadcast_in_dim3A_269 : vector<256x1xf32> to vector<256x1xf32>
    %broadcast_in_dim3A_274 = vector.broadcast %broadcast_in_dim3A_273 : vector<256x1xf32> to vector<256x16xf32>
    %select_n3A_275 = arith.select %eq3A_272, %broadcast_in_dim3A_274, %select_n3A_253 : vector<256x16xi1>, vector<256x16xf32>
    %eq3A_276 = vector.broadcast %broadcast_in_dim3A_269 : vector<256x1xf32> to vector<256x2048xf32>
    %eq3A_277 = arith.cmpf oeq, %select_n3A_266, %eq3A_276 : vector<256x2048xf32>
    %jit3A_278 = arith.constant 0x7F800000 : f32
    %broadcast_in_dim3A_279 = vector.broadcast %jit3A_278 : f32 to vector<256x2048xf32>
    %select_n3A_280 = arith.select %eq3A_277, %broadcast_in_dim3A_279, %select_n3A_258 : vector<256x2048xi1>, vector<256x2048xf32>
    %reduce_min3A_281 = arith.constant dense<0x7F800000> : vector<256xf32>
    %reduce_min3A_282 = vector.multi_reduction <minimumf>, %select_n3A_280, %reduce_min3A_281 [1] : vector<256x2048xf32> to vector<256xf32>
    %broadcast_in_dim3A_283 = vector.shape_cast %reduce_min3A_282 : vector<256xf32> to vector<256x1xf32>
    %eq3A_284 = vector.broadcast %broadcast_in_dim3A_283 : vector<256x1xf32> to vector<256x2048xf32>
    %eq3A_285 = arith.cmpf oeq, %select_n3A_280, %eq3A_284 : vector<256x2048xf32>
    %jit3A_286 = arith.constant 4.096000e+03 : f32
    %broadcast_in_dim3A_287 = vector.broadcast %jit3A_286 : f32 to vector<256x2048xf32>
    %select_n3A_288 = arith.select %eq3A_285, %convert_element_type3A, %broadcast_in_dim3A_287 : vector<256x2048xi1>, vector<256x2048xf32>
    %reduce_min3A_289 = arith.constant dense<0x7F800000> : vector<256xf32>
    %reduce_min3A_290 = vector.multi_reduction <minimumf>, %select_n3A_288, %reduce_min3A_289 [1] : vector<256x2048xf32> to vector<256xf32>
    %broadcast_in_dim3A_291 = vector.shape_cast %reduce_min3A_290 : vector<256xf32> to vector<256x1xf32>
    %eq3A_292 = arith.constant 12 : i32
    %eq3A_293 = vector.broadcast %eq3A_292 : i32 to vector<256x16xi32>
    %eq3A_294 = arith.cmpi eq, %iota3A_18, %eq3A_293 : vector<256x16xi32>
    %broadcast_in_dim3A_295 = vector.shape_cast %broadcast_in_dim3A_291 : vector<256x1xf32> to vector<256x1xf32>
    %broadcast_in_dim3A_296 = vector.broadcast %broadcast_in_dim3A_295 : vector<256x1xf32> to vector<256x16xf32>
    %select_n3A_297 = arith.select %eq3A_294, %broadcast_in_dim3A_296, %select_n3A_275 : vector<256x16xi1>, vector<256x16xf32>
    %eq3A_298 = vector.broadcast %broadcast_in_dim3A_291 : vector<256x1xf32> to vector<256x2048xf32>
    %eq3A_299 = arith.cmpf oeq, %select_n3A_288, %eq3A_298 : vector<256x2048xf32>
    %jit3A_300 = arith.constant 0x7F800000 : f32
    %broadcast_in_dim3A_301 = vector.broadcast %jit3A_300 : f32 to vector<256x2048xf32>
    %select_n3A_302 = arith.select %eq3A_299, %broadcast_in_dim3A_301, %select_n3A_280 : vector<256x2048xi1>, vector<256x2048xf32>
    %reduce_min3A_303 = arith.constant dense<0x7F800000> : vector<256xf32>
    %reduce_min3A_304 = vector.multi_reduction <minimumf>, %select_n3A_302, %reduce_min3A_303 [1] : vector<256x2048xf32> to vector<256xf32>
    %broadcast_in_dim3A_305 = vector.shape_cast %reduce_min3A_304 : vector<256xf32> to vector<256x1xf32>
    %eq3A_306 = vector.broadcast %broadcast_in_dim3A_305 : vector<256x1xf32> to vector<256x2048xf32>
    %eq3A_307 = arith.cmpf oeq, %select_n3A_302, %eq3A_306 : vector<256x2048xf32>
    %jit3A_308 = arith.constant 4.096000e+03 : f32
    %broadcast_in_dim3A_309 = vector.broadcast %jit3A_308 : f32 to vector<256x2048xf32>
    %select_n3A_310 = arith.select %eq3A_307, %convert_element_type3A, %broadcast_in_dim3A_309 : vector<256x2048xi1>, vector<256x2048xf32>
    %reduce_min3A_311 = arith.constant dense<0x7F800000> : vector<256xf32>
    %reduce_min3A_312 = vector.multi_reduction <minimumf>, %select_n3A_310, %reduce_min3A_311 [1] : vector<256x2048xf32> to vector<256xf32>
    %broadcast_in_dim3A_313 = vector.shape_cast %reduce_min3A_312 : vector<256xf32> to vector<256x1xf32>
    %eq3A_314 = arith.constant 13 : i32
    %eq3A_315 = vector.broadcast %eq3A_314 : i32 to vector<256x16xi32>
    %eq3A_316 = arith.cmpi eq, %iota3A_18, %eq3A_315 : vector<256x16xi32>
    %broadcast_in_dim3A_317 = vector.shape_cast %broadcast_in_dim3A_313 : vector<256x1xf32> to vector<256x1xf32>
    %broadcast_in_dim3A_318 = vector.broadcast %broadcast_in_dim3A_317 : vector<256x1xf32> to vector<256x16xf32>
    %select_n3A_319 = arith.select %eq3A_316, %broadcast_in_dim3A_318, %select_n3A_297 : vector<256x16xi1>, vector<256x16xf32>
    %eq3A_320 = vector.broadcast %broadcast_in_dim3A_313 : vector<256x1xf32> to vector<256x2048xf32>
    %eq3A_321 = arith.cmpf oeq, %select_n3A_310, %eq3A_320 : vector<256x2048xf32>
    %jit3A_322 = arith.constant 0x7F800000 : f32
    %broadcast_in_dim3A_323 = vector.broadcast %jit3A_322 : f32 to vector<256x2048xf32>
    %select_n3A_324 = arith.select %eq3A_321, %broadcast_in_dim3A_323, %select_n3A_302 : vector<256x2048xi1>, vector<256x2048xf32>
    %reduce_min3A_325 = arith.constant dense<0x7F800000> : vector<256xf32>
    %reduce_min3A_326 = vector.multi_reduction <minimumf>, %select_n3A_324, %reduce_min3A_325 [1] : vector<256x2048xf32> to vector<256xf32>
    %broadcast_in_dim3A_327 = vector.shape_cast %reduce_min3A_326 : vector<256xf32> to vector<256x1xf32>
    %eq3A_328 = vector.broadcast %broadcast_in_dim3A_327 : vector<256x1xf32> to vector<256x2048xf32>
    %eq3A_329 = arith.cmpf oeq, %select_n3A_324, %eq3A_328 : vector<256x2048xf32>
    %jit3A_330 = arith.constant 4.096000e+03 : f32
    %broadcast_in_dim3A_331 = vector.broadcast %jit3A_330 : f32 to vector<256x2048xf32>
    %select_n3A_332 = arith.select %eq3A_329, %convert_element_type3A, %broadcast_in_dim3A_331 : vector<256x2048xi1>, vector<256x2048xf32>
    %reduce_min3A_333 = arith.constant dense<0x7F800000> : vector<256xf32>
    %reduce_min3A_334 = vector.multi_reduction <minimumf>, %select_n3A_332, %reduce_min3A_333 [1] : vector<256x2048xf32> to vector<256xf32>
    %broadcast_in_dim3A_335 = vector.shape_cast %reduce_min3A_334 : vector<256xf32> to vector<256x1xf32>
    %eq3A_336 = arith.constant 14 : i32
    %eq3A_337 = vector.broadcast %eq3A_336 : i32 to vector<256x16xi32>
    %eq3A_338 = arith.cmpi eq, %iota3A_18, %eq3A_337 : vector<256x16xi32>
    %broadcast_in_dim3A_339 = vector.shape_cast %broadcast_in_dim3A_335 : vector<256x1xf32> to vector<256x1xf32>
    %broadcast_in_dim3A_340 = vector.broadcast %broadcast_in_dim3A_339 : vector<256x1xf32> to vector<256x16xf32>
    %select_n3A_341 = arith.select %eq3A_338, %broadcast_in_dim3A_340, %select_n3A_319 : vector<256x16xi1>, vector<256x16xf32>
    %eq3A_342 = vector.broadcast %broadcast_in_dim3A_335 : vector<256x1xf32> to vector<256x2048xf32>
    %eq3A_343 = arith.cmpf oeq, %select_n3A_332, %eq3A_342 : vector<256x2048xf32>
    %jit3A_344 = arith.constant 0x7F800000 : f32
    %broadcast_in_dim3A_345 = vector.broadcast %jit3A_344 : f32 to vector<256x2048xf32>
    %select_n3A_346 = arith.select %eq3A_343, %broadcast_in_dim3A_345, %select_n3A_324 : vector<256x2048xi1>, vector<256x2048xf32>
    %reduce_min3A_347 = arith.constant dense<0x7F800000> : vector<256xf32>
    %reduce_min3A_348 = vector.multi_reduction <minimumf>, %select_n3A_346, %reduce_min3A_347 [1] : vector<256x2048xf32> to vector<256xf32>
    %broadcast_in_dim3A_349 = vector.shape_cast %reduce_min3A_348 : vector<256xf32> to vector<256x1xf32>
    %eq3A_350 = vector.broadcast %broadcast_in_dim3A_349 : vector<256x1xf32> to vector<256x2048xf32>
    %eq3A_351 = arith.cmpf oeq, %select_n3A_346, %eq3A_350 : vector<256x2048xf32>
    %jit3A_352 = arith.constant 4.096000e+03 : f32
    %broadcast_in_dim3A_353 = vector.broadcast %jit3A_352 : f32 to vector<256x2048xf32>
    %select_n3A_354 = arith.select %eq3A_351, %convert_element_type3A, %broadcast_in_dim3A_353 : vector<256x2048xi1>, vector<256x2048xf32>
    %reduce_min3A_355 = arith.constant dense<0x7F800000> : vector<256xf32>
    %reduce_min3A_356 = vector.multi_reduction <minimumf>, %select_n3A_354, %reduce_min3A_355 [1] : vector<256x2048xf32> to vector<256xf32>
    %broadcast_in_dim3A_357 = vector.shape_cast %reduce_min3A_356 : vector<256xf32> to vector<256x1xf32>
    %eq3A_358 = arith.constant 15 : i32
    %eq3A_359 = vector.broadcast %eq3A_358 : i32 to vector<256x16xi32>
    %eq3A_360 = arith.cmpi eq, %iota3A_18, %eq3A_359 : vector<256x16xi32>
    %broadcast_in_dim3A_361 = vector.shape_cast %broadcast_in_dim3A_357 : vector<256x1xf32> to vector<256x1xf32>
    %broadcast_in_dim3A_362 = vector.broadcast %broadcast_in_dim3A_361 : vector<256x1xf32> to vector<256x16xf32>
    %select_n3A_363 = arith.select %eq3A_360, %broadcast_in_dim3A_362, %select_n3A_341 : vector<256x16xi1>, vector<256x16xf32>
    %convert_element_type3A_364 = arith.fptosi %select_n3A_363 : vector<256x16xf32> to vector<256x16xi32>
    %add3A_365 = arith.constant 0 : i32
    %add3A_366 = vector.broadcast %add3A_365 : i32 to vector<256x16xi32>
    %add3A_367 = arith.addi %convert_element_type3A_364, %add3A_366 : vector<256x16xi32>
    %swap3A = arith.constant 0 : index
    %swap3A_368 = arith.constant 0 : index
    %swap3A_369 = vector.load %arg3[%swap3A, %swap3A_368] : memref<256x16xi32, #tpu.memory_space<vmem>>, vector<256x16xi32>
    tpu.vector_store %arg3[%swap3A, %swap3A_368], %add3A_367 {strides = array<i32>} : memref<256x16xi32, #tpu.memory_space<vmem>>, vector<256x16xi32>,
    return
  }
  func.func @transform_0(%arg0: i32) -> (i32, i32) {
    %c0_i32 = arith.constant 0 : i32
    %c0_i32_0 = arith.constant 0 : i32
    return %arg0, %c0_i32 : i32, i32
  }
  func.func @transform_1(%arg0: i32) -> (i32, i32, i32) {
    %c0_i32 = arith.constant 0 : i32
    %c0_i32_0 = arith.constant 0 : i32
    %c0_i32_1 = arith.constant 0 : i32
    %c0_i32_2 = arith.constant 0 : i32
    return %c0_i32, %c0_i32_0, %c0_i32_1 : i32, i32, i32
  }
  func.func @transform_2(%arg0: i32) -> (i32, i32) {
    %c0_i32 = arith.constant 0 : i32
    %c0_i32_0 = arith.constant 0 : i32
    return %arg0, %c0_i32 : i32, i32
  }
}

module attributes {stable_mosaic.version = 14 : i64} {
  func.func @body(%arg0: i32, %arg1: memref<512x128xf32, #tpu.memory_space<vmem>>, %arg2: memref<512x128xf32, #tpu.memory_space<vmem>>, %arg3: memref<128x512xf32, #tpu.memory_space<vmem>>, %arg4: memref<1x512xf32, #tpu.memory_space<vmem>>, %arg5: memref<512x512xf32, #tpu.memory_space<vmem>>, %arg6: memref<512x512xf32, #tpu.memory_space<vmem>>, %arg7: memref<512x512xf32, #tpu.memory_space<vmem>>, %arg8: memref<512x512xf32, #tpu.memory_space<vmem>>, %arg9: memref<512x512xi32, #tpu.memory_space<vmem>>, %arg10: memref<512x128xf32, #tpu.memory_space<vmem>>) attributes {dimension_semantics = [#tpu.dimension_semantics<arbitrary>], iteration_bounds = array<i64: 8>, scalar_prefetch = 0 : i64, scratch_operands = 0 : i64, tpu.core_type = #tpu.core_type<tc>, window_params = [{transform_indices = @transform_0, window_bounds = array<i64: 512, 128>}, {transform_indices = @transform_1, window_bounds = array<i64: 512, 128>}, {pipeline_mode = #tpu.pipeline_mode<synchronous>, transform_indices = @transform_2, window_bounds = array<i64: 128, 512>}, {pipeline_mode = #tpu.pipeline_mode<synchronous>, transform_indices = @transform_3, window_bounds = array<i64: 1, 512>}, {pipeline_mode = #tpu.pipeline_mode<synchronous>, transform_indices = @transform_4, window_bounds = array<i64: 512, 512>}, {pipeline_mode = #tpu.pipeline_mode<synchronous>, transform_indices = @transform_5, window_bounds = array<i64: 512, 512>}, {pipeline_mode = #tpu.pipeline_mode<synchronous>, transform_indices = @transform_6, window_bounds = array<i64: 512, 512>}, {transform_indices = @transform_7, window_bounds = array<i64: 512, 512>}, {transform_indices = @transform_8, window_bounds = array<i64: 512, 512>}, {transform_indices = @transform_9, window_bounds = array<i64: 512, 128>}]} {
    %get3A = arith.constant 0 : index
    %get3A_0 = arith.constant 0 : index
    %get3A_1 = vector.load %arg1[%get3A, %get3A_0] : memref<512x128xf32, #tpu.memory_space<vmem>>, vector<512x128xf32>
    %get3A_2 = arith.constant 0 : index
    %get3A_3 = arith.constant 0 : index
    %get3A_4 = vector.load %arg3[%get3A_2, %get3A_3] : memref<128x512xf32, #tpu.memory_space<vmem>>, vector<128x512xf32>
    %dot_general3A = arith.constant dense<0.000000e+00> : vector<512x512xf32>
    %dot_general3A_5 = tpu.matmul %get3A_1, %get3A_4, %dot_general3A {dimension_numbers = #tpu.dot_dimension_numbers<[1], [0], [0], [1], [0, 0, 1, 1], [], []>, transpose_lhs_hint = false} : vector<512x128xf32>, vector<128x512xf32>, vector<512x512xf32> -> vector<512x512xf32>
    %get3A_6 = arith.constant 0 : index
    %get3A_7 = arith.constant 0 : index
    %get3A_8 = vector.load %arg4[%get3A_6, %get3A_7] : memref<1x512xf32, #tpu.memory_space<vmem>>, vector<1x512xf32>
    %add3A = vector.broadcast %get3A_8 : vector<1x512xf32> to vector<512x512xf32>
    %add3A_9 = arith.addf %dot_general3A_5, %add3A : vector<512x512xf32>
    %get3A_10 = arith.constant 0 : index
    %get3A_11 = arith.constant 0 : index
    %get3A_12 = vector.load %arg5[%get3A_10, %get3A_11] : memref<512x512xf32, #tpu.memory_space<vmem>>, vector<512x512xf32>
    %dot_general3A_13 = arith.constant dense<0.000000e+00> : vector<512x512xf32>
    %dot_general3A_14 = tpu.matmul %add3A_9, %get3A_12, %dot_general3A_13 {dimension_numbers = #tpu.dot_dimension_numbers<[1], [0], [0], [1], [0, 0, 1, 1], [], []>, transpose_lhs_hint = false} : vector<512x512xf32>, vector<512x512xf32>, vector<512x512xf32> -> vector<512x512xf32>
    %swap3A = arith.constant 0 : index
    %swap3A_15 = arith.constant 0 : index
    %swap3A_16 = vector.load %arg8[%swap3A, %swap3A_15] : memref<512x512xf32, #tpu.memory_space<vmem>>, vector<512x512xf32>
    tpu.vector_store %arg8[%swap3A, %swap3A_15], %dot_general3A_14 {strides = array<i32>} : memref<512x512xf32, #tpu.memory_space<vmem>>, vector<512x512xf32>,
    %get3A_17 = arith.constant 0 : index
    %get3A_18 = arith.constant 0 : index
    %get3A_19 = vector.load %arg6[%get3A_17, %get3A_18] : memref<512x512xf32, #tpu.memory_space<vmem>>, vector<512x512xf32>
    %dot_general3A_20 = arith.constant dense<0.000000e+00> : vector<512x512xf32>
    %dot_general3A_21 = tpu.matmul %add3A_9, %get3A_19, %dot_general3A_20 {dimension_numbers = #tpu.dot_dimension_numbers<[1], [0], [0], [1], [0, 0, 1, 1], [], []>, transpose_lhs_hint = false} : vector<512x512xf32>, vector<512x512xf32>, vector<512x512xf32> -> vector<512x512xf32>
    %get3A_22 = arith.constant 0 : index
    %get3A_23 = arith.constant 0 : index
    %get3A_24 = vector.load %arg7[%get3A_22, %get3A_23] : memref<512x512xf32, #tpu.memory_space<vmem>>, vector<512x512xf32>
    %dot_general3A_25 = arith.constant dense<0.000000e+00> : vector<512x512xf32>
    %dot_general3A_26 = tpu.matmul %add3A_9, %get3A_24, %dot_general3A_25 {dimension_numbers = #tpu.dot_dimension_numbers<[1], [0], [0], [1], [0, 0, 1, 1], [], []>, transpose_lhs_hint = false} : vector<512x512xf32>, vector<512x512xf32>, vector<512x512xf32> -> vector<512x512xf32>
    %bitcast_convert_type3A = tpu.bitcast %dot_general3A_21 : vector<512x512xf32> -> vector<512x512xi32>
    %add3A_27 = arith.constant 32767 : i32
    %add3A_28 = vector.broadcast %add3A_27 : i32 to vector<512x512xi32>
    %add3A_29 = arith.addi %bitcast_convert_type3A, %add3A_28 : vector<512x512xi32>
    %shift_right_logical3A = arith.constant 16 : i32
    %shift_right_logical3A_30 = vector.broadcast %shift_right_logical3A : i32 to vector<512x512xi32>
    %shift_right_logical3A_31 = arith.shrui %bitcast_convert_type3A, %shift_right_logical3A_30 : vector<512x512xi32>
    %and3A = arith.constant 1 : i32
    %and3A_32 = vector.broadcast %and3A : i32 to vector<512x512xi32>
    %and3A_33 = arith.andi %shift_right_logical3A_31, %and3A_32 : vector<512x512xi32>
    %add3A_34 = arith.addi %add3A_29, %and3A_33 : vector<512x512xi32>
    %and3A_35 = arith.constant -65536 : i32
    %and3A_36 = vector.broadcast %and3A_35 : i32 to vector<512x512xi32>
    %and3A_37 = arith.andi %add3A_34, %and3A_36 : vector<512x512xi32>
    %bitcast_convert_type3A_38 = tpu.bitcast %dot_general3A_26 : vector<512x512xf32> -> vector<512x512xi32>
    %add3A_39 = arith.constant 32767 : i32
    %add3A_40 = vector.broadcast %add3A_39 : i32 to vector<512x512xi32>
    %add3A_41 = arith.addi %bitcast_convert_type3A_38, %add3A_40 : vector<512x512xi32>
    %shift_right_logical3A_42 = arith.constant 16 : i32
    %shift_right_logical3A_43 = vector.broadcast %shift_right_logical3A_42 : i32 to vector<512x512xi32>
    %shift_right_logical3A_44 = arith.shrui %bitcast_convert_type3A_38, %shift_right_logical3A_43 : vector<512x512xi32>
    %and3A_45 = arith.constant 1 : i32
    %and3A_46 = vector.broadcast %and3A_45 : i32 to vector<512x512xi32>
    %and3A_47 = arith.andi %shift_right_logical3A_44, %and3A_46 : vector<512x512xi32>
    %add3A_48 = arith.addi %add3A_41, %and3A_47 : vector<512x512xi32>
    %and3A_49 = arith.constant -65536 : i32
    %and3A_50 = vector.broadcast %and3A_49 : i32 to vector<512x512xi32>
    %and3A_51 = arith.andi %add3A_48, %and3A_50 : vector<512x512xi32>
    %shift_right_logical3A_52 = arith.constant 16 : i32
    %shift_right_logical3A_53 = vector.broadcast %shift_right_logical3A_52 : i32 to vector<512x512xi32>
    %shift_right_logical3A_54 = arith.shrui %and3A_51, %shift_right_logical3A_53 : vector<512x512xi32>
    %or3A = arith.ori %and3A_37, %shift_right_logical3A_54 : vector<512x512xi32>
    %bitcast_convert_type3A_55 = tpu.bitcast %or3A : vector<512x512xi32> -> vector<512x512xi32>
    %swap3A_56 = arith.constant 0 : index
    %swap3A_57 = arith.constant 0 : index
    %swap3A_58 = vector.load %arg9[%swap3A_56, %swap3A_57] : memref<512x512xi32, #tpu.memory_space<vmem>>, vector<512x512xi32>
    tpu.vector_store %arg9[%swap3A_56, %swap3A_57], %bitcast_convert_type3A_55 {strides = array<i32>} : memref<512x512xi32, #tpu.memory_space<vmem>>, vector<512x512xi32>,
    %mul3A = arith.mulf %dot_general3A_21, %dot_general3A_21 : vector<512x512xf32>
    %reduce_sum3A = arith.constant dense<0.000000e+00> : vector<512xf32>
    %reduce_sum3A_59 = vector.multi_reduction <add>, %mul3A, %reduce_sum3A [1] : vector<512x512xf32> to vector<512xf32>
    %broadcast_in_dim3A = vector.shape_cast %reduce_sum3A_59 : vector<512xf32> to vector<512x1xf32>
    %sqrt3A = math.sqrt %broadcast_in_dim3A : vector<512x1xf32>
    %max3A = arith.constant 9.99999993E-9 : f32
    %max3A_60 = vector.broadcast %max3A : f32 to vector<512x1xf32>
    %max3A_61 = arith.maximumf %sqrt3A, %max3A_60 : vector<512x1xf32>
    %iota3A = tpu.iota {dimensions = array<i32: 1>} : vector<512x128xi32>
    %eq3A = arith.constant 3 : i32
    %eq3A_62 = vector.broadcast %eq3A : i32 to vector<512x128xi32>
    %eq3A_63 = arith.cmpi eq, %iota3A, %eq3A_62 : vector<512x128xi32>
    %div3A = arith.constant 1.000000e+00 : f32
    %div3A_64 = vector.broadcast %div3A : f32 to vector<512x1xf32>
    %div3A_65 = arith.divf %div3A_64, %max3A_61 : vector<512x1xf32>
    %broadcast_in_dim3A_66 = vector.shape_cast %div3A_65 : vector<512x1xf32> to vector<512x1xf32>
    %broadcast_in_dim3A_67 = vector.broadcast %broadcast_in_dim3A_66 : vector<512x1xf32> to vector<512x128xf32>
    %get3A_68 = arith.constant 0 : index
    %get3A_69 = arith.constant 0 : index
    %get3A_70 = vector.load %arg2[%get3A_68, %get3A_69] : memref<512x128xf32, #tpu.memory_space<vmem>>, vector<512x128xf32>
    %select_n3A = arith.select %eq3A_63, %broadcast_in_dim3A_67, %get3A_70 : vector<512x128xi1>, vector<512x128xf32>
    %swap3A_71 = arith.constant 0 : index
    %swap3A_72 = arith.constant 0 : index
    %swap3A_73 = vector.load %arg10[%swap3A_71, %swap3A_72] : memref<512x128xf32, #tpu.memory_space<vmem>>, vector<512x128xf32>
    tpu.vector_store %arg10[%swap3A_71, %swap3A_72], %select_n3A {strides = array<i32>} : memref<512x128xf32, #tpu.memory_space<vmem>>, vector<512x128xf32>,
    return
  }
  func.func @transform_0(%arg0: i32) -> (i32, i32) {
    %c0_i32 = arith.constant 0 : i32
    %c0_i32_0 = arith.constant 0 : i32
    return %arg0, %c0_i32 : i32, i32
  }
  func.func @transform_1(%arg0: i32) -> (i32, i32) {
    %c0_i32 = arith.constant 0 : i32
    %c0_i32_0 = arith.constant 0 : i32
    return %arg0, %c0_i32 : i32, i32
  }
  func.func @transform_2(%arg0: i32) -> (i32, i32) {
    %c0_i32 = arith.constant 0 : i32
    %c0_i32_0 = arith.constant 0 : i32
    %c0_i32_1 = arith.constant 0 : i32
    return %c0_i32, %c0_i32_0 : i32, i32
  }
  func.func @transform_3(%arg0: i32) -> (i32, i32) {
    %c0_i32 = arith.constant 0 : i32
    %c0_i32_0 = arith.constant 0 : i32
    %c0_i32_1 = arith.constant 0 : i32
    return %c0_i32, %c0_i32_0 : i32, i32
  }
  func.func @transform_4(%arg0: i32) -> (i32, i32) {
    %c0_i32 = arith.constant 0 : i32
    %c0_i32_0 = arith.constant 0 : i32
    %c0_i32_1 = arith.constant 0 : i32
    return %c0_i32, %c0_i32_0 : i32, i32
  }
  func.func @transform_5(%arg0: i32) -> (i32, i32) {
    %c0_i32 = arith.constant 0 : i32
    %c0_i32_0 = arith.constant 0 : i32
    %c0_i32_1 = arith.constant 0 : i32
    return %c0_i32, %c0_i32_0 : i32, i32
  }
  func.func @transform_6(%arg0: i32) -> (i32, i32) {
    %c0_i32 = arith.constant 0 : i32
    %c0_i32_0 = arith.constant 0 : i32
    %c0_i32_1 = arith.constant 0 : i32
    return %c0_i32, %c0_i32_0 : i32, i32
  }
  func.func @transform_7(%arg0: i32) -> (i32, i32) {
    %c0_i32 = arith.constant 0 : i32
    %c0_i32_0 = arith.constant 0 : i32
    return %arg0, %c0_i32 : i32, i32
  }
  func.func @transform_8(%arg0: i32) -> (i32, i32) {
    %c0_i32 = arith.constant 0 : i32
    %c0_i32_0 = arith.constant 0 : i32
    return %arg0, %c0_i32 : i32, i32
  }
  func.func @transform_9(%arg0: i32) -> (i32, i32) {
    %c0_i32 = arith.constant 0 : i32
    %c0_i32_0 = arith.constant 0 : i32
    return %arg0, %c0_i32 : i32, i32
  }
}

module attributes {stable_mosaic.version = 14 : i64} {
  func.func @body(%arg0: i32, %arg1: memref<256x8xf32, #tpu.memory_space<vmem>>, %arg2: memref<1x8x2048xf32, #tpu.memory_space<vmem>>, %arg3: memref<256x16xi32, #tpu.memory_space<vmem>>) attributes {dimension_semantics = [#tpu.dimension_semantics<arbitrary>], iteration_bounds = array<i64: 8>, scalar_prefetch = 0 : i64, scratch_operands = 0 : i64, tpu.core_type = #tpu.core_type<tc>, window_params = [{transform_indices = @transform_0, window_bounds = array<i64: 256, 8>}, {pipeline_mode = #tpu.pipeline_mode<synchronous>, transform_indices = @transform_1, window_bounds = array<i64: 1, 8, 2048>}, {transform_indices = @transform_2, window_bounds = array<i64: 256, 16>}]} {
    %get3A = arith.constant 0 : index
    %get3A_0 = arith.constant 0 : index
    %get3A_1 = vector.load %arg1[%get3A, %get3A_0] : memref<256x8xf32, #tpu.memory_space<vmem>>, vector<256x8xf32>
    %get3A_2 = arith.constant 0 : index
    %get3A_3 = arith.constant 0 : index
    %get3A_4 = arith.constant 0 : index
    %get3A_5 = vector.load %arg2[%get3A_2, %get3A_3, %get3A_4] : memref<1x8x2048xf32, #tpu.memory_space<vmem>>, vector<1x8x2048xf32>
    %get3A_6 = vector.shape_cast %get3A_5 : vector<1x8x2048xf32> to vector<8x2048xf32>
    %mul3A = arith.mulf %get3A_1, %get3A_1 : vector<256x8xf32>
    %reduce_sum3A = arith.constant dense<0.000000e+00> : vector<256xf32>
    %reduce_sum3A_7 = vector.multi_reduction <add>, %mul3A, %reduce_sum3A [1] : vector<256x8xf32> to vector<256xf32>
    %broadcast_in_dim3A = vector.shape_cast %reduce_sum3A_7 : vector<256xf32> to vector<256x1xf32>
    %mul3A_8 = arith.mulf %get3A_6, %get3A_6 : vector<8x2048xf32>
    %reduce_sum3A_9 = arith.constant dense<0.000000e+00> : vector<2048xf32>
    %reduce_sum3A_10 = vector.multi_reduction <add>, %mul3A_8, %reduce_sum3A_9 [0] : vector<8x2048xf32> to vector<2048xf32>
    %broadcast_in_dim3A_11 = vector.shape_cast %reduce_sum3A_10 : vector<2048xf32> to vector<1x2048xf32>
    %dot_general3A = arith.constant dense<0.000000e+00> : vector<256x2048xf32>
    %dot_general3A_12 = tpu.matmul %get3A_1, %get3A_6, %dot_general3A {dimension_numbers = #tpu.dot_dimension_numbers<[1], [0], [0], [1], [0, 0, 1, 1], [], []>, transpose_lhs_hint = false} : vector<256x8xf32>, vector<8x2048xf32>, vector<256x2048xf32> -> vector<256x2048xf32>
    %add3A = vector.broadcast %broadcast_in_dim3A : vector<256x1xf32> to vector<256x2048xf32>
    %add3A_13 = vector.broadcast %broadcast_in_dim3A_11 : vector<1x2048xf32> to vector<256x2048xf32>
    %add3A_14 = arith.addf %add3A, %add3A_13 : vector<256x2048xf32>
    %mul3A_15 = arith.constant 2.000000e+00 : f32
    %mul3A_16 = vector.broadcast %mul3A_15 : f32 to vector<256x2048xf32>
    %mul3A_17 = arith.mulf %mul3A_16, %dot_general3A_12 : vector<256x2048xf32>
    %sub3A = arith.subf %add3A_14, %mul3A_17 : vector<256x2048xf32>
    %iota3A = tpu.iota {dimensions = array<i32: 1>} : vector<256x2048xi32>
    %convert_element_type3A = arith.sitofp %iota3A : vector<256x2048xi32> to vector<256x2048xf32>
    %iota3A_18 = tpu.iota {dimensions = array<i32: 1>} : vector<256x16xi32>
    %broadcast_in_dim3A_19 = arith.constant 0.000000e+00 : f32
    %broadcast_in_dim3A_20 = vector.broadcast %broadcast_in_dim3A_19 : f32 to vector<256x16xf32>
    %reduce_min3A = arith.constant dense<0x7F800000> : vector<256xf32>
    %reduce_min3A_21 = vector.multi_reduction <minimumf>, %sub3A, %reduce_min3A [1] : vector<256x2048xf32> to vector<256xf32>
    %broadcast_in_dim3A_22 = vector.shape_cast %reduce_min3A_21 : vector<256xf32> to vector<256x1xf32>
    %eq3A = vector.broadcast %broadcast_in_dim3A_22 : vector<256x1xf32> to vector<256x2048xf32>
    %eq3A_23 = arith.cmpf oeq, %sub3A, %eq3A : vector<256x2048xf32>
    %jit3A = arith.constant 4.096000e+03 : f32
    %broadcast_in_dim3A_24 = vector.broadcast %jit3A : f32 to vector<256x2048xf32>
    %select_n3A = arith.select %eq3A_23, %convert_element_type3A, %broadcast_in_dim3A_24 : vector<256x2048xi1>, vector<256x2048xf32>
    %reduce_min3A_25 = arith.constant dense<0x7F800000> : vector<256xf32>
    %reduce_min3A_26 = vector.multi_reduction <minimumf>, %select_n3A, %reduce_min3A_25 [1] : vector<256x2048xf32> to vector<256xf32>
    %broadcast_in_dim3A_27 = vector.shape_cast %reduce_min3A_26 : vector<256xf32> to vector<256x1xf32>
    %eq3A_28 = arith.constant 0 : i32
    %eq3A_29 = vector.broadcast %eq3A_28 : i32 to vector<256x16xi32>
    %eq3A_30 = arith.cmpi eq, %iota3A_18, %eq3A_29 : vector<256x16xi32>
    %broadcast_in_dim3A_31 = vector.shape_cast %broadcast_in_dim3A_27 : vector<256x1xf32> to vector<256x1xf32>
    %broadcast_in_dim3A_32 = vector.broadcast %broadcast_in_dim3A_31 : vector<256x1xf32> to vector<256x16xf32>
    %select_n3A_33 = arith.select %eq3A_30, %broadcast_in_dim3A_32, %broadcast_in_dim3A_20 : vector<256x16xi1>, vector<256x16xf32>
    %eq3A_34 = vector.broadcast %broadcast_in_dim3A_27 : vector<256x1xf32> to vector<256x2048xf32>
    %eq3A_35 = arith.cmpf oeq, %select_n3A, %eq3A_34 : vector<256x2048xf32>
    %jit3A_36 = arith.constant 0x7F800000 : f32
    %broadcast_in_dim3A_37 = vector.broadcast %jit3A_36 : f32 to vector<256x2048xf32>
    %select_n3A_38 = arith.select %eq3A_35, %broadcast_in_dim3A_37, %sub3A : vector<256x2048xi1>, vector<256x2048xf32>
    %reduce_min3A_39 = arith.constant dense<0x7F800000> : vector<256xf32>
    %reduce_min3A_40 = vector.multi_reduction <minimumf>, %select_n3A_38, %reduce_min3A_39 [1] : vector<256x2048xf32> to vector<256xf32>
    %broadcast_in_dim3A_41 = vector.shape_cast %reduce_min3A_40 : vector<256xf32> to vector<256x1xf32>
    %eq3A_42 = vector.broadcast %broadcast_in_dim3A_41 : vector<256x1xf32> to vector<256x2048xf32>
    %eq3A_43 = arith.cmpf oeq, %select_n3A_38, %eq3A_42 : vector<256x2048xf32>
    %jit3A_44 = arith.constant 4.096000e+03 : f32
    %broadcast_in_dim3A_45 = vector.broadcast %jit3A_44 : f32 to vector<256x2048xf32>
    %select_n3A_46 = arith.select %eq3A_43, %convert_element_type3A, %broadcast_in_dim3A_45 : vector<256x2048xi1>, vector<256x2048xf32>
    %reduce_min3A_47 = arith.constant dense<0x7F800000> : vector<256xf32>
    %reduce_min3A_48 = vector.multi_reduction <minimumf>, %select_n3A_46, %reduce_min3A_47 [1] : vector<256x2048xf32> to vector<256xf32>
    %broadcast_in_dim3A_49 = vector.shape_cast %reduce_min3A_48 : vector<256xf32> to vector<256x1xf32>
    %eq3A_50 = arith.constant 1 : i32
    %eq3A_51 = vector.broadcast %eq3A_50 : i32 to vector<256x16xi32>
    %eq3A_52 = arith.cmpi eq, %iota3A_18, %eq3A_51 : vector<256x16xi32>
    %broadcast_in_dim3A_53 = vector.shape_cast %broadcast_in_dim3A_49 : vector<256x1xf32> to vector<256x1xf32>
    %broadcast_in_dim3A_54 = vector.broadcast %broadcast_in_dim3A_53 : vector<256x1xf32> to vector<256x16xf32>
    %select_n3A_55 = arith.select %eq3A_52, %broadcast_in_dim3A_54, %select_n3A_33 : vector<256x16xi1>, vector<256x16xf32>
    %eq3A_56 = vector.broadcast %broadcast_in_dim3A_49 : vector<256x1xf32> to vector<256x2048xf32>
    %eq3A_57 = arith.cmpf oeq, %select_n3A_46, %eq3A_56 : vector<256x2048xf32>
    %jit3A_58 = arith.constant 0x7F800000 : f32
    %broadcast_in_dim3A_59 = vector.broadcast %jit3A_58 : f32 to vector<256x2048xf32>
    %select_n3A_60 = arith.select %eq3A_57, %broadcast_in_dim3A_59, %select_n3A_38 : vector<256x2048xi1>, vector<256x2048xf32>
    %reduce_min3A_61 = arith.constant dense<0x7F800000> : vector<256xf32>
    %reduce_min3A_62 = vector.multi_reduction <minimumf>, %select_n3A_60, %reduce_min3A_61 [1] : vector<256x2048xf32> to vector<256xf32>
    %broadcast_in_dim3A_63 = vector.shape_cast %reduce_min3A_62 : vector<256xf32> to vector<256x1xf32>
    %eq3A_64 = vector.broadcast %broadcast_in_dim3A_63 : vector<256x1xf32> to vector<256x2048xf32>
    %eq3A_65 = arith.cmpf oeq, %select_n3A_60, %eq3A_64 : vector<256x2048xf32>
    %jit3A_66 = arith.constant 4.096000e+03 : f32
    %broadcast_in_dim3A_67 = vector.broadcast %jit3A_66 : f32 to vector<256x2048xf32>
    %select_n3A_68 = arith.select %eq3A_65, %convert_element_type3A, %broadcast_in_dim3A_67 : vector<256x2048xi1>, vector<256x2048xf32>
    %reduce_min3A_69 = arith.constant dense<0x7F800000> : vector<256xf32>
    %reduce_min3A_70 = vector.multi_reduction <minimumf>, %select_n3A_68, %reduce_min3A_69 [1] : vector<256x2048xf32> to vector<256xf32>
    %broadcast_in_dim3A_71 = vector.shape_cast %reduce_min3A_70 : vector<256xf32> to vector<256x1xf32>
    %eq3A_72 = arith.constant 2 : i32
    %eq3A_73 = vector.broadcast %eq3A_72 : i32 to vector<256x16xi32>
    %eq3A_74 = arith.cmpi eq, %iota3A_18, %eq3A_73 : vector<256x16xi32>
    %broadcast_in_dim3A_75 = vector.shape_cast %broadcast_in_dim3A_71 : vector<256x1xf32> to vector<256x1xf32>
    %broadcast_in_dim3A_76 = vector.broadcast %broadcast_in_dim3A_75 : vector<256x1xf32> to vector<256x16xf32>
    %select_n3A_77 = arith.select %eq3A_74, %broadcast_in_dim3A_76, %select_n3A_55 : vector<256x16xi1>, vector<256x16xf32>
    %eq3A_78 = vector.broadcast %broadcast_in_dim3A_71 : vector<256x1xf32> to vector<256x2048xf32>
    %eq3A_79 = arith.cmpf oeq, %select_n3A_68, %eq3A_78 : vector<256x2048xf32>
    %jit3A_80 = arith.constant 0x7F800000 : f32
    %broadcast_in_dim3A_81 = vector.broadcast %jit3A_80 : f32 to vector<256x2048xf32>
    %select_n3A_82 = arith.select %eq3A_79, %broadcast_in_dim3A_81, %select_n3A_60 : vector<256x2048xi1>, vector<256x2048xf32>
    %reduce_min3A_83 = arith.constant dense<0x7F800000> : vector<256xf32>
    %reduce_min3A_84 = vector.multi_reduction <minimumf>, %select_n3A_82, %reduce_min3A_83 [1] : vector<256x2048xf32> to vector<256xf32>
    %broadcast_in_dim3A_85 = vector.shape_cast %reduce_min3A_84 : vector<256xf32> to vector<256x1xf32>
    %eq3A_86 = vector.broadcast %broadcast_in_dim3A_85 : vector<256x1xf32> to vector<256x2048xf32>
    %eq3A_87 = arith.cmpf oeq, %select_n3A_82, %eq3A_86 : vector<256x2048xf32>
    %jit3A_88 = arith.constant 4.096000e+03 : f32
    %broadcast_in_dim3A_89 = vector.broadcast %jit3A_88 : f32 to vector<256x2048xf32>
    %select_n3A_90 = arith.select %eq3A_87, %convert_element_type3A, %broadcast_in_dim3A_89 : vector<256x2048xi1>, vector<256x2048xf32>
    %reduce_min3A_91 = arith.constant dense<0x7F800000> : vector<256xf32>
    %reduce_min3A_92 = vector.multi_reduction <minimumf>, %select_n3A_90, %reduce_min3A_91 [1] : vector<256x2048xf32> to vector<256xf32>
    %broadcast_in_dim3A_93 = vector.shape_cast %reduce_min3A_92 : vector<256xf32> to vector<256x1xf32>
    %eq3A_94 = arith.constant 3 : i32
    %eq3A_95 = vector.broadcast %eq3A_94 : i32 to vector<256x16xi32>
    %eq3A_96 = arith.cmpi eq, %iota3A_18, %eq3A_95 : vector<256x16xi32>
    %broadcast_in_dim3A_97 = vector.shape_cast %broadcast_in_dim3A_93 : vector<256x1xf32> to vector<256x1xf32>
    %broadcast_in_dim3A_98 = vector.broadcast %broadcast_in_dim3A_97 : vector<256x1xf32> to vector<256x16xf32>
    %select_n3A_99 = arith.select %eq3A_96, %broadcast_in_dim3A_98, %select_n3A_77 : vector<256x16xi1>, vector<256x16xf32>
    %eq3A_100 = vector.broadcast %broadcast_in_dim3A_93 : vector<256x1xf32> to vector<256x2048xf32>
    %eq3A_101 = arith.cmpf oeq, %select_n3A_90, %eq3A_100 : vector<256x2048xf32>
    %jit3A_102 = arith.constant 0x7F800000 : f32
    %broadcast_in_dim3A_103 = vector.broadcast %jit3A_102 : f32 to vector<256x2048xf32>
    %select_n3A_104 = arith.select %eq3A_101, %broadcast_in_dim3A_103, %select_n3A_82 : vector<256x2048xi1>, vector<256x2048xf32>
    %reduce_min3A_105 = arith.constant dense<0x7F800000> : vector<256xf32>
    %reduce_min3A_106 = vector.multi_reduction <minimumf>, %select_n3A_104, %reduce_min3A_105 [1] : vector<256x2048xf32> to vector<256xf32>
    %broadcast_in_dim3A_107 = vector.shape_cast %reduce_min3A_106 : vector<256xf32> to vector<256x1xf32>
    %eq3A_108 = vector.broadcast %broadcast_in_dim3A_107 : vector<256x1xf32> to vector<256x2048xf32>
    %eq3A_109 = arith.cmpf oeq, %select_n3A_104, %eq3A_108 : vector<256x2048xf32>
    %jit3A_110 = arith.constant 4.096000e+03 : f32
    %broadcast_in_dim3A_111 = vector.broadcast %jit3A_110 : f32 to vector<256x2048xf32>
    %select_n3A_112 = arith.select %eq3A_109, %convert_element_type3A, %broadcast_in_dim3A_111 : vector<256x2048xi1>, vector<256x2048xf32>
    %reduce_min3A_113 = arith.constant dense<0x7F800000> : vector<256xf32>
    %reduce_min3A_114 = vector.multi_reduction <minimumf>, %select_n3A_112, %reduce_min3A_113 [1] : vector<256x2048xf32> to vector<256xf32>
    %broadcast_in_dim3A_115 = vector.shape_cast %reduce_min3A_114 : vector<256xf32> to vector<256x1xf32>
    %eq3A_116 = arith.constant 4 : i32
    %eq3A_117 = vector.broadcast %eq3A_116 : i32 to vector<256x16xi32>
    %eq3A_118 = arith.cmpi eq, %iota3A_18, %eq3A_117 : vector<256x16xi32>
    %broadcast_in_dim3A_119 = vector.shape_cast %broadcast_in_dim3A_115 : vector<256x1xf32> to vector<256x1xf32>
    %broadcast_in_dim3A_120 = vector.broadcast %broadcast_in_dim3A_119 : vector<256x1xf32> to vector<256x16xf32>
    %select_n3A_121 = arith.select %eq3A_118, %broadcast_in_dim3A_120, %select_n3A_99 : vector<256x16xi1>, vector<256x16xf32>
    %eq3A_122 = vector.broadcast %broadcast_in_dim3A_115 : vector<256x1xf32> to vector<256x2048xf32>
    %eq3A_123 = arith.cmpf oeq, %select_n3A_112, %eq3A_122 : vector<256x2048xf32>
    %jit3A_124 = arith.constant 0x7F800000 : f32
    %broadcast_in_dim3A_125 = vector.broadcast %jit3A_124 : f32 to vector<256x2048xf32>
    %select_n3A_126 = arith.select %eq3A_123, %broadcast_in_dim3A_125, %select_n3A_104 : vector<256x2048xi1>, vector<256x2048xf32>
    %reduce_min3A_127 = arith.constant dense<0x7F800000> : vector<256xf32>
    %reduce_min3A_128 = vector.multi_reduction <minimumf>, %select_n3A_126, %reduce_min3A_127 [1] : vector<256x2048xf32> to vector<256xf32>
    %broadcast_in_dim3A_129 = vector.shape_cast %reduce_min3A_128 : vector<256xf32> to vector<256x1xf32>
    %eq3A_130 = vector.broadcast %broadcast_in_dim3A_129 : vector<256x1xf32> to vector<256x2048xf32>
    %eq3A_131 = arith.cmpf oeq, %select_n3A_126, %eq3A_130 : vector<256x2048xf32>
    %jit3A_132 = arith.constant 4.096000e+03 : f32
    %broadcast_in_dim3A_133 = vector.broadcast %jit3A_132 : f32 to vector<256x2048xf32>
    %select_n3A_134 = arith.select %eq3A_131, %convert_element_type3A, %broadcast_in_dim3A_133 : vector<256x2048xi1>, vector<256x2048xf32>
    %reduce_min3A_135 = arith.constant dense<0x7F800000> : vector<256xf32>
    %reduce_min3A_136 = vector.multi_reduction <minimumf>, %select_n3A_134, %reduce_min3A_135 [1] : vector<256x2048xf32> to vector<256xf32>
    %broadcast_in_dim3A_137 = vector.shape_cast %reduce_min3A_136 : vector<256xf32> to vector<256x1xf32>
    %eq3A_138 = arith.constant 5 : i32
    %eq3A_139 = vector.broadcast %eq3A_138 : i32 to vector<256x16xi32>
    %eq3A_140 = arith.cmpi eq, %iota3A_18, %eq3A_139 : vector<256x16xi32>
    %broadcast_in_dim3A_141 = vector.shape_cast %broadcast_in_dim3A_137 : vector<256x1xf32> to vector<256x1xf32>
    %broadcast_in_dim3A_142 = vector.broadcast %broadcast_in_dim3A_141 : vector<256x1xf32> to vector<256x16xf32>
    %select_n3A_143 = arith.select %eq3A_140, %broadcast_in_dim3A_142, %select_n3A_121 : vector<256x16xi1>, vector<256x16xf32>
    %eq3A_144 = vector.broadcast %broadcast_in_dim3A_137 : vector<256x1xf32> to vector<256x2048xf32>
    %eq3A_145 = arith.cmpf oeq, %select_n3A_134, %eq3A_144 : vector<256x2048xf32>
    %jit3A_146 = arith.constant 0x7F800000 : f32
    %broadcast_in_dim3A_147 = vector.broadcast %jit3A_146 : f32 to vector<256x2048xf32>
    %select_n3A_148 = arith.select %eq3A_145, %broadcast_in_dim3A_147, %select_n3A_126 : vector<256x2048xi1>, vector<256x2048xf32>
    %reduce_min3A_149 = arith.constant dense<0x7F800000> : vector<256xf32>
    %reduce_min3A_150 = vector.multi_reduction <minimumf>, %select_n3A_148, %reduce_min3A_149 [1] : vector<256x2048xf32> to vector<256xf32>
    %broadcast_in_dim3A_151 = vector.shape_cast %reduce_min3A_150 : vector<256xf32> to vector<256x1xf32>
    %eq3A_152 = vector.broadcast %broadcast_in_dim3A_151 : vector<256x1xf32> to vector<256x2048xf32>
    %eq3A_153 = arith.cmpf oeq, %select_n3A_148, %eq3A_152 : vector<256x2048xf32>
    %jit3A_154 = arith.constant 4.096000e+03 : f32
    %broadcast_in_dim3A_155 = vector.broadcast %jit3A_154 : f32 to vector<256x2048xf32>
    %select_n3A_156 = arith.select %eq3A_153, %convert_element_type3A, %broadcast_in_dim3A_155 : vector<256x2048xi1>, vector<256x2048xf32>
    %reduce_min3A_157 = arith.constant dense<0x7F800000> : vector<256xf32>
    %reduce_min3A_158 = vector.multi_reduction <minimumf>, %select_n3A_156, %reduce_min3A_157 [1] : vector<256x2048xf32> to vector<256xf32>
    %broadcast_in_dim3A_159 = vector.shape_cast %reduce_min3A_158 : vector<256xf32> to vector<256x1xf32>
    %eq3A_160 = arith.constant 6 : i32
    %eq3A_161 = vector.broadcast %eq3A_160 : i32 to vector<256x16xi32>
    %eq3A_162 = arith.cmpi eq, %iota3A_18, %eq3A_161 : vector<256x16xi32>
    %broadcast_in_dim3A_163 = vector.shape_cast %broadcast_in_dim3A_159 : vector<256x1xf32> to vector<256x1xf32>
    %broadcast_in_dim3A_164 = vector.broadcast %broadcast_in_dim3A_163 : vector<256x1xf32> to vector<256x16xf32>
    %select_n3A_165 = arith.select %eq3A_162, %broadcast_in_dim3A_164, %select_n3A_143 : vector<256x16xi1>, vector<256x16xf32>
    %eq3A_166 = vector.broadcast %broadcast_in_dim3A_159 : vector<256x1xf32> to vector<256x2048xf32>
    %eq3A_167 = arith.cmpf oeq, %select_n3A_156, %eq3A_166 : vector<256x2048xf32>
    %jit3A_168 = arith.constant 0x7F800000 : f32
    %broadcast_in_dim3A_169 = vector.broadcast %jit3A_168 : f32 to vector<256x2048xf32>
    %select_n3A_170 = arith.select %eq3A_167, %broadcast_in_dim3A_169, %select_n3A_148 : vector<256x2048xi1>, vector<256x2048xf32>
    %reduce_min3A_171 = arith.constant dense<0x7F800000> : vector<256xf32>
    %reduce_min3A_172 = vector.multi_reduction <minimumf>, %select_n3A_170, %reduce_min3A_171 [1] : vector<256x2048xf32> to vector<256xf32>
    %broadcast_in_dim3A_173 = vector.shape_cast %reduce_min3A_172 : vector<256xf32> to vector<256x1xf32>
    %eq3A_174 = vector.broadcast %broadcast_in_dim3A_173 : vector<256x1xf32> to vector<256x2048xf32>
    %eq3A_175 = arith.cmpf oeq, %select_n3A_170, %eq3A_174 : vector<256x2048xf32>
    %jit3A_176 = arith.constant 4.096000e+03 : f32
    %broadcast_in_dim3A_177 = vector.broadcast %jit3A_176 : f32 to vector<256x2048xf32>
    %select_n3A_178 = arith.select %eq3A_175, %convert_element_type3A, %broadcast_in_dim3A_177 : vector<256x2048xi1>, vector<256x2048xf32>
    %reduce_min3A_179 = arith.constant dense<0x7F800000> : vector<256xf32>
    %reduce_min3A_180 = vector.multi_reduction <minimumf>, %select_n3A_178, %reduce_min3A_179 [1] : vector<256x2048xf32> to vector<256xf32>
    %broadcast_in_dim3A_181 = vector.shape_cast %reduce_min3A_180 : vector<256xf32> to vector<256x1xf32>
    %eq3A_182 = arith.constant 7 : i32
    %eq3A_183 = vector.broadcast %eq3A_182 : i32 to vector<256x16xi32>
    %eq3A_184 = arith.cmpi eq, %iota3A_18, %eq3A_183 : vector<256x16xi32>
    %broadcast_in_dim3A_185 = vector.shape_cast %broadcast_in_dim3A_181 : vector<256x1xf32> to vector<256x1xf32>
    %broadcast_in_dim3A_186 = vector.broadcast %broadcast_in_dim3A_185 : vector<256x1xf32> to vector<256x16xf32>
    %select_n3A_187 = arith.select %eq3A_184, %broadcast_in_dim3A_186, %select_n3A_165 : vector<256x16xi1>, vector<256x16xf32>
    %eq3A_188 = vector.broadcast %broadcast_in_dim3A_181 : vector<256x1xf32> to vector<256x2048xf32>
    %eq3A_189 = arith.cmpf oeq, %select_n3A_178, %eq3A_188 : vector<256x2048xf32>
    %jit3A_190 = arith.constant 0x7F800000 : f32
    %broadcast_in_dim3A_191 = vector.broadcast %jit3A_190 : f32 to vector<256x2048xf32>
    %select_n3A_192 = arith.select %eq3A_189, %broadcast_in_dim3A_191, %select_n3A_170 : vector<256x2048xi1>, vector<256x2048xf32>
    %reduce_min3A_193 = arith.constant dense<0x7F800000> : vector<256xf32>
    %reduce_min3A_194 = vector.multi_reduction <minimumf>, %select_n3A_192, %reduce_min3A_193 [1] : vector<256x2048xf32> to vector<256xf32>
    %broadcast_in_dim3A_195 = vector.shape_cast %reduce_min3A_194 : vector<256xf32> to vector<256x1xf32>
    %eq3A_196 = vector.broadcast %broadcast_in_dim3A_195 : vector<256x1xf32> to vector<256x2048xf32>
    %eq3A_197 = arith.cmpf oeq, %select_n3A_192, %eq3A_196 : vector<256x2048xf32>
    %jit3A_198 = arith.constant 4.096000e+03 : f32
    %broadcast_in_dim3A_199 = vector.broadcast %jit3A_198 : f32 to vector<256x2048xf32>
    %select_n3A_200 = arith.select %eq3A_197, %convert_element_type3A, %broadcast_in_dim3A_199 : vector<256x2048xi1>, vector<256x2048xf32>
    %reduce_min3A_201 = arith.constant dense<0x7F800000> : vector<256xf32>
    %reduce_min3A_202 = vector.multi_reduction <minimumf>, %select_n3A_200, %reduce_min3A_201 [1] : vector<256x2048xf32> to vector<256xf32>
    %broadcast_in_dim3A_203 = vector.shape_cast %reduce_min3A_202 : vector<256xf32> to vector<256x1xf32>
    %eq3A_204 = arith.constant 8 : i32
    %eq3A_205 = vector.broadcast %eq3A_204 : i32 to vector<256x16xi32>
    %eq3A_206 = arith.cmpi eq, %iota3A_18, %eq3A_205 : vector<256x16xi32>
    %broadcast_in_dim3A_207 = vector.shape_cast %broadcast_in_dim3A_203 : vector<256x1xf32> to vector<256x1xf32>
    %broadcast_in_dim3A_208 = vector.broadcast %broadcast_in_dim3A_207 : vector<256x1xf32> to vector<256x16xf32>
    %select_n3A_209 = arith.select %eq3A_206, %broadcast_in_dim3A_208, %select_n3A_187 : vector<256x16xi1>, vector<256x16xf32>
    %eq3A_210 = vector.broadcast %broadcast_in_dim3A_203 : vector<256x1xf32> to vector<256x2048xf32>
    %eq3A_211 = arith.cmpf oeq, %select_n3A_200, %eq3A_210 : vector<256x2048xf32>
    %jit3A_212 = arith.constant 0x7F800000 : f32
    %broadcast_in_dim3A_213 = vector.broadcast %jit3A_212 : f32 to vector<256x2048xf32>
    %select_n3A_214 = arith.select %eq3A_211, %broadcast_in_dim3A_213, %select_n3A_192 : vector<256x2048xi1>, vector<256x2048xf32>
    %reduce_min3A_215 = arith.constant dense<0x7F800000> : vector<256xf32>
    %reduce_min3A_216 = vector.multi_reduction <minimumf>, %select_n3A_214, %reduce_min3A_215 [1] : vector<256x2048xf32> to vector<256xf32>
    %broadcast_in_dim3A_217 = vector.shape_cast %reduce_min3A_216 : vector<256xf32> to vector<256x1xf32>
    %eq3A_218 = vector.broadcast %broadcast_in_dim3A_217 : vector<256x1xf32> to vector<256x2048xf32>
    %eq3A_219 = arith.cmpf oeq, %select_n3A_214, %eq3A_218 : vector<256x2048xf32>
    %jit3A_220 = arith.constant 4.096000e+03 : f32
    %broadcast_in_dim3A_221 = vector.broadcast %jit3A_220 : f32 to vector<256x2048xf32>
    %select_n3A_222 = arith.select %eq3A_219, %convert_element_type3A, %broadcast_in_dim3A_221 : vector<256x2048xi1>, vector<256x2048xf32>
    %reduce_min3A_223 = arith.constant dense<0x7F800000> : vector<256xf32>
    %reduce_min3A_224 = vector.multi_reduction <minimumf>, %select_n3A_222, %reduce_min3A_223 [1] : vector<256x2048xf32> to vector<256xf32>
    %broadcast_in_dim3A_225 = vector.shape_cast %reduce_min3A_224 : vector<256xf32> to vector<256x1xf32>
    %eq3A_226 = arith.constant 9 : i32
    %eq3A_227 = vector.broadcast %eq3A_226 : i32 to vector<256x16xi32>
    %eq3A_228 = arith.cmpi eq, %iota3A_18, %eq3A_227 : vector<256x16xi32>
    %broadcast_in_dim3A_229 = vector.shape_cast %broadcast_in_dim3A_225 : vector<256x1xf32> to vector<256x1xf32>
    %broadcast_in_dim3A_230 = vector.broadcast %broadcast_in_dim3A_229 : vector<256x1xf32> to vector<256x16xf32>
    %select_n3A_231 = arith.select %eq3A_228, %broadcast_in_dim3A_230, %select_n3A_209 : vector<256x16xi1>, vector<256x16xf32>
    %eq3A_232 = vector.broadcast %broadcast_in_dim3A_225 : vector<256x1xf32> to vector<256x2048xf32>
    %eq3A_233 = arith.cmpf oeq, %select_n3A_222, %eq3A_232 : vector<256x2048xf32>
    %jit3A_234 = arith.constant 0x7F800000 : f32
    %broadcast_in_dim3A_235 = vector.broadcast %jit3A_234 : f32 to vector<256x2048xf32>
    %select_n3A_236 = arith.select %eq3A_233, %broadcast_in_dim3A_235, %select_n3A_214 : vector<256x2048xi1>, vector<256x2048xf32>
    %reduce_min3A_237 = arith.constant dense<0x7F800000> : vector<256xf32>
    %reduce_min3A_238 = vector.multi_reduction <minimumf>, %select_n3A_236, %reduce_min3A_237 [1] : vector<256x2048xf32> to vector<256xf32>
    %broadcast_in_dim3A_239 = vector.shape_cast %reduce_min3A_238 : vector<256xf32> to vector<256x1xf32>
    %eq3A_240 = vector.broadcast %broadcast_in_dim3A_239 : vector<256x1xf32> to vector<256x2048xf32>
    %eq3A_241 = arith.cmpf oeq, %select_n3A_236, %eq3A_240 : vector<256x2048xf32>
    %jit3A_242 = arith.constant 4.096000e+03 : f32
    %broadcast_in_dim3A_243 = vector.broadcast %jit3A_242 : f32 to vector<256x2048xf32>
    %select_n3A_244 = arith.select %eq3A_241, %convert_element_type3A, %broadcast_in_dim3A_243 : vector<256x2048xi1>, vector<256x2048xf32>
    %reduce_min3A_245 = arith.constant dense<0x7F800000> : vector<256xf32>
    %reduce_min3A_246 = vector.multi_reduction <minimumf>, %select_n3A_244, %reduce_min3A_245 [1] : vector<256x2048xf32> to vector<256xf32>
    %broadcast_in_dim3A_247 = vector.shape_cast %reduce_min3A_246 : vector<256xf32> to vector<256x1xf32>
    %eq3A_248 = arith.constant 10 : i32
    %eq3A_249 = vector.broadcast %eq3A_248 : i32 to vector<256x16xi32>
    %eq3A_250 = arith.cmpi eq, %iota3A_18, %eq3A_249 : vector<256x16xi32>
    %broadcast_in_dim3A_251 = vector.shape_cast %broadcast_in_dim3A_247 : vector<256x1xf32> to vector<256x1xf32>
    %broadcast_in_dim3A_252 = vector.broadcast %broadcast_in_dim3A_251 : vector<256x1xf32> to vector<256x16xf32>
    %select_n3A_253 = arith.select %eq3A_250, %broadcast_in_dim3A_252, %select_n3A_231 : vector<256x16xi1>, vector<256x16xf32>
    %eq3A_254 = vector.broadcast %broadcast_in_dim3A_247 : vector<256x1xf32> to vector<256x2048xf32>
    %eq3A_255 = arith.cmpf oeq, %select_n3A_244, %eq3A_254 : vector<256x2048xf32>
    %jit3A_256 = arith.constant 0x7F800000 : f32
    %broadcast_in_dim3A_257 = vector.broadcast %jit3A_256 : f32 to vector<256x2048xf32>
    %select_n3A_258 = arith.select %eq3A_255, %broadcast_in_dim3A_257, %select_n3A_236 : vector<256x2048xi1>, vector<256x2048xf32>
    %reduce_min3A_259 = arith.constant dense<0x7F800000> : vector<256xf32>
    %reduce_min3A_260 = vector.multi_reduction <minimumf>, %select_n3A_258, %reduce_min3A_259 [1] : vector<256x2048xf32> to vector<256xf32>
    %broadcast_in_dim3A_261 = vector.shape_cast %reduce_min3A_260 : vector<256xf32> to vector<256x1xf32>
    %eq3A_262 = vector.broadcast %broadcast_in_dim3A_261 : vector<256x1xf32> to vector<256x2048xf32>
    %eq3A_263 = arith.cmpf oeq, %select_n3A_258, %eq3A_262 : vector<256x2048xf32>
    %jit3A_264 = arith.constant 4.096000e+03 : f32
    %broadcast_in_dim3A_265 = vector.broadcast %jit3A_264 : f32 to vector<256x2048xf32>
    %select_n3A_266 = arith.select %eq3A_263, %convert_element_type3A, %broadcast_in_dim3A_265 : vector<256x2048xi1>, vector<256x2048xf32>
    %reduce_min3A_267 = arith.constant dense<0x7F800000> : vector<256xf32>
    %reduce_min3A_268 = vector.multi_reduction <minimumf>, %select_n3A_266, %reduce_min3A_267 [1] : vector<256x2048xf32> to vector<256xf32>
    %broadcast_in_dim3A_269 = vector.shape_cast %reduce_min3A_268 : vector<256xf32> to vector<256x1xf32>
    %eq3A_270 = arith.constant 11 : i32
    %eq3A_271 = vector.broadcast %eq3A_270 : i32 to vector<256x16xi32>
    %eq3A_272 = arith.cmpi eq, %iota3A_18, %eq3A_271 : vector<256x16xi32>
    %broadcast_in_dim3A_273 = vector.shape_cast %broadcast_in_dim3A_269 : vector<256x1xf32> to vector<256x1xf32>
    %broadcast_in_dim3A_274 = vector.broadcast %broadcast_in_dim3A_273 : vector<256x1xf32> to vector<256x16xf32>
    %select_n3A_275 = arith.select %eq3A_272, %broadcast_in_dim3A_274, %select_n3A_253 : vector<256x16xi1>, vector<256x16xf32>
    %eq3A_276 = vector.broadcast %broadcast_in_dim3A_269 : vector<256x1xf32> to vector<256x2048xf32>
    %eq3A_277 = arith.cmpf oeq, %select_n3A_266, %eq3A_276 : vector<256x2048xf32>
    %jit3A_278 = arith.constant 0x7F800000 : f32
    %broadcast_in_dim3A_279 = vector.broadcast %jit3A_278 : f32 to vector<256x2048xf32>
    %select_n3A_280 = arith.select %eq3A_277, %broadcast_in_dim3A_279, %select_n3A_258 : vector<256x2048xi1>, vector<256x2048xf32>
    %reduce_min3A_281 = arith.constant dense<0x7F800000> : vector<256xf32>
    %reduce_min3A_282 = vector.multi_reduction <minimumf>, %select_n3A_280, %reduce_min3A_281 [1] : vector<256x2048xf32> to vector<256xf32>
    %broadcast_in_dim3A_283 = vector.shape_cast %reduce_min3A_282 : vector<256xf32> to vector<256x1xf32>
    %eq3A_284 = vector.broadcast %broadcast_in_dim3A_283 : vector<256x1xf32> to vector<256x2048xf32>
    %eq3A_285 = arith.cmpf oeq, %select_n3A_280, %eq3A_284 : vector<256x2048xf32>
    %jit3A_286 = arith.constant 4.096000e+03 : f32
    %broadcast_in_dim3A_287 = vector.broadcast %jit3A_286 : f32 to vector<256x2048xf32>
    %select_n3A_288 = arith.select %eq3A_285, %convert_element_type3A, %broadcast_in_dim3A_287 : vector<256x2048xi1>, vector<256x2048xf32>
    %reduce_min3A_289 = arith.constant dense<0x7F800000> : vector<256xf32>
    %reduce_min3A_290 = vector.multi_reduction <minimumf>, %select_n3A_288, %reduce_min3A_289 [1] : vector<256x2048xf32> to vector<256xf32>
    %broadcast_in_dim3A_291 = vector.shape_cast %reduce_min3A_290 : vector<256xf32> to vector<256x1xf32>
    %eq3A_292 = arith.constant 12 : i32
    %eq3A_293 = vector.broadcast %eq3A_292 : i32 to vector<256x16xi32>
    %eq3A_294 = arith.cmpi eq, %iota3A_18, %eq3A_293 : vector<256x16xi32>
    %broadcast_in_dim3A_295 = vector.shape_cast %broadcast_in_dim3A_291 : vector<256x1xf32> to vector<256x1xf32>
    %broadcast_in_dim3A_296 = vector.broadcast %broadcast_in_dim3A_295 : vector<256x1xf32> to vector<256x16xf32>
    %select_n3A_297 = arith.select %eq3A_294, %broadcast_in_dim3A_296, %select_n3A_275 : vector<256x16xi1>, vector<256x16xf32>
    %eq3A_298 = vector.broadcast %broadcast_in_dim3A_291 : vector<256x1xf32> to vector<256x2048xf32>
    %eq3A_299 = arith.cmpf oeq, %select_n3A_288, %eq3A_298 : vector<256x2048xf32>
    %jit3A_300 = arith.constant 0x7F800000 : f32
    %broadcast_in_dim3A_301 = vector.broadcast %jit3A_300 : f32 to vector<256x2048xf32>
    %select_n3A_302 = arith.select %eq3A_299, %broadcast_in_dim3A_301, %select_n3A_280 : vector<256x2048xi1>, vector<256x2048xf32>
    %reduce_min3A_303 = arith.constant dense<0x7F800000> : vector<256xf32>
    %reduce_min3A_304 = vector.multi_reduction <minimumf>, %select_n3A_302, %reduce_min3A_303 [1] : vector<256x2048xf32> to vector<256xf32>
    %broadcast_in_dim3A_305 = vector.shape_cast %reduce_min3A_304 : vector<256xf32> to vector<256x1xf32>
    %eq3A_306 = vector.broadcast %broadcast_in_dim3A_305 : vector<256x1xf32> to vector<256x2048xf32>
    %eq3A_307 = arith.cmpf oeq, %select_n3A_302, %eq3A_306 : vector<256x2048xf32>
    %jit3A_308 = arith.constant 4.096000e+03 : f32
    %broadcast_in_dim3A_309 = vector.broadcast %jit3A_308 : f32 to vector<256x2048xf32>
    %select_n3A_310 = arith.select %eq3A_307, %convert_element_type3A, %broadcast_in_dim3A_309 : vector<256x2048xi1>, vector<256x2048xf32>
    %reduce_min3A_311 = arith.constant dense<0x7F800000> : vector<256xf32>
    %reduce_min3A_312 = vector.multi_reduction <minimumf>, %select_n3A_310, %reduce_min3A_311 [1] : vector<256x2048xf32> to vector<256xf32>
    %broadcast_in_dim3A_313 = vector.shape_cast %reduce_min3A_312 : vector<256xf32> to vector<256x1xf32>
    %eq3A_314 = arith.constant 13 : i32
    %eq3A_315 = vector.broadcast %eq3A_314 : i32 to vector<256x16xi32>
    %eq3A_316 = arith.cmpi eq, %iota3A_18, %eq3A_315 : vector<256x16xi32>
    %broadcast_in_dim3A_317 = vector.shape_cast %broadcast_in_dim3A_313 : vector<256x1xf32> to vector<256x1xf32>
    %broadcast_in_dim3A_318 = vector.broadcast %broadcast_in_dim3A_317 : vector<256x1xf32> to vector<256x16xf32>
    %select_n3A_319 = arith.select %eq3A_316, %broadcast_in_dim3A_318, %select_n3A_297 : vector<256x16xi1>, vector<256x16xf32>
    %eq3A_320 = vector.broadcast %broadcast_in_dim3A_313 : vector<256x1xf32> to vector<256x2048xf32>
    %eq3A_321 = arith.cmpf oeq, %select_n3A_310, %eq3A_320 : vector<256x2048xf32>
    %jit3A_322 = arith.constant 0x7F800000 : f32
    %broadcast_in_dim3A_323 = vector.broadcast %jit3A_322 : f32 to vector<256x2048xf32>
    %select_n3A_324 = arith.select %eq3A_321, %broadcast_in_dim3A_323, %select_n3A_302 : vector<256x2048xi1>, vector<256x2048xf32>
    %reduce_min3A_325 = arith.constant dense<0x7F800000> : vector<256xf32>
    %reduce_min3A_326 = vector.multi_reduction <minimumf>, %select_n3A_324, %reduce_min3A_325 [1] : vector<256x2048xf32> to vector<256xf32>
    %broadcast_in_dim3A_327 = vector.shape_cast %reduce_min3A_326 : vector<256xf32> to vector<256x1xf32>
    %eq3A_328 = vector.broadcast %broadcast_in_dim3A_327 : vector<256x1xf32> to vector<256x2048xf32>
    %eq3A_329 = arith.cmpf oeq, %select_n3A_324, %eq3A_328 : vector<256x2048xf32>
    %jit3A_330 = arith.constant 4.096000e+03 : f32
    %broadcast_in_dim3A_331 = vector.broadcast %jit3A_330 : f32 to vector<256x2048xf32>
    %select_n3A_332 = arith.select %eq3A_329, %convert_element_type3A, %broadcast_in_dim3A_331 : vector<256x2048xi1>, vector<256x2048xf32>
    %reduce_min3A_333 = arith.constant dense<0x7F800000> : vector<256xf32>
    %reduce_min3A_334 = vector.multi_reduction <minimumf>, %select_n3A_332, %reduce_min3A_333 [1] : vector<256x2048xf32> to vector<256xf32>
    %broadcast_in_dim3A_335 = vector.shape_cast %reduce_min3A_334 : vector<256xf32> to vector<256x1xf32>
    %eq3A_336 = arith.constant 14 : i32
    %eq3A_337 = vector.broadcast %eq3A_336 : i32 to vector<256x16xi32>
    %eq3A_338 = arith.cmpi eq, %iota3A_18, %eq3A_337 : vector<256x16xi32>
    %broadcast_in_dim3A_339 = vector.shape_cast %broadcast_in_dim3A_335 : vector<256x1xf32> to vector<256x1xf32>
    %broadcast_in_dim3A_340 = vector.broadcast %broadcast_in_dim3A_339 : vector<256x1xf32> to vector<256x16xf32>
    %select_n3A_341 = arith.select %eq3A_338, %broadcast_in_dim3A_340, %select_n3A_319 : vector<256x16xi1>, vector<256x16xf32>
    %eq3A_342 = vector.broadcast %broadcast_in_dim3A_335 : vector<256x1xf32> to vector<256x2048xf32>
    %eq3A_343 = arith.cmpf oeq, %select_n3A_332, %eq3A_342 : vector<256x2048xf32>
    %jit3A_344 = arith.constant 0x7F800000 : f32
    %broadcast_in_dim3A_345 = vector.broadcast %jit3A_344 : f32 to vector<256x2048xf32>
    %select_n3A_346 = arith.select %eq3A_343, %broadcast_in_dim3A_345, %select_n3A_324 : vector<256x2048xi1>, vector<256x2048xf32>
    %reduce_min3A_347 = arith.constant dense<0x7F800000> : vector<256xf32>
    %reduce_min3A_348 = vector.multi_reduction <minimumf>, %select_n3A_346, %reduce_min3A_347 [1] : vector<256x2048xf32> to vector<256xf32>
    %broadcast_in_dim3A_349 = vector.shape_cast %reduce_min3A_348 : vector<256xf32> to vector<256x1xf32>
    %eq3A_350 = vector.broadcast %broadcast_in_dim3A_349 : vector<256x1xf32> to vector<256x2048xf32>
    %eq3A_351 = arith.cmpf oeq, %select_n3A_346, %eq3A_350 : vector<256x2048xf32>
    %jit3A_352 = arith.constant 4.096000e+03 : f32
    %broadcast_in_dim3A_353 = vector.broadcast %jit3A_352 : f32 to vector<256x2048xf32>
    %select_n3A_354 = arith.select %eq3A_351, %convert_element_type3A, %broadcast_in_dim3A_353 : vector<256x2048xi1>, vector<256x2048xf32>
    %reduce_min3A_355 = arith.constant dense<0x7F800000> : vector<256xf32>
    %reduce_min3A_356 = vector.multi_reduction <minimumf>, %select_n3A_354, %reduce_min3A_355 [1] : vector<256x2048xf32> to vector<256xf32>
    %broadcast_in_dim3A_357 = vector.shape_cast %reduce_min3A_356 : vector<256xf32> to vector<256x1xf32>
    %eq3A_358 = arith.constant 15 : i32
    %eq3A_359 = vector.broadcast %eq3A_358 : i32 to vector<256x16xi32>
    %eq3A_360 = arith.cmpi eq, %iota3A_18, %eq3A_359 : vector<256x16xi32>
    %broadcast_in_dim3A_361 = vector.shape_cast %broadcast_in_dim3A_357 : vector<256x1xf32> to vector<256x1xf32>
    %broadcast_in_dim3A_362 = vector.broadcast %broadcast_in_dim3A_361 : vector<256x1xf32> to vector<256x16xf32>
    %select_n3A_363 = arith.select %eq3A_360, %broadcast_in_dim3A_362, %select_n3A_341 : vector<256x16xi1>, vector<256x16xf32>
    %convert_element_type3A_364 = arith.fptosi %select_n3A_363 : vector<256x16xf32> to vector<256x16xi32>
    %add3A_365 = arith.constant 2048 : i32
    %add3A_366 = vector.broadcast %add3A_365 : i32 to vector<256x16xi32>
    %add3A_367 = arith.addi %convert_element_type3A_364, %add3A_366 : vector<256x16xi32>
    %swap3A = arith.constant 0 : index
    %swap3A_368 = arith.constant 0 : index
    %swap3A_369 = vector.load %arg3[%swap3A, %swap3A_368] : memref<256x16xi32, #tpu.memory_space<vmem>>, vector<256x16xi32>
    tpu.vector_store %arg3[%swap3A, %swap3A_368], %add3A_367 {strides = array<i32>} : memref<256x16xi32, #tpu.memory_space<vmem>>, vector<256x16xi32>,
    return
  }
  func.func @transform_0(%arg0: i32) -> (i32, i32) {
    %c0_i32 = arith.constant 0 : i32
    %c0_i32_0 = arith.constant 0 : i32
    return %arg0, %c0_i32 : i32, i32
  }
  func.func @transform_1(%arg0: i32) -> (i32, i32, i32) {
    %c0_i32 = arith.constant 0 : i32
    %c0_i32_0 = arith.constant 0 : i32
    %c0_i32_1 = arith.constant 0 : i32
    %c0_i32_2 = arith.constant 0 : i32
    return %c0_i32, %c0_i32_0, %c0_i32_1 : i32, i32, i32
  }
  func.func @transform_2(%arg0: i32) -> (i32, i32) {
    %c0_i32 = arith.constant 0 : i32
    %c0_i32_0 = arith.constant 0 : i32
    return %arg0, %c0_i32 : i32, i32
  }
}

module attributes {stable_mosaic.version = 14 : i64} {
  func.func @body(%arg0: i32, %arg1: memref<2048x512xi32, #tpu.memory_space<vmem>>, %arg2: memref<2048x128xf32, #tpu.memory_space<vmem>>, %arg3: memref<128x512xf32, #tpu.memory_space<vmem>>, %arg4: memref<128x128xf32, #tpu.memory_space<vmem>>, %arg5: memref<128x128xf32, #tpu.memory_space<vmem>>, %arg6: memref<128x512xbf16, #tpu.memory_space<vmem>>, %arg7: memref<1x512xf32, #tpu.memory_space<vmem>>, %arg8: memref<512x512xbf16, #tpu.memory_space<vmem>>, %arg9: memref<1x512xf32, #tpu.memory_space<vmem>>, %arg10: memref<1x512xf32, #tpu.memory_space<vmem>>, %arg11: memref<512x512xbf16, #tpu.memory_space<vmem>>, %arg12: memref<1x512xf32, #tpu.memory_space<vmem>>, %arg13: memref<512x512xbf16, #tpu.memory_space<vmem>>, %arg14: memref<1x512xf32, #tpu.memory_space<vmem>>, %arg15: memref<512x512xbf16, #tpu.memory_space<vmem>>, %arg16: memref<1x512xf32, #tpu.memory_space<vmem>>, %arg17: memref<512x128xf32, #tpu.memory_space<vmem>>, %arg18: memref<1x128xf32, #tpu.memory_space<vmem>>, %arg19: memref<2048x512xf32, #tpu.memory_space<vmem>>, %arg20: memref<128x128xf32, #tpu.memory_space<vmem>>) attributes {dimension_semantics = [#tpu.dimension_semantics<arbitrary>], iteration_bounds = array<i64: 16>, scalar_prefetch = 0 : i64, scratch_operands = 0 : i64, tpu.core_type = #tpu.core_type<tc>, window_params = [{transform_indices = @transform_0, window_bounds = array<i64: 2048, 512>}, {transform_indices = @transform_1, window_bounds = array<i64: 2048, 128>}, {transform_indices = @transform_2, window_bounds = array<i64: 128, 512>}, {transform_indices = @transform_3, window_bounds = array<i64: 128, 128>}, {transform_indices = @transform_4, window_bounds = array<i64: 128, 128>}, {pipeline_mode = #tpu.pipeline_mode<synchronous>, transform_indices = @transform_5, window_bounds = array<i64: 128, 512>}, {pipeline_mode = #tpu.pipeline_mode<synchronous>, transform_indices = @transform_6, window_bounds = array<i64: 1, 512>}, {pipeline_mode = #tpu.pipeline_mode<synchronous>, transform_indices = @transform_7, window_bounds = array<i64: 512, 512>}, {pipeline_mode = #tpu.pipeline_mode<synchronous>, transform_indices = @transform_8, window_bounds = array<i64: 1, 512>}, {pipeline_mode = #tpu.pipeline_mode<synchronous>, transform_indices = @transform_9, window_bounds = array<i64: 1, 512>}, {pipeline_mode = #tpu.pipeline_mode<synchronous>, transform_indices = @transform_10, window_bounds = array<i64: 512, 512>}, {pipeline_mode = #tpu.pipeline_mode<synchronous>, transform_indices = @transform_11, window_bounds = array<i64: 1, 512>}, {pipeline_mode = #tpu.pipeline_mode<synchronous>, transform_indices = @transform_12, window_bounds = array<i64: 512, 512>}, {pipeline_mode = #tpu.pipeline_mode<synchronous>, transform_indices = @transform_13, window_bounds = array<i64: 1, 512>}, {pipeline_mode = #tpu.pipeline_mode<synchronous>, transform_indices = @transform_14, window_bounds = array<i64: 512, 512>}, {pipeline_mode = #tpu.pipeline_mode<synchronous>, transform_indices = @transform_15, window_bounds = array<i64: 1, 512>}, {pipeline_mode = #tpu.pipeline_mode<synchronous>, transform_indices = @transform_16, window_bounds = array<i64: 512, 128>}, {pipeline_mode = #tpu.pipeline_mode<synchronous>, transform_indices = @transform_17, window_bounds = array<i64: 1, 128>}, {transform_indices = @transform_18, window_bounds = array<i64: 2048, 512>}, {transform_indices = @transform_19, window_bounds = array<i64: 128, 128>}]} {
    %get3A = arith.constant 0 : index
    %get3A_0 = arith.constant 0 : index
    %get3A_1 = vector.load %arg1[%get3A, %get3A_0] : memref<2048x512xi32, #tpu.memory_space<vmem>>, vector<2048x512xi32>
    %bitcast_convert_type3A = tpu.bitcast %get3A_1 : vector<2048x512xi32> -> vector<2048x512xi32>
    %and3A = arith.constant -65536 : i32
    %and3A_2 = vector.broadcast %and3A : i32 to vector<2048x512xi32>
    %and3A_3 = arith.andi %bitcast_convert_type3A, %and3A_2 : vector<2048x512xi32>
    %bitcast_convert_type3A_4 = tpu.bitcast %and3A_3 : vector<2048x512xi32> -> vector<2048x512xf32>
    %shift_left3A = arith.constant 16 : i32
    %shift_left3A_5 = vector.broadcast %shift_left3A : i32 to vector<2048x512xi32>
    %shift_left3A_6 = arith.shli %bitcast_convert_type3A, %shift_left3A_5 : vector<2048x512xi32>
    %bitcast_convert_type3A_7 = tpu.bitcast %shift_left3A_6 : vector<2048x512xi32> -> vector<2048x512xf32>
    %get3A_8 = arith.constant 0 : index
    %get3A_9 = arith.constant 0 : index
    %get3A_10 = vector.load %arg3[%get3A_8, %get3A_9] : memref<128x512xf32, #tpu.memory_space<vmem>>, vector<128x512xf32>
    %mul3A = arith.mulf %get3A_10, %get3A_10 : vector<128x512xf32>
    %reduce_sum3A = arith.constant dense<0.000000e+00> : vector<128xf32>
    %reduce_sum3A_11 = vector.multi_reduction <add>, %mul3A, %reduce_sum3A [1] : vector<128x512xf32> to vector<128xf32>
    %broadcast_in_dim3A = vector.shape_cast %reduce_sum3A_11 : vector<128xf32> to vector<128x1xf32>
    %sqrt3A = math.sqrt %broadcast_in_dim3A : vector<128x1xf32>
    %max3A = arith.constant 9.99999993E-9 : f32
    %max3A_12 = vector.broadcast %max3A : f32 to vector<128x1xf32>
    %max3A_13 = arith.maximumf %sqrt3A, %max3A_12 : vector<128x1xf32>
    %broadcast_in_dim3A_14 = vector.shape_cast %get3A_10 : vector<128x512xf32> to vector<128x1x512xf32>
    %broadcast_in_dim3A_15 = vector.shape_cast %broadcast_in_dim3A_14 : vector<128x1x512xf32> to vector<128x1x512xf32>
    %broadcast_in_dim3A_16 = vector.broadcast %broadcast_in_dim3A_15 : vector<128x1x512xf32> to vector<128x16x512xf32>
    %reshape3A = vector.shape_cast %broadcast_in_dim3A_16 : vector<128x16x512xf32> to vector<2048x512xf32>
    %broadcast_in_dim3A_17 = vector.shape_cast %max3A_13 : vector<128x1xf32> to vector<128x1x1xf32>
    %broadcast_in_dim3A_18 = vector.shape_cast %broadcast_in_dim3A_17 : vector<128x1x1xf32> to vector<128x1x1xf32>
    %broadcast_in_dim3A_19 = vector.broadcast %broadcast_in_dim3A_18 : vector<128x1x1xf32> to vector<128x16x1xf32>
    %reshape3A_20 = vector.shape_cast %broadcast_in_dim3A_19 : vector<128x16x1xf32> to vector<2048x1xf32>
    %get3A_21 = arith.constant 0 : index
    %get3A_22 = arith.constant 0 : index
    %get3A_23 = vector.load %arg4[%get3A_21, %get3A_22] : memref<128x128xf32, #tpu.memory_space<vmem>>, vector<128x128xf32>
    %broadcast_in_dim3A_24 = vector.shape_cast %get3A_23 : vector<128x128xf32> to vector<128x1x128xf32>
    %broadcast_in_dim3A_25 = vector.shape_cast %broadcast_in_dim3A_24 : vector<128x1x128xf32> to vector<128x1x128xf32>
    %broadcast_in_dim3A_26 = vector.broadcast %broadcast_in_dim3A_25 : vector<128x1x128xf32> to vector<128x16x128xf32>
    %reshape3A_27 = vector.shape_cast %broadcast_in_dim3A_26 : vector<128x16x128xf32> to vector<2048x128xf32>
    %get3A_28 = arith.constant 0 : index
    %get3A_29 = arith.constant 0 : index
    %get3A_30 = vector.load %arg2[%get3A_28, %get3A_29] : memref<2048x128xf32, #tpu.memory_space<vmem>>, vector<2048x128xf32>
    %sub3A = arith.subf %reshape3A_27, %get3A_30 : vector<2048x128xf32>
    %convert_element_type3A = arith.truncf %sub3A : vector<2048x128xf32> to vector<2048x128xbf16>
    %get3A_31 = arith.constant 0 : index
    %get3A_32 = arith.constant 0 : index
    %get3A_33 = vector.load %arg6[%get3A_31, %get3A_32] : memref<128x512xbf16, #tpu.memory_space<vmem>>, vector<128x512xbf16>
    %dot_general3A = arith.constant dense<0.000000e+00> : vector<2048x512xf32>
    %dot_general3A_34 = tpu.matmul %convert_element_type3A, %get3A_33, %dot_general3A {dimension_numbers = #tpu.dot_dimension_numbers<[1], [0], [0], [1], [0, 0, 1, 1], [], []>, transpose_lhs_hint = false} : vector<2048x128xbf16>, vector<128x512xbf16>, vector<2048x512xf32> -> vector<2048x512xf32>
    %get3A_35 = arith.constant 0 : index
    %get3A_36 = arith.constant 0 : index
    %get3A_37 = vector.load %arg7[%get3A_35, %get3A_36] : memref<1x512xf32, #tpu.memory_space<vmem>>, vector<1x512xf32>
    %add3A = vector.broadcast %get3A_37 : vector<1x512xf32> to vector<2048x512xf32>
    %add3A_38 = arith.addf %dot_general3A_34, %add3A : vector<2048x512xf32>
    %max3A_39 = arith.constant 0.000000e+00 : f32
    %max3A_40 = vector.broadcast %max3A_39 : f32 to vector<2048x512xf32>
    %max3A_41 = arith.maximumf %add3A_38, %max3A_40 : vector<2048x512xf32>
    %convert_element_type3A_42 = arith.truncf %max3A_41 : vector<2048x512xf32> to vector<2048x512xbf16>
    %get3A_43 = arith.constant 0 : index
    %get3A_44 = arith.constant 0 : index
    %get3A_45 = vector.load %arg8[%get3A_43, %get3A_44] : memref<512x512xbf16, #tpu.memory_space<vmem>>, vector<512x512xbf16>
    %dot_general3A_46 = arith.constant dense<0.000000e+00> : vector<2048x512xf32>
    %dot_general3A_47 = tpu.matmul %convert_element_type3A_42, %get3A_45, %dot_general3A_46 {dimension_numbers = #tpu.dot_dimension_numbers<[1], [0], [0], [1], [0, 0, 1, 1], [], []>, transpose_lhs_hint = false} : vector<2048x512xbf16>, vector<512x512xbf16>, vector<2048x512xf32> -> vector<2048x512xf32>
    %get3A_48 = arith.constant 0 : index
    %get3A_49 = arith.constant 0 : index
    %get3A_50 = vector.load %arg9[%get3A_48, %get3A_49] : memref<1x512xf32, #tpu.memory_space<vmem>>, vector<1x512xf32>
    %add3A_51 = vector.broadcast %get3A_50 : vector<1x512xf32> to vector<2048x512xf32>
    %add3A_52 = arith.addf %dot_general3A_47, %add3A_51 : vector<2048x512xf32>
    %mul3A_53 = arith.mulf %reshape3A, %bitcast_convert_type3A_4 : vector<2048x512xf32>
    %reduce_sum3A_54 = arith.constant dense<0.000000e+00> : vector<2048xf32>
    %reduce_sum3A_55 = vector.multi_reduction <add>, %mul3A_53, %reduce_sum3A_54 [1] : vector<2048x512xf32> to vector<2048xf32>
    %broadcast_in_dim3A_56 = vector.shape_cast %reduce_sum3A_55 : vector<2048xf32> to vector<2048x1xf32>
    %get3A_57 = arith.constant 0 : index
    %get3A_58 = arith.constant 0 : index
    %get3A_59 = vector.load %arg2[%get3A_57, %get3A_58] : memref<2048x128xf32, #tpu.memory_space<vmem>>, vector<2048x128xf32>
    %slice3A = vector.extract_strided_slice %get3A_59 {offsets = [0, 3], sizes = [2048, 1], strides = [1, 1]} : vector<2048x128xf32> to vector<2048x1xf32>
    %div3A = arith.constant 1.000000e+00 : f32
    %div3A_60 = vector.broadcast %div3A : f32 to vector<2048x1xf32>
    %div3A_61 = arith.divf %div3A_60, %reshape3A_20 : vector<2048x1xf32>
    %mul3A_62 = arith.mulf %div3A_61, %slice3A : vector<2048x1xf32>
    %mul3A_63 = arith.mulf %broadcast_in_dim3A_56, %mul3A_62 : vector<2048x1xf32>
    %sub3A_64 = arith.subf %reshape3A, %bitcast_convert_type3A_4 : vector<2048x512xf32>
    %convert_element_type3A_65 = arith.truncf %sub3A_64 : vector<2048x512xf32> to vector<2048x512xbf16>
    %get3A_66 = arith.constant 0 : index
    %get3A_67 = arith.constant 0 : index
    %get3A_68 = vector.load %arg10[%get3A_66, %get3A_67] : memref<1x512xf32, #tpu.memory_space<vmem>>, vector<1x512xf32>
    %mul3A_69 = vector.broadcast %mul3A_63 : vector<2048x1xf32> to vector<2048x512xf32>
    %mul3A_70 = vector.broadcast %get3A_68 : vector<1x512xf32> to vector<2048x512xf32>
    %mul3A_71 = arith.mulf %mul3A_69, %mul3A_70 : vector<2048x512xf32>
    %get3A_72 = arith.constant 0 : index
    %get3A_73 = arith.constant 0 : index
    %get3A_74 = vector.load %arg11[%get3A_72, %get3A_73] : memref<512x512xbf16, #tpu.memory_space<vmem>>, vector<512x512xbf16>
    %dot_general3A_75 = arith.constant dense<0.000000e+00> : vector<2048x512xf32>
    %dot_general3A_76 = tpu.matmul %convert_element_type3A_65, %get3A_74, %dot_general3A_75 {dimension_numbers = #tpu.dot_dimension_numbers<[1], [0], [0], [1], [0, 0, 1, 1], [], []>, transpose_lhs_hint = false} : vector<2048x512xbf16>, vector<512x512xbf16>, vector<2048x512xf32> -> vector<2048x512xf32>
    %add3A_77 = arith.addf %mul3A_71, %dot_general3A_76 : vector<2048x512xf32>
    %get3A_78 = arith.constant 0 : index
    %get3A_79 = arith.constant 0 : index
    %get3A_80 = vector.load %arg12[%get3A_78, %get3A_79] : memref<1x512xf32, #tpu.memory_space<vmem>>, vector<1x512xf32>
    %add3A_81 = vector.broadcast %get3A_80 : vector<1x512xf32> to vector<2048x512xf32>
    %add3A_82 = arith.addf %add3A_77, %add3A_81 : vector<2048x512xf32>
    %add3A_83 = arith.addf %add3A_82, %add3A_52 : vector<2048x512xf32>
    %convert_element_type3A_84 = arith.truncf %add3A_83 : vector<2048x512xf32> to vector<2048x512xbf16>
    %get3A_85 = arith.constant 0 : index
    %get3A_86 = arith.constant 0 : index
    %get3A_87 = vector.load %arg13[%get3A_85, %get3A_86] : memref<512x512xbf16, #tpu.memory_space<vmem>>, vector<512x512xbf16>
    %dot_general3A_88 = arith.constant dense<0.000000e+00> : vector<2048x512xf32>
    %dot_general3A_89 = tpu.matmul %convert_element_type3A_84, %get3A_87, %dot_general3A_88 {dimension_numbers = #tpu.dot_dimension_numbers<[1], [0], [0], [1], [0, 0, 1, 1], [], []>, transpose_lhs_hint = false} : vector<2048x512xbf16>, vector<512x512xbf16>, vector<2048x512xf32> -> vector<2048x512xf32>
    %get3A_90 = arith.constant 0 : index
    %get3A_91 = arith.constant 0 : index
    %get3A_92 = vector.load %arg14[%get3A_90, %get3A_91] : memref<1x512xf32, #tpu.memory_space<vmem>>, vector<1x512xf32>
    %add3A_93 = vector.broadcast %get3A_92 : vector<1x512xf32> to vector<2048x512xf32>
    %add3A_94 = arith.addf %dot_general3A_89, %add3A_93 : vector<2048x512xf32>
    %max3A_95 = arith.constant 0.000000e+00 : f32
    %max3A_96 = vector.broadcast %max3A_95 : f32 to vector<2048x512xf32>
    %max3A_97 = arith.maximumf %add3A_94, %max3A_96 : vector<2048x512xf32>
    %convert_element_type3A_98 = arith.truncf %max3A_97 : vector<2048x512xf32> to vector<2048x512xbf16>
    %get3A_99 = arith.constant 0 : index
    %get3A_100 = arith.constant 0 : index
    %get3A_101 = vector.load %arg15[%get3A_99, %get3A_100] : memref<512x512xbf16, #tpu.memory_space<vmem>>, vector<512x512xbf16>
    %dot_general3A_102 = arith.constant dense<0.000000e+00> : vector<2048x512xf32>
    %dot_general3A_103 = tpu.matmul %convert_element_type3A_98, %get3A_101, %dot_general3A_102 {dimension_numbers = #tpu.dot_dimension_numbers<[1], [0], [0], [1], [0, 0, 1, 1], [], []>, transpose_lhs_hint = false} : vector<2048x512xbf16>, vector<512x512xbf16>, vector<2048x512xf32> -> vector<2048x512xf32>
    %get3A_104 = arith.constant 0 : index
    %get3A_105 = arith.constant 0 : index
    %get3A_106 = vector.load %arg16[%get3A_104, %get3A_105] : memref<1x512xf32, #tpu.memory_space<vmem>>, vector<1x512xf32>
    %add3A_107 = vector.broadcast %get3A_106 : vector<1x512xf32> to vector<2048x512xf32>
    %add3A_108 = arith.addf %dot_general3A_103, %add3A_107 : vector<2048x512xf32>
    %mul3A_109 = arith.constant 0.0441941731 : f32
    %mul3A_110 = vector.broadcast %mul3A_109 : f32 to vector<2048x512xf32>
    %mul3A_111 = arith.mulf %add3A_108, %mul3A_110 : vector<2048x512xf32>
    %reshape3A_112 = vector.shape_cast %mul3A_111 : vector<2048x512xf32> to vector<128x16x512xf32>
    %exp3A = math.exp %reshape3A_112 : vector<128x16x512xf32>
    %reduce_sum3A_113 = arith.constant dense<0.000000e+00> : vector<128x512xf32>
    %reduce_sum3A_114 = vector.multi_reduction <add>, %exp3A, %reduce_sum3A_113 [1] : vector<128x16x512xf32> to vector<128x512xf32>
    %broadcast_in_dim3A_115 = vector.shape_cast %reduce_sum3A_114 : vector<128x512xf32> to vector<128x1x512xf32>
    %div3A_116 = arith.constant 1.000000e+00 : f32
    %div3A_117 = vector.broadcast %div3A_116 : f32 to vector<128x1x512xf32>
    %div3A_118 = arith.divf %div3A_117, %broadcast_in_dim3A_115 : vector<128x1x512xf32>
    %mul3A_119 = vector.broadcast %div3A_118 : vector<128x1x512xf32> to vector<128x16x512xf32>
    %mul3A_120 = arith.mulf %exp3A, %mul3A_119 : vector<128x16x512xf32>
    %reshape3A_121 = vector.shape_cast %mul3A_120 : vector<128x16x512xf32> to vector<2048x512xf32>
    %swap3A = arith.constant 0 : index
    %swap3A_122 = arith.constant 0 : index
    %swap3A_123 = vector.load %arg19[%swap3A, %swap3A_122] : memref<2048x512xf32, #tpu.memory_space<vmem>>, vector<2048x512xf32>
    tpu.vector_store %arg19[%swap3A, %swap3A_122], %reshape3A_121 {strides = array<i32>} : memref<2048x512xf32, #tpu.memory_space<vmem>>, vector<2048x512xf32>,
    %add3A_124 = arith.addf %bitcast_convert_type3A_7, %add3A_52 : vector<2048x512xf32>
    %reshape3A_125 = vector.shape_cast %add3A_124 : vector<2048x512xf32> to vector<128x16x512xf32>
    %mul3A_126 = arith.mulf %mul3A_120, %reshape3A_125 : vector<128x16x512xf32>
    %reduce_sum3A_127 = arith.constant dense<0.000000e+00> : vector<128x512xf32>
    %reduce_sum3A_128 = vector.multi_reduction <add>, %mul3A_126, %reduce_sum3A_127 [1] : vector<128x16x512xf32> to vector<128x512xf32>
    %get3A_129 = arith.constant 0 : index
    %get3A_130 = arith.constant 0 : index
    %get3A_131 = vector.load %arg17[%get3A_129, %get3A_130] : memref<512x128xf32, #tpu.memory_space<vmem>>, vector<512x128xf32>
    %dot_general3A_132 = arith.constant dense<0.000000e+00> : vector<128x128xf32>
    %dot_general3A_133 = tpu.matmul %reduce_sum3A_128, %get3A_131, %dot_general3A_132 {dimension_numbers = #tpu.dot_dimension_numbers<[1], [0], [0], [1], [0, 0, 1, 1], [], []>, precision = #tpu.contract_precision<fp32>, transpose_lhs_hint = false} : vector<128x512xf32>, vector<512x128xf32>, vector<128x128xf32> -> vector<128x128xf32>
    %get3A_134 = arith.constant 0 : index
    %get3A_135 = arith.constant 0 : index
    %get3A_136 = vector.load %arg18[%get3A_134, %get3A_135] : memref<1x128xf32, #tpu.memory_space<vmem>>, vector<1x128xf32>
    %add3A_137 = vector.broadcast %get3A_136 : vector<1x128xf32> to vector<128x128xf32>
    %add3A_138 = arith.addf %dot_general3A_133, %add3A_137 : vector<128x128xf32>
    %get3A_139 = arith.constant 0 : index
    %get3A_140 = arith.constant 0 : index
    %get3A_141 = vector.load %arg5[%get3A_139, %get3A_140] : memref<128x128xf32, #tpu.memory_space<vmem>>, vector<128x128xf32>
    %add3A_142 = arith.addf %add3A_138, %get3A_141 : vector<128x128xf32>
    %swap3A_143 = arith.constant 0 : index
    %swap3A_144 = arith.constant 0 : index
    %swap3A_145 = vector.load %arg20[%swap3A_143, %swap3A_144] : memref<128x128xf32, #tpu.memory_space<vmem>>, vector<128x128xf32>
    tpu.vector_store %arg20[%swap3A_143, %swap3A_144], %add3A_142 {strides = array<i32>} : memref<128x128xf32, #tpu.memory_space<vmem>>, vector<128x128xf32>,
    return
  }
  func.func @transform_0(%arg0: i32) -> (i32, i32) {
    %c0_i32 = arith.constant 0 : i32
    %c0_i32_0 = arith.constant 0 : i32
    return %arg0, %c0_i32 : i32, i32
  }
  func.func @transform_1(%arg0: i32) -> (i32, i32) {
    %c0_i32 = arith.constant 0 : i32
    %c0_i32_0 = arith.constant 0 : i32
    return %arg0, %c0_i32 : i32, i32
  }
  func.func @transform_2(%arg0: i32) -> (i32, i32) {
    %c0_i32 = arith.constant 0 : i32
    %c0_i32_0 = arith.constant 0 : i32
    return %arg0, %c0_i32 : i32, i32
  }
  func.func @transform_3(%arg0: i32) -> (i32, i32) {
    %c0_i32 = arith.constant 0 : i32
    %c0_i32_0 = arith.constant 0 : i32
    return %arg0, %c0_i32 : i32, i32
  }
  func.func @transform_4(%arg0: i32) -> (i32, i32) {
    %c0_i32 = arith.constant 0 : i32
    %c0_i32_0 = arith.constant 0 : i32
    return %arg0, %c0_i32 : i32, i32
  }
  func.func @transform_5(%arg0: i32) -> (i32, i32) {
    %c0_i32 = arith.constant 0 : i32
    %c0_i32_0 = arith.constant 0 : i32
    %c0_i32_1 = arith.constant 0 : i32
    return %c0_i32, %c0_i32_0 : i32, i32
  }
  func.func @transform_6(%arg0: i32) -> (i32, i32) {
    %c0_i32 = arith.constant 0 : i32
    %c0_i32_0 = arith.constant 0 : i32
    %c0_i32_1 = arith.constant 0 : i32
    return %c0_i32, %c0_i32_0 : i32, i32
  }
  func.func @transform_7(%arg0: i32) -> (i32, i32) {
    %c0_i32 = arith.constant 0 : i32
    %c0_i32_0 = arith.constant 0 : i32
    %c0_i32_1 = arith.constant 0 : i32
    return %c0_i32, %c0_i32_0 : i32, i32
  }
  func.func @transform_8(%arg0: i32) -> (i32, i32) {
    %c0_i32 = arith.constant 0 : i32
    %c0_i32_0 = arith.constant 0 : i32
    %c0_i32_1 = arith.constant 0 : i32
    return %c0_i32, %c0_i32_0 : i32, i32
  }
  func.func @transform_9(%arg0: i32) -> (i32, i32) {
    %c0_i32 = arith.constant 0 : i32
    %c0_i32_0 = arith.constant 0 : i32
    %c0_i32_1 = arith.constant 0 : i32
    return %c0_i32, %c0_i32_0 : i32, i32
  }
  func.func @transform_10(%arg0: i32) -> (i32, i32) {
    %c0_i32 = arith.constant 0 : i32
    %c0_i32_0 = arith.constant 0 : i32
    %c0_i32_1 = arith.constant 0 : i32
    return %c0_i32, %c0_i32_0 : i32, i32
  }
  func.func @transform_11(%arg0: i32) -> (i32, i32) {
    %c0_i32 = arith.constant 0 : i32
    %c0_i32_0 = arith.constant 0 : i32
    %c0_i32_1 = arith.constant 0 : i32
    return %c0_i32, %c0_i32_0 : i32, i32
  }
  func.func @transform_12(%arg0: i32) -> (i32, i32) {
    %c0_i32 = arith.constant 0 : i32
    %c0_i32_0 = arith.constant 0 : i32
    %c0_i32_1 = arith.constant 0 : i32
    return %c0_i32, %c0_i32_0 : i32, i32
  }
  func.func @transform_13(%arg0: i32) -> (i32, i32) {
    %c0_i32 = arith.constant 0 : i32
    %c0_i32_0 = arith.constant 0 : i32
    %c0_i32_1 = arith.constant 0 : i32
    return %c0_i32, %c0_i32_0 : i32, i32
  }
  func.func @transform_14(%arg0: i32) -> (i32, i32) {
    %c0_i32 = arith.constant 0 : i32
    %c0_i32_0 = arith.constant 0 : i32
    %c0_i32_1 = arith.constant 0 : i32
    return %c0_i32, %c0_i32_0 : i32, i32
  }
  func.func @transform_15(%arg0: i32) -> (i32, i32) {
    %c0_i32 = arith.constant 0 : i32
    %c0_i32_0 = arith.constant 0 : i32
    %c0_i32_1 = arith.constant 0 : i32
    return %c0_i32, %c0_i32_0 : i32, i32
  }
  func.func @transform_16(%arg0: i32) -> (i32, i32) {
    %c0_i32 = arith.constant 0 : i32
    %c0_i32_0 = arith.constant 0 : i32
    %c0_i32_1 = arith.constant 0 : i32
    return %c0_i32, %c0_i32_0 : i32, i32
  }
  func.func @transform_17(%arg0: i32) -> (i32, i32) {
    %c0_i32 = arith.constant 0 : i32
    %c0_i32_0 = arith.constant 0 : i32
    %c0_i32_1 = arith.constant 0 : i32
    return %c0_i32, %c0_i32_0 : i32, i32
  }
  func.func @transform_18(%arg0: i32) -> (i32, i32) {
    %add3A = arith.constant 0 : i32
    %add3A_0 = arith.addi %arg0, %add3A : i32
    %c0_i32 = arith.constant 0 : i32
    %c0_i32_1 = arith.constant 0 : i32
    return %add3A_0, %c0_i32 : i32, i32
  }
  func.func @transform_19(%arg0: i32) -> (i32, i32) {
    %add3A = arith.constant 0 : i32
    %add3A_0 = arith.addi %arg0, %add3A : i32
    %c0_i32 = arith.constant 0 : i32
    %c0_i32_1 = arith.constant 0 : i32
    return %add3A_0, %c0_i32 : i32, i32
  }
}

module attributes {stable_mosaic.version = 14 : i64} {
  func.func @body(%arg0: i32, %arg1: memref<2048x512xi32, #tpu.memory_space<vmem>>, %arg2: memref<2048x128xf32, #tpu.memory_space<vmem>>, %arg3: memref<128x512xf32, #tpu.memory_space<vmem>>, %arg4: memref<128x128xf32, #tpu.memory_space<vmem>>, %arg5: memref<128x128xf32, #tpu.memory_space<vmem>>, %arg6: memref<128x512xbf16, #tpu.memory_space<vmem>>, %arg7: memref<1x512xf32, #tpu.memory_space<vmem>>, %arg8: memref<512x512xbf16, #tpu.memory_space<vmem>>, %arg9: memref<1x512xf32, #tpu.memory_space<vmem>>, %arg10: memref<1x512xf32, #tpu.memory_space<vmem>>, %arg11: memref<512x512xbf16, #tpu.memory_space<vmem>>, %arg12: memref<1x512xf32, #tpu.memory_space<vmem>>, %arg13: memref<512x512xbf16, #tpu.memory_space<vmem>>, %arg14: memref<1x512xf32, #tpu.memory_space<vmem>>, %arg15: memref<512x512xbf16, #tpu.memory_space<vmem>>, %arg16: memref<1x512xf32, #tpu.memory_space<vmem>>, %arg17: memref<512x128xf32, #tpu.memory_space<vmem>>, %arg18: memref<1x128xf32, #tpu.memory_space<vmem>>, %arg19: memref<65536x512xf32, #tpu.memory_space<hbm>>, %arg20: memref<4096x128xf32, #tpu.memory_space<hbm>>, %arg21: memref<2048x512xf32, #tpu.memory_space<vmem>>, %arg22: memref<128x128xf32, #tpu.memory_space<vmem>>) attributes {dimension_semantics = [#tpu.dimension_semantics<arbitrary>], iteration_bounds = array<i64: 16>, scalar_prefetch = 0 : i64, scratch_operands = 0 : i64, tpu.core_type = #tpu.core_type<tc>, window_params = [{transform_indices = @transform_0, window_bounds = array<i64: 2048, 512>}, {transform_indices = @transform_1, window_bounds = array<i64: 2048, 128>}, {transform_indices = @transform_2, window_bounds = array<i64: 128, 512>}, {transform_indices = @transform_3, window_bounds = array<i64: 128, 128>}, {transform_indices = @transform_4, window_bounds = array<i64: 128, 128>}, {pipeline_mode = #tpu.pipeline_mode<synchronous>, transform_indices = @transform_5, window_bounds = array<i64: 128, 512>}, {pipeline_mode = #tpu.pipeline_mode<synchronous>, transform_indices = @transform_6, window_bounds = array<i64: 1, 512>}, {pipeline_mode = #tpu.pipeline_mode<synchronous>, transform_indices = @transform_7, window_bounds = array<i64: 512, 512>}, {pipeline_mode = #tpu.pipeline_mode<synchronous>, transform_indices = @transform_8, window_bounds = array<i64: 1, 512>}, {pipeline_mode = #tpu.pipeline_mode<synchronous>, transform_indices = @transform_9, window_bounds = array<i64: 1, 512>}, {pipeline_mode = #tpu.pipeline_mode<synchronous>, transform_indices = @transform_10, window_bounds = array<i64: 512, 512>}, {pipeline_mode = #tpu.pipeline_mode<synchronous>, transform_indices = @transform_11, window_bounds = array<i64: 1, 512>}, {pipeline_mode = #tpu.pipeline_mode<synchronous>, transform_indices = @transform_12, window_bounds = array<i64: 512, 512>}, {pipeline_mode = #tpu.pipeline_mode<synchronous>, transform_indices = @transform_13, window_bounds = array<i64: 1, 512>}, {pipeline_mode = #tpu.pipeline_mode<synchronous>, transform_indices = @transform_14, window_bounds = array<i64: 512, 512>}, {pipeline_mode = #tpu.pipeline_mode<synchronous>, transform_indices = @transform_15, window_bounds = array<i64: 1, 512>}, {pipeline_mode = #tpu.pipeline_mode<synchronous>, transform_indices = @transform_16, window_bounds = array<i64: 512, 128>}, {pipeline_mode = #tpu.pipeline_mode<synchronous>, transform_indices = @transform_17, window_bounds = array<i64: 1, 128>}, {}, {}, {transform_indices = @transform_20, window_bounds = array<i64: 2048, 512>}, {transform_indices = @transform_21, window_bounds = array<i64: 128, 128>}]} {
    %get3A = arith.constant 0 : index
    %get3A_0 = arith.constant 0 : index
    %get3A_1 = vector.load %arg1[%get3A, %get3A_0] : memref<2048x512xi32, #tpu.memory_space<vmem>>, vector<2048x512xi32>
    %bitcast_convert_type3A = tpu.bitcast %get3A_1 : vector<2048x512xi32> -> vector<2048x512xi32>
    %and3A = arith.constant -65536 : i32
    %and3A_2 = vector.broadcast %and3A : i32 to vector<2048x512xi32>
    %and3A_3 = arith.andi %bitcast_convert_type3A, %and3A_2 : vector<2048x512xi32>
    %bitcast_convert_type3A_4 = tpu.bitcast %and3A_3 : vector<2048x512xi32> -> vector<2048x512xf32>
    %shift_left3A = arith.constant 16 : i32
    %shift_left3A_5 = vector.broadcast %shift_left3A : i32 to vector<2048x512xi32>
    %shift_left3A_6 = arith.shli %bitcast_convert_type3A, %shift_left3A_5 : vector<2048x512xi32>
    %bitcast_convert_type3A_7 = tpu.bitcast %shift_left3A_6 : vector<2048x512xi32> -> vector<2048x512xf32>
    %get3A_8 = arith.constant 0 : index
    %get3A_9 = arith.constant 0 : index
    %get3A_10 = vector.load %arg3[%get3A_8, %get3A_9] : memref<128x512xf32, #tpu.memory_space<vmem>>, vector<128x512xf32>
    %mul3A = arith.mulf %get3A_10, %get3A_10 : vector<128x512xf32>
    %reduce_sum3A = arith.constant dense<0.000000e+00> : vector<128xf32>
    %reduce_sum3A_11 = vector.multi_reduction <add>, %mul3A, %reduce_sum3A [1] : vector<128x512xf32> to vector<128xf32>
    %broadcast_in_dim3A = vector.shape_cast %reduce_sum3A_11 : vector<128xf32> to vector<128x1xf32>
    %sqrt3A = math.sqrt %broadcast_in_dim3A : vector<128x1xf32>
    %max3A = arith.constant 9.99999993E-9 : f32
    %max3A_12 = vector.broadcast %max3A : f32 to vector<128x1xf32>
    %max3A_13 = arith.maximumf %sqrt3A, %max3A_12 : vector<128x1xf32>
    %broadcast_in_dim3A_14 = vector.shape_cast %get3A_10 : vector<128x512xf32> to vector<128x1x512xf32>
    %broadcast_in_dim3A_15 = vector.shape_cast %broadcast_in_dim3A_14 : vector<128x1x512xf32> to vector<128x1x512xf32>
    %broadcast_in_dim3A_16 = vector.broadcast %broadcast_in_dim3A_15 : vector<128x1x512xf32> to vector<128x16x512xf32>
    %reshape3A = vector.shape_cast %broadcast_in_dim3A_16 : vector<128x16x512xf32> to vector<2048x512xf32>
    %broadcast_in_dim3A_17 = vector.shape_cast %max3A_13 : vector<128x1xf32> to vector<128x1x1xf32>
    %broadcast_in_dim3A_18 = vector.shape_cast %broadcast_in_dim3A_17 : vector<128x1x1xf32> to vector<128x1x1xf32>
    %broadcast_in_dim3A_19 = vector.broadcast %broadcast_in_dim3A_18 : vector<128x1x1xf32> to vector<128x16x1xf32>
    %reshape3A_20 = vector.shape_cast %broadcast_in_dim3A_19 : vector<128x16x1xf32> to vector<2048x1xf32>
    %get3A_21 = arith.constant 0 : index
    %get3A_22 = arith.constant 0 : index
    %get3A_23 = vector.load %arg4[%get3A_21, %get3A_22] : memref<128x128xf32, #tpu.memory_space<vmem>>, vector<128x128xf32>
    %broadcast_in_dim3A_24 = vector.shape_cast %get3A_23 : vector<128x128xf32> to vector<128x1x128xf32>
    %broadcast_in_dim3A_25 = vector.shape_cast %broadcast_in_dim3A_24 : vector<128x1x128xf32> to vector<128x1x128xf32>
    %broadcast_in_dim3A_26 = vector.broadcast %broadcast_in_dim3A_25 : vector<128x1x128xf32> to vector<128x16x128xf32>
    %reshape3A_27 = vector.shape_cast %broadcast_in_dim3A_26 : vector<128x16x128xf32> to vector<2048x128xf32>
    %get3A_28 = arith.constant 0 : index
    %get3A_29 = arith.constant 0 : index
    %get3A_30 = vector.load %arg2[%get3A_28, %get3A_29] : memref<2048x128xf32, #tpu.memory_space<vmem>>, vector<2048x128xf32>
    %sub3A = arith.subf %reshape3A_27, %get3A_30 : vector<2048x128xf32>
    %convert_element_type3A = arith.truncf %sub3A : vector<2048x128xf32> to vector<2048x128xbf16>
    %get3A_31 = arith.constant 0 : index
    %get3A_32 = arith.constant 0 : index
    %get3A_33 = vector.load %arg6[%get3A_31, %get3A_32] : memref<128x512xbf16, #tpu.memory_space<vmem>>, vector<128x512xbf16>
    %dot_general3A = arith.constant dense<0.000000e+00> : vector<2048x512xf32>
    %dot_general3A_34 = tpu.matmul %convert_element_type3A, %get3A_33, %dot_general3A {dimension_numbers = #tpu.dot_dimension_numbers<[1], [0], [0], [1], [0, 0, 1, 1], [], []>, transpose_lhs_hint = false} : vector<2048x128xbf16>, vector<128x512xbf16>, vector<2048x512xf32> -> vector<2048x512xf32>
    %get3A_35 = arith.constant 0 : index
    %get3A_36 = arith.constant 0 : index
    %get3A_37 = vector.load %arg7[%get3A_35, %get3A_36] : memref<1x512xf32, #tpu.memory_space<vmem>>, vector<1x512xf32>
    %add3A = vector.broadcast %get3A_37 : vector<1x512xf32> to vector<2048x512xf32>
    %add3A_38 = arith.addf %dot_general3A_34, %add3A : vector<2048x512xf32>
    %max3A_39 = arith.constant 0.000000e+00 : f32
    %max3A_40 = vector.broadcast %max3A_39 : f32 to vector<2048x512xf32>
    %max3A_41 = arith.maximumf %add3A_38, %max3A_40 : vector<2048x512xf32>
    %convert_element_type3A_42 = arith.truncf %max3A_41 : vector<2048x512xf32> to vector<2048x512xbf16>
    %get3A_43 = arith.constant 0 : index
    %get3A_44 = arith.constant 0 : index
    %get3A_45 = vector.load %arg8[%get3A_43, %get3A_44] : memref<512x512xbf16, #tpu.memory_space<vmem>>, vector<512x512xbf16>
    %dot_general3A_46 = arith.constant dense<0.000000e+00> : vector<2048x512xf32>
    %dot_general3A_47 = tpu.matmul %convert_element_type3A_42, %get3A_45, %dot_general3A_46 {dimension_numbers = #tpu.dot_dimension_numbers<[1], [0], [0], [1], [0, 0, 1, 1], [], []>, transpose_lhs_hint = false} : vector<2048x512xbf16>, vector<512x512xbf16>, vector<2048x512xf32> -> vector<2048x512xf32>
    %get3A_48 = arith.constant 0 : index
    %get3A_49 = arith.constant 0 : index
    %get3A_50 = vector.load %arg9[%get3A_48, %get3A_49] : memref<1x512xf32, #tpu.memory_space<vmem>>, vector<1x512xf32>
    %add3A_51 = vector.broadcast %get3A_50 : vector<1x512xf32> to vector<2048x512xf32>
    %add3A_52 = arith.addf %dot_general3A_47, %add3A_51 : vector<2048x512xf32>
    %mul3A_53 = arith.mulf %reshape3A, %bitcast_convert_type3A_4 : vector<2048x512xf32>
    %reduce_sum3A_54 = arith.constant dense<0.000000e+00> : vector<2048xf32>
    %reduce_sum3A_55 = vector.multi_reduction <add>, %mul3A_53, %reduce_sum3A_54 [1] : vector<2048x512xf32> to vector<2048xf32>
    %broadcast_in_dim3A_56 = vector.shape_cast %reduce_sum3A_55 : vector<2048xf32> to vector<2048x1xf32>
    %get3A_57 = arith.constant 0 : index
    %get3A_58 = arith.constant 0 : index
    %get3A_59 = vector.load %arg2[%get3A_57, %get3A_58] : memref<2048x128xf32, #tpu.memory_space<vmem>>, vector<2048x128xf32>
    %slice3A = vector.extract_strided_slice %get3A_59 {offsets = [0, 3], sizes = [2048, 1], strides = [1, 1]} : vector<2048x128xf32> to vector<2048x1xf32>
    %div3A = arith.constant 1.000000e+00 : f32
    %div3A_60 = vector.broadcast %div3A : f32 to vector<2048x1xf32>
    %div3A_61 = arith.divf %div3A_60, %reshape3A_20 : vector<2048x1xf32>
    %mul3A_62 = arith.mulf %div3A_61, %slice3A : vector<2048x1xf32>
    %mul3A_63 = arith.mulf %broadcast_in_dim3A_56, %mul3A_62 : vector<2048x1xf32>
    %sub3A_64 = arith.subf %reshape3A, %bitcast_convert_type3A_4 : vector<2048x512xf32>
    %convert_element_type3A_65 = arith.truncf %sub3A_64 : vector<2048x512xf32> to vector<2048x512xbf16>
    %get3A_66 = arith.constant 0 : index
    %get3A_67 = arith.constant 0 : index
    %get3A_68 = vector.load %arg10[%get3A_66, %get3A_67] : memref<1x512xf32, #tpu.memory_space<vmem>>, vector<1x512xf32>
    %mul3A_69 = vector.broadcast %mul3A_63 : vector<2048x1xf32> to vector<2048x512xf32>
    %mul3A_70 = vector.broadcast %get3A_68 : vector<1x512xf32> to vector<2048x512xf32>
    %mul3A_71 = arith.mulf %mul3A_69, %mul3A_70 : vector<2048x512xf32>
    %get3A_72 = arith.constant 0 : index
    %get3A_73 = arith.constant 0 : index
    %get3A_74 = vector.load %arg11[%get3A_72, %get3A_73] : memref<512x512xbf16, #tpu.memory_space<vmem>>, vector<512x512xbf16>
    %dot_general3A_75 = arith.constant dense<0.000000e+00> : vector<2048x512xf32>
    %dot_general3A_76 = tpu.matmul %convert_element_type3A_65, %get3A_74, %dot_general3A_75 {dimension_numbers = #tpu.dot_dimension_numbers<[1], [0], [0], [1], [0, 0, 1, 1], [], []>, transpose_lhs_hint = false} : vector<2048x512xbf16>, vector<512x512xbf16>, vector<2048x512xf32> -> vector<2048x512xf32>
    %add3A_77 = arith.addf %mul3A_71, %dot_general3A_76 : vector<2048x512xf32>
    %get3A_78 = arith.constant 0 : index
    %get3A_79 = arith.constant 0 : index
    %get3A_80 = vector.load %arg12[%get3A_78, %get3A_79] : memref<1x512xf32, #tpu.memory_space<vmem>>, vector<1x512xf32>
    %add3A_81 = vector.broadcast %get3A_80 : vector<1x512xf32> to vector<2048x512xf32>
    %add3A_82 = arith.addf %add3A_77, %add3A_81 : vector<2048x512xf32>
    %add3A_83 = arith.addf %add3A_82, %add3A_52 : vector<2048x512xf32>
    %convert_element_type3A_84 = arith.truncf %add3A_83 : vector<2048x512xf32> to vector<2048x512xbf16>
    %get3A_85 = arith.constant 0 : index
    %get3A_86 = arith.constant 0 : index
    %get3A_87 = vector.load %arg13[%get3A_85, %get3A_86] : memref<512x512xbf16, #tpu.memory_space<vmem>>, vector<512x512xbf16>
    %dot_general3A_88 = arith.constant dense<0.000000e+00> : vector<2048x512xf32>
    %dot_general3A_89 = tpu.matmul %convert_element_type3A_84, %get3A_87, %dot_general3A_88 {dimension_numbers = #tpu.dot_dimension_numbers<[1], [0], [0], [1], [0, 0, 1, 1], [], []>, transpose_lhs_hint = false} : vector<2048x512xbf16>, vector<512x512xbf16>, vector<2048x512xf32> -> vector<2048x512xf32>
    %get3A_90 = arith.constant 0 : index
    %get3A_91 = arith.constant 0 : index
    %get3A_92 = vector.load %arg14[%get3A_90, %get3A_91] : memref<1x512xf32, #tpu.memory_space<vmem>>, vector<1x512xf32>
    %add3A_93 = vector.broadcast %get3A_92 : vector<1x512xf32> to vector<2048x512xf32>
    %add3A_94 = arith.addf %dot_general3A_89, %add3A_93 : vector<2048x512xf32>
    %max3A_95 = arith.constant 0.000000e+00 : f32
    %max3A_96 = vector.broadcast %max3A_95 : f32 to vector<2048x512xf32>
    %max3A_97 = arith.maximumf %add3A_94, %max3A_96 : vector<2048x512xf32>
    %convert_element_type3A_98 = arith.truncf %max3A_97 : vector<2048x512xf32> to vector<2048x512xbf16>
    %get3A_99 = arith.constant 0 : index
    %get3A_100 = arith.constant 0 : index
    %get3A_101 = vector.load %arg15[%get3A_99, %get3A_100] : memref<512x512xbf16, #tpu.memory_space<vmem>>, vector<512x512xbf16>
    %dot_general3A_102 = arith.constant dense<0.000000e+00> : vector<2048x512xf32>
    %dot_general3A_103 = tpu.matmul %convert_element_type3A_98, %get3A_101, %dot_general3A_102 {dimension_numbers = #tpu.dot_dimension_numbers<[1], [0], [0], [1], [0, 0, 1, 1], [], []>, transpose_lhs_hint = false} : vector<2048x512xbf16>, vector<512x512xbf16>, vector<2048x512xf32> -> vector<2048x512xf32>
    %get3A_104 = arith.constant 0 : index
    %get3A_105 = arith.constant 0 : index
    %get3A_106 = vector.load %arg16[%get3A_104, %get3A_105] : memref<1x512xf32, #tpu.memory_space<vmem>>, vector<1x512xf32>
    %add3A_107 = vector.broadcast %get3A_106 : vector<1x512xf32> to vector<2048x512xf32>
    %add3A_108 = arith.addf %dot_general3A_103, %add3A_107 : vector<2048x512xf32>
    %mul3A_109 = arith.constant 0.0441941731 : f32
    %mul3A_110 = vector.broadcast %mul3A_109 : f32 to vector<2048x512xf32>
    %mul3A_111 = arith.mulf %add3A_108, %mul3A_110 : vector<2048x512xf32>
    %reshape3A_112 = vector.shape_cast %mul3A_111 : vector<2048x512xf32> to vector<128x16x512xf32>
    %exp3A = math.exp %reshape3A_112 : vector<128x16x512xf32>
    %reduce_sum3A_113 = arith.constant dense<0.000000e+00> : vector<128x512xf32>
    %reduce_sum3A_114 = vector.multi_reduction <add>, %exp3A, %reduce_sum3A_113 [1] : vector<128x16x512xf32> to vector<128x512xf32>
    %broadcast_in_dim3A_115 = vector.shape_cast %reduce_sum3A_114 : vector<128x512xf32> to vector<128x1x512xf32>
    %div3A_116 = arith.constant 1.000000e+00 : f32
    %div3A_117 = vector.broadcast %div3A_116 : f32 to vector<128x1x512xf32>
    %div3A_118 = arith.divf %div3A_117, %broadcast_in_dim3A_115 : vector<128x1x512xf32>
    %mul3A_119 = vector.broadcast %div3A_118 : vector<128x1x512xf32> to vector<128x16x512xf32>
    %mul3A_120 = arith.mulf %exp3A, %mul3A_119 : vector<128x16x512xf32>
    %reshape3A_121 = vector.shape_cast %mul3A_120 : vector<128x16x512xf32> to vector<2048x512xf32>
    %swap3A = arith.constant 0 : index
    %swap3A_122 = arith.constant 0 : index
    %swap3A_123 = vector.load %arg21[%swap3A, %swap3A_122] : memref<2048x512xf32, #tpu.memory_space<vmem>>, vector<2048x512xf32>
    tpu.vector_store %arg21[%swap3A, %swap3A_122], %reshape3A_121 {strides = array<i32>} : memref<2048x512xf32, #tpu.memory_space<vmem>>, vector<2048x512xf32>,
    %add3A_124 = arith.addf %bitcast_convert_type3A_7, %add3A_52 : vector<2048x512xf32>
    %reshape3A_125 = vector.shape_cast %add3A_124 : vector<2048x512xf32> to vector<128x16x512xf32>
    %mul3A_126 = arith.mulf %mul3A_120, %reshape3A_125 : vector<128x16x512xf32>
    %reduce_sum3A_127 = arith.constant dense<0.000000e+00> : vector<128x512xf32>
    %reduce_sum3A_128 = vector.multi_reduction <add>, %mul3A_126, %reduce_sum3A_127 [1] : vector<128x16x512xf32> to vector<128x512xf32>
    %get3A_129 = arith.constant 0 : index
    %get3A_130 = arith.constant 0 : index
    %get3A_131 = vector.load %arg17[%get3A_129, %get3A_130] : memref<512x128xf32, #tpu.memory_space<vmem>>, vector<512x128xf32>
    %dot_general3A_132 = arith.constant dense<0.000000e+00> : vector<128x128xf32>
    %dot_general3A_133 = tpu.matmul %reduce_sum3A_128, %get3A_131, %dot_general3A_132 {dimension_numbers = #tpu.dot_dimension_numbers<[1], [0], [0], [1], [0, 0, 1, 1], [], []>, precision = #tpu.contract_precision<fp32>, transpose_lhs_hint = false} : vector<128x512xf32>, vector<512x128xf32>, vector<128x128xf32> -> vector<128x128xf32>
    %get3A_134 = arith.constant 0 : index
    %get3A_135 = arith.constant 0 : index
    %get3A_136 = vector.load %arg18[%get3A_134, %get3A_135] : memref<1x128xf32, #tpu.memory_space<vmem>>, vector<1x128xf32>
    %add3A_137 = vector.broadcast %get3A_136 : vector<1x128xf32> to vector<128x128xf32>
    %add3A_138 = arith.addf %dot_general3A_133, %add3A_137 : vector<128x128xf32>
    %get3A_139 = arith.constant 0 : index
    %get3A_140 = arith.constant 0 : index
    %get3A_141 = vector.load %arg5[%get3A_139, %get3A_140] : memref<128x128xf32, #tpu.memory_space<vmem>>, vector<128x128xf32>
    %add3A_142 = arith.addf %add3A_138, %get3A_141 : vector<128x128xf32>
    %swap3A_143 = arith.constant 0 : index
    %swap3A_144 = arith.constant 0 : index
    %swap3A_145 = vector.load %arg22[%swap3A_143, %swap3A_144] : memref<128x128xf32, #tpu.memory_space<vmem>>, vector<128x128xf32>
    tpu.vector_store %arg22[%swap3A_143, %swap3A_144], %add3A_142 {strides = array<i32>} : memref<128x128xf32, #tpu.memory_space<vmem>>, vector<128x128xf32>,
    return
  }
  func.func @transform_0(%arg0: i32) -> (i32, i32) {
    %c0_i32 = arith.constant 0 : i32
    %c0_i32_0 = arith.constant 0 : i32
    return %arg0, %c0_i32 : i32, i32
  }
  func.func @transform_1(%arg0: i32) -> (i32, i32) {
    %c0_i32 = arith.constant 0 : i32
    %c0_i32_0 = arith.constant 0 : i32
    return %arg0, %c0_i32 : i32, i32
  }
  func.func @transform_2(%arg0: i32) -> (i32, i32) {
    %c0_i32 = arith.constant 0 : i32
    %c0_i32_0 = arith.constant 0 : i32
    return %arg0, %c0_i32 : i32, i32
  }
  func.func @transform_3(%arg0: i32) -> (i32, i32) {
    %c0_i32 = arith.constant 0 : i32
    %c0_i32_0 = arith.constant 0 : i32
    return %arg0, %c0_i32 : i32, i32
  }
  func.func @transform_4(%arg0: i32) -> (i32, i32) {
    %c0_i32 = arith.constant 0 : i32
    %c0_i32_0 = arith.constant 0 : i32
    return %arg0, %c0_i32 : i32, i32
  }
  func.func @transform_5(%arg0: i32) -> (i32, i32) {
    %c0_i32 = arith.constant 0 : i32
    %c0_i32_0 = arith.constant 0 : i32
    %c0_i32_1 = arith.constant 0 : i32
    return %c0_i32, %c0_i32_0 : i32, i32
  }
  func.func @transform_6(%arg0: i32) -> (i32, i32) {
    %c0_i32 = arith.constant 0 : i32
    %c0_i32_0 = arith.constant 0 : i32
    %c0_i32_1 = arith.constant 0 : i32
    return %c0_i32, %c0_i32_0 : i32, i32
  }
  func.func @transform_7(%arg0: i32) -> (i32, i32) {
    %c0_i32 = arith.constant 0 : i32
    %c0_i32_0 = arith.constant 0 : i32
    %c0_i32_1 = arith.constant 0 : i32
    return %c0_i32, %c0_i32_0 : i32, i32
  }
  func.func @transform_8(%arg0: i32) -> (i32, i32) {
    %c0_i32 = arith.constant 0 : i32
    %c0_i32_0 = arith.constant 0 : i32
    %c0_i32_1 = arith.constant 0 : i32
    return %c0_i32, %c0_i32_0 : i32, i32
  }
  func.func @transform_9(%arg0: i32) -> (i32, i32) {
    %c0_i32 = arith.constant 0 : i32
    %c0_i32_0 = arith.constant 0 : i32
    %c0_i32_1 = arith.constant 0 : i32
    return %c0_i32, %c0_i32_0 : i32, i32
  }
  func.func @transform_10(%arg0: i32) -> (i32, i32) {
    %c0_i32 = arith.constant 0 : i32
    %c0_i32_0 = arith.constant 0 : i32
    %c0_i32_1 = arith.constant 0 : i32
    return %c0_i32, %c0_i32_0 : i32, i32
  }
  func.func @transform_11(%arg0: i32) -> (i32, i32) {
    %c0_i32 = arith.constant 0 : i32
    %c0_i32_0 = arith.constant 0 : i32
    %c0_i32_1 = arith.constant 0 : i32
    return %c0_i32, %c0_i32_0 : i32, i32
  }
  func.func @transform_12(%arg0: i32) -> (i32, i32) {
    %c0_i32 = arith.constant 0 : i32
    %c0_i32_0 = arith.constant 0 : i32
    %c0_i32_1 = arith.constant 0 : i32
    return %c0_i32, %c0_i32_0 : i32, i32
  }
  func.func @transform_13(%arg0: i32) -> (i32, i32) {
    %c0_i32 = arith.constant 0 : i32
    %c0_i32_0 = arith.constant 0 : i32
    %c0_i32_1 = arith.constant 0 : i32
    return %c0_i32, %c0_i32_0 : i32, i32
  }
  func.func @transform_14(%arg0: i32) -> (i32, i32) {
    %c0_i32 = arith.constant 0 : i32
    %c0_i32_0 = arith.constant 0 : i32
    %c0_i32_1 = arith.constant 0 : i32
    return %c0_i32, %c0_i32_0 : i32, i32
  }
  func.func @transform_15(%arg0: i32) -> (i32, i32) {
    %c0_i32 = arith.constant 0 : i32
    %c0_i32_0 = arith.constant 0 : i32
    %c0_i32_1 = arith.constant 0 : i32
    return %c0_i32, %c0_i32_0 : i32, i32
  }
  func.func @transform_16(%arg0: i32) -> (i32, i32) {
    %c0_i32 = arith.constant 0 : i32
    %c0_i32_0 = arith.constant 0 : i32
    %c0_i32_1 = arith.constant 0 : i32
    return %c0_i32, %c0_i32_0 : i32, i32
  }
  func.func @transform_17(%arg0: i32) -> (i32, i32) {
    %c0_i32 = arith.constant 0 : i32
    %c0_i32_0 = arith.constant 0 : i32
    %c0_i32_1 = arith.constant 0 : i32
    return %c0_i32, %c0_i32_0 : i32, i32
  }
  func.func @transform_20(%arg0: i32) -> (i32, i32) {
    %add3A = arith.constant 16 : i32
    %add3A_0 = arith.addi %arg0, %add3A : i32
    %c0_i32 = arith.constant 0 : i32
    %c0_i32_1 = arith.constant 0 : i32
    return %add3A_0, %c0_i32 : i32, i32
  }
  func.func @transform_21(%arg0: i32) -> (i32, i32) {
    %add3A = arith.constant 16 : i32
    %add3A_0 = arith.addi %arg0, %add3A : i32
    %c0_i32 = arith.constant 0 : i32
    %c0_i32_1 = arith.constant 0 : i32
    return %add3A_0, %c0_i32 : i32, i32
  }
}

</mosaic_0001>

<sc_bundles>
// kernel: kernel.12.cloned.1.call-start
scs
__scs_entry_jumppad:
0x0: {  	(pc) =	sbr.rel $0x88, $3  }
0x1: {  	(tag) =	ssettag $0x0;
	lr =	simm.s32 $0x1  }
0x2: {  	[smem:$0x3F8E] =	sst lr;
	_ =	strace $0xD0000000  }
0x3: {  	_ = 	snop  }
0x4: {  	_ = 	snop  }
0x5: {  	_ = 	snop  }
0x6: {  	_ = 	snop  }
0x7: {  	_ = 	snop  }
__scs_overlays_trampoline_lowered:
0x8: {  	[smem:$0x3F9D] =	sst s0  }
0x9: {  	[smem:$0x3F9E] =	sst s1  }
0xa: {  	[smem:$0x3F9F] =	sst s2  }
0xb: {  	[smem:$0x3FA0] =	sst s3  }
0xc: {  	[smem:$0x3FA1] =	sst s4  }
0xd: {  	[smem:$0x3FA2] =	sst s5  }
0xe: {  	[smem:$0x3FA3] =	sst s6  }
0xf: {  	[smem:$0x3FA4] =	sst s7  }
0x10: {  	[smem:$0x3FA5] =	sst s8  }
0x11: {  	[smem:$0x3FA6] =	sst s9;
	s0 =	simm.s32 @!p0 $0x0  }
0x12: {  	s1 =	sld [smem:$0x3F8C];
	s0 =	simm.s32 @p0 $0x1  }
0x13: {  	[smem:$0x3FA7] =	sst s0;
	s0 =	simm.s32 @!p1 $0x0  }
0x14: {  	s2 =	sld [smem:$0x3F8B];
	s0 =	simm.s32 @p1 $0x1  }
0x15: {  	[smem:$0x3FA8] =	sst s0;
	s0 =	simm.s32 @!p2 $0x0  }
0x16: {  	s3 =	sld [smem:$0x3FDB];
	s0 =	simm.s32 @p2 $0x1  }
0x17: {  	s4 =	simm.s32 $0x1BF5;
	[smem:$0x3FAA] =	sst s0  }
0x18: {  	s0 =	sld [smem:$0x3F8D];
	_ =	swait.ge [sflag:s4], $0x0  }
0x19: {  	s7 =	sld [smem:$0x3F8E]  }
0x1a: {  	s8 =	sadd.s32 $0xFFFFE003, lr  }
0x1b: {  	s9 =	sadd.s32 $0xFFFFFEF7, lr;
	s5 =	simm.s32 $0xFFFFFFFF;
	p2 =	slt.u32 s8, $0xFFFFF086  }
0x1c: {  	p1 =	slt.u32 s9, $0xF7A;
	s5 =	simm.s32 @!p2 $0x0  }
0x1d: {  	s5 =	simm.s32 @p1 $0x1;
	p0 =	seq.s32 s7, s2  }
0x1e: {  	s7 =	smul.u32 @!p0 $0xF7A, s2;
	p2 =	seq.s32 @!p0 s5, $0x0  }
0x1f: {  	s9 =	smul.u32 $0xF7A, s1;
	s8 =	simm.s32 @!p0 $0x1BF5;
	p2 =	por !p2, p0  }
0x20: {  	[sflag:s8] =	ssyncset.s32 @!p0 $0xFFFFF086;
	s6 =	sadd.s32 @!p0 s3, s7;
	s7 =	simm.s32 @!p0 $0x108  }
0x21: {  	s3 =	sadd.s32 s3, s9;
	s6 =	sadd.s32 @!p0 $0x88, s6;
	s7 =	simm.s32 @p2 $0x1082  }
0x22: {  	[simem:s7], [sflag:s8] =	dma.local @!p0 [hbm:s6], $0xF7A  }
0x23: {  	s9 =	sor.u32 $0xD0000000, s2;
	s6 =	simm.s32 $0x108;
	_ =	swait.ge @!p0 [sflag:s8], $0x0  }
0x24: {  	s3 =	sadd.s32 $0x88, s3;
	s6 =	simm.s32 @!p1 $0x1082;
	[sflag:s4] =	ssyncset.s32 $0xFFFFF086  }
0x25: {  	[simem:s6], [sflag:s4] =	dma.local [hbm:s3], $0xF7A  }
0x26: {  	[smem:$0x3F8E] =	sst s1;
	(tag) =	ssettag s2;
	_ =	strace s9  }
0x27: {  	s1 =	sld [smem:$0x3F9E]  }
0x28: {  	s2 =	sld [smem:$0x3F9F]  }
0x29: {  	s4 =	sld [smem:$0x3FA1]  }
0x2a: {  	p0 =	seq.s32 s5, $0x0;
	s5 =	sld [smem:$0x3FA2]  }
0x2b: {  	s6 =	sld [smem:$0x3FA3]  }
0x2c: {  	s7 =	sld [smem:$0x3FA4]  }
0x2d: {  	s3 =	simm.s32 $0x108;
	s8 =	sld [smem:$0x3FA5]  }
0x2e: {  	s3 =	simm.s32 @!p0 $0x1082;
	s9 =	sld [smem:$0x3FA6]  }
0x2f: {  	lr =	sadd.s32 s0, s3;
	s0 =	sld [smem:$0x3F9D]  }
0x30: {  	s3 =	sld [smem:$0x3FA0]  }
0x31: {  	[smem:$0x3FA9] =	sst s10  }
0x32: {  	s10 =	sld [smem:$0x3FA7];
	_ =	sdelay $0x3  }
0x33: {  	p0 =	seq.s32 s10, $0x1;
	s10 =	sld [smem:$0x3FA9];
	_ =	sdelay $0x3  }
0x34: {  	[smem:$0x3FA9] =	sst s10  }
0x35: {  	s10 =	sld [smem:$0x3FA8];
	_ =	sdelay $0x3  }
0x36: {  	p1 =	seq.s32 s10, $0x1;
	s10 =	sld [smem:$0x3FA9];
	_ =	sdelay $0x3  }
0x37: {  	[smem:$0x3FA9] =	sst s10  }
0x38: {  	s10 =	sld [smem:$0x3FAA]  }
0x39: {  	_ = 	snop;
	(pc) =	sbr.ind lr, $3  }
0x3a: {  	_ = 	snop  }
0x3b: {  	_ = 	snop  }
0x3c: {  	p2 =	seq.s32 s10, $0x1;
	s10 =	sld [smem:$0x3FA9]  }
0x3d: {  	_ =	shalt  }
0x3e: {  	_ =	shalt  }
0x3f: {  	_ =	shalt  }
0x40: {  	_ =	shalt  }
0x41: {  	_ =	shalt  }
0x42: {  	_ =	shalt  }
0x43: {  	_ =	shalt  }
0x44: {  	_ =	shalt  }
0x45: {  	_ =	shalt  }
0x46: {  	_ =	shalt  }
0x47: {  	_ =	shalt  }
0x48: {  	_ =	shalt  }
0x49: {  	_ =	shalt  }
0x4a: {  	_ =	shalt  }
0x4b: {  	_ =	shalt  }
0x4c: {  	_ =	shalt  }
0x4d: {  	_ =	shalt  }
0x4e: {  	_ =	shalt  }
0x4f: {  	_ =	shalt  }
0x50: {  	_ =	shalt  }
0x51: {  	_ =	shalt  }
0x52: {  	_ =	shalt  }
0x53: {  	_ =	shalt  }
0x54: {  	_ =	shalt  }
0x55: {  	_ =	shalt  }
0x56: {  	_ =	shalt  }
0x57: {  	_ =	shalt  }
0x58: {  	_ =	shalt  }
0x59: {  	_ =	shalt  }
0x5a: {  	_ =	shalt  }
0x5b: {  	_ =	shalt  }
0x5c: {  	_ =	shalt  }
0x5d: {  	_ =	shalt  }
0x5e: {  	_ =	shalt  }
0x5f: {  	_ =	shalt  }
0x60: {  	_ =	shalt  }
0x61: {  	_ =	shalt  }
0x62: {  	_ =	shalt  }
0x63: {  	_ =	shalt  }
0x64: {  	_ =	shalt  }
0x65: {  	_ =	shalt  }
0x66: {  	_ =	shalt  }
0x67: {  	_ =	shalt  }
0x68: {  	_ =	shalt  }
0x69: {  	_ =	shalt  }
0x6a: {  	_ =	shalt  }
0x6b: {  	_ =	shalt  }
0x6c: {  	_ =	shalt  }
0x6d: {  	_ =	shalt  }
0x6e: {  	_ =	shalt  }
0x6f: {  	_ =	shalt  }
0x70: {  	_ =	shalt  }
0x71: {  	_ =	shalt  }
0x72: {  	_ =	shalt  }
0x73: {  	_ =	shalt  }
0x74: {  	_ =	shalt  }
0x75: {  	_ =	shalt  }
0x76: {  	_ =	shalt  }
0x77: {  	_ =	shalt  }
0x78: {  	_ =	shalt  }
0x79: {  	_ =	shalt  }
0x7a: {  	_ =	shalt  }
0x7b: {  	_ =	shalt  }
0x7c: {  	_ =	shalt  }
0x7d: {  	_ =	shalt  }
0x7e: {  	_ =	shalt  }
0x7f: {  	_ =	shalt  }
0x80: {  	_ =	shalt  }
0x81: {  	_ =	shalt  }
0x82: {  	_ =	shalt  }
0x83: {  	_ =	shalt  }
0x84: {  	_ =	shalt  }
0x85: {  	_ =	shalt  }
0x86: {  	_ =	shalt  }
0x87: {  	_ =	shalt  }
.Lfunc_end0:
.L_simem_size_0:
called_computation.1_lowered:
.L_overlay_start_0:
0x88: {  	s2 =	sld [smem:$0x3FD9]  }
0x89: {  	s3 =	sld [smem:$0x3FFE];
	_ =	sdelay $0x1  }
0x8a: {  	s1 =	srdreg.scid  }
0x8b: {  	s0 =	sand.u32 $0x1, s1  }
0x8c: {  	s17 =	sshll.u32 s0, $0xA;
	s2 =	sadd.s32 s3, s2  }
0x8d: {  	s2 =	sadd.s32 s2, s17  }
0x8e: {  	[smem:$0x3FB5] =	sst s2  }
0x8f: {  	_ = 	snop  }
0x90: {  	(tm) =	ssettm $0x1  }
0x91: {  	s18 =	sld [smem:$0x3FFB];
	_ =	sdelay $0x3  }
0x92: {  	_ =	strace s18  }
0x93: {  	s2 =	sld [smem:$0x3FFC];
	_ =	sdelay $0x3  }
0x94: {  	_ =	strace s2  }
0x95: {  	s2 =	sld [smem:$0x3FFD];
	_ =	sdelay $0x3  }
0x96: {  	_ =	strace s2  }
0x97: {  	_ =	strace $0x8FFFFFFF  }
0x98: {  	s19 =	sld [smem:$0x3FDB];
	_ =	sdelay $0x1  }
0x99: {  	s20 =	simm.s32 $_scs_section_size  }
0x9a: {  	s4 =	simm.s32 $_size__tile_overlayer_lowered;
	s5 =	simm.s32 $_tile_overlayer_lowered  }
0x9b: {  	s6 =	simm.s32 $0x1BFF;
	s21 =	sshll.u32 s5, $0x1;
	s3 =	sadd.s32 s20, s19  }
0x9c: {  	s22 =	simm.s32 $0x0;
	s4 =	sshll.u32 s4, $0x1;
	s5 =	sadd.s32 s21, s3  }
0x9d: {  	[timem:s22], [sflag:s6] =	dma.local [hbm:s5], s4  }
0x9e: {  	_ =	swait.ge [sflag:s6], s4  }
0x9f: {  	s4 =	ssub.s32 $0x0, s4;
	[sflag:s6] =	ssyncset.done $0x0  }
0xa0: {  	[sflag:s6] =	ssyncadd.s32 s4;
	_ =	sdelay $0x1  }
0xa1: {  	s23 =	simm.s32 $0x1B8B  }
0xa2: {  	_ =	swait.ge [sflag:s23], $0x1  }
0xa3: {  	[sflag:s23] =	ssyncset.done $0x0  }
0xa4: {  	[sflag:s23] =	ssyncadd.s32 $0xFFFFFFFF  }
0xa5: {  	s4 =	sld [smem:$0x0]  }
0xa6: {  	s5 =	sand.u32 $0xFFFFFFFE, s1  }
0xa7: {  	p0 =	sne.s32 s1, s5  }
0xa8: {  	s5 =	sshll.u32 @p0 s5, $0xE  }
0xa9: {  	s5 =	sadd.s32 @p0 $0x11B8D, s5;
	s6 =	sshll.u32 @p0 s4, $0x11  }
0xaa: {  	s5 =	sor.u32 @p0 s6, s5  }
0xab: {  	[sflag:s5] =	ssyncadd.remote.s32 @p0 $0x1;
	_ =	sdelay $0x1  }
0xac: {  	s5 =	simm.s32 @p0 $0x1B8D  }
0xad: {  	_ =	swait.eq @p0 [sflag:s5], $0x1  }
0xae: {  	[sflag:s5] =	ssyncadd.s32 @p0 $0xFFFFFFFF  }
0xaf: {  	s6 =	sshll.u32 @!p0 s1, $0xE  }
0xb0: {  	s6 =	sor.u32 @!p0 $0x4000, s6;
	s5 =	simm.s32 @!p0 $0x1B8D  }
0xb1: {  	s4 =	sshll.u32 @!p0 s4, $0x11;
	s6 =	sadd.s32 @!p0 $0x11B8D, s6;
	_ =	swait.eq @!p0 [sflag:s5], $0x1  }
0xb2: {  	s4 =	sor.u32 @!p0 s4, s6;
	[sflag:s5] =	ssyncadd.s32 @!p0 $0xFFFFFFFF  }
0xb3: {  	s25 =	simm.s32 $0x1B8E;
	s24 =	sld [smem:$0x3FFE];
	[sflag:s4] =	ssyncadd.remote.s32 @!p0 $0x1  }
0xb4: {  	s26 =	simm.s32 $execute0_lowered;
	[smem:$0x3FD2] =	sst s25  }
0xb5: {  	s5 =	sshll.u32 s26, $0x1;
	_ =	strace $0x80000049;
	[dreg:$0x1] =	wrdreg $0xFFFFFFFF  }
0xb6: {  	s28 =	simm.s32 $_size_execute0_lowered;
	s3 =	sadd.s32 s3, s5;
	[dreg:$0x0] =	wrdreg $0x0  }
0xb7: {  	s5 =	sshll.u32 s28, $0x1;
	[dreg:$0x2] =	wrdreg s3  }
0xb8: {  	[dreg:$0x3] =	wrdreg s5  }
0xb9: {  	[dreg:$0x4] =	wrdreg $0xC0  }
0xba: {  	_ =	task [dreg:s22], $0x5FFFF  }
0xbb: {  	[dreg:$0x1] =	wrdreg $0xFFFFFFFF  }
0xbc: {  	[dreg:$0x0] =	wrdreg $0x60  }
0xbd: {  	[dreg:$0x2] =	wrdreg s24  }
0xbe: {  	[dreg:$0x3] =	wrdreg $0xA  }
0xbf: {  	_ =	task.clear_ibuf [dreg:s22], $0x4FFFF;
	_ =	strace $0x90000049  }
0xc0: {  	s29 =	simm.s32 $0xA;
	_ =	strace $0x8000004B  }
0xc1: {  	_ =	swait.ge [sflag:s29], $0x1  }
0xc2: {  	[sflag:s29] =	ssyncadd.s32 $0xFFFFFFFF  }
0xc3: {  	_ =	strace $0x9000004B  }
0xc4: {  	_ =	sfence  }
0xc5: {  	s30 =	sld [smem:$0x0];
	_ =	sdelay $0x2  }
0xc6: {  	s31 =	sshll.u32 s1, $0xD;
	s1 =	sshrl.u32 s1, $0x2  }
0xc7: {  	s4 =	sand.u32 $0x4000, s31;
	s1 =	sadd.s32 s1, s30  }
0xc8: {  	s0 =	sor.u32 s4, s0;
	s1 =	sshll.u32 s1, $0x11  }
0xc9: {  	s0 =	sor.u32 s1, s0  }
0xca: {  	s0 =	sadd.s32 $0x8F2B, s0  }
0xcb: {  	[sflag:s0] =	ssyncadd.remote.s32 $0x1  }
0xcc: {  	_ =	sfence.sel $0xFFFF  }
0xcd: {  	[dreg:$0x0] =	wrdreg $0xFFFFFFFF;
	(pc) =	sbr.abs _section_cstart, $3  }
0xce: {  	[dreg:$0x1] =	wrdreg $0xFFFFFFFF  }
0xcf: {  	_ =	task.clear_ibuf [dreg:s22], $0x2FFFF;
	_ =	strace $0x9FFFFFFF  }
0xd0: {  	(tm) =	ssettm $0x7FFFFFFF  }
0xd1: {  	_ =	shalt  }
tec
execute0_lowered:
.L_overlay_start_1:
0x0: {  	(tag) =	ssettag $0x1  }
0x1: {  	s0 =	rddreg [dreg:$0x0];
	s2 =	simm.s32 $0x0  }
0x2: {  	s1 =	srdreg.scid;
	[smem:$0x7FF] =	sst s2;
	s5 =	sadd.s32 $0x44400, s0  }
0x3: {  	s10 =	simm.s32 $0x880;
	_ =	strace $0x8000004A;
	[dreg:$0x2] =	wrdreg s5  }
0x4: {  	s7 =	stileid.u32;
	s11 =	simm.s32 $0x1080;
	[dreg:$0x4] =	wrdreg s10  }
0x5: {  	s13 =	simm.s32 $0x1880;
	s14 =	simm.s32 $0x2080;
	[dreg:$0x5] =	wrdreg s11  }
0x6: {  	s15 =	simm.s32 $0x2880;
	s16 =	simm.s32 $0x3080;
	[dreg:$0x6] =	wrdreg s13  }
0x7: {  	s17 =	simm.s32 $0x3880;
	s19 =	simm.s32 $0x4080;
	[dreg:$0x7] =	wrdreg s14  }
0x8: {  	s20 =	simm.s32 $0x4880;
	s22 =	simm.s32 $0x5080;
	[dreg:$0x8] =	wrdreg s15  }
0x9: {  	s23 =	simm.s32 $0x5880;
	s24 =	simm.s32 $0x6080;
	[dreg:$0x9] =	wrdreg s16  }
0xa: {  	s25 =	simm.s32 $0x6880;
	s26 =	simm.s32 $0x7080;
	[dreg:$0xa] =	wrdreg s17  }
0xb: {  	s31 =	simm.s32 $0x7880;
	s28 =	simm.s32 $0x1;
	[dreg:$0xb] =	wrdreg s19  }
0xc: {  	s29 =	simm.s32 $0x2;
	s30 =	simm.s32 $0x0;
	[dreg:$0xc] =	wrdreg s20  }
0xd: {  	s1 =	sand.u32 $0x1, s1;
	s3 =	sshll.u32 s7, $0xB;
	[dreg:$0xd] =	wrdreg s22  }
0xe: {  	s6 =	sshll.u32 s7, $0x11;
	s9 =	sshll.u32 s7, $0xF;
	[dreg:$0xe] =	wrdreg s23  }
0xf: {  	s4 =	sshll.u32 s1, $0xA;
	s6 =	sadd.s32 s6, s0;
	[dreg:$0xf] =	wrdreg s24  }
0x10: {  	s7 =	sadd.s32 s9, s0;
	s12 =	ssub.s32 $0x2, s1;
	[dreg:$0x10] =	wrdreg s25  }
0x11: {  	s18 =	sshll.u32 s1, $0xE;
	s1 =	sshll.u32 s1, $0x10;
	[dreg:$0x11] =	wrdreg s26  }
0x12: {  	s9 =	simm.s32 $0x80;
	[dreg:$0x12] =	wrdreg s31;
	s10 =	simm.s32 $0x8080  }
0x13: {  	s11 =	simm.s32 $0x8880;
	s13 =	simm.s32 $0x9880;
	s14 =	simm.s32 $0xA080  }
0x14: {  	s15 =	simm.s32 $0xA880;
	s16 =	simm.s32 $0xB080;
	s17 =	simm.s32 $0xB880  }
0x15: {  	s19 =	simm.s32 $0xC880;
	s20 =	simm.s32 $0xD080;
	s22 =	simm.s32 $0xE080  }
0x16: {  	s23 =	simm.s32 $0xE880;
	s24 =	simm.s32 $0xF080;
	s25 =	simm.s32 $0xF880  }
0x17: {  	s26 =	simm.s32 $0x10080;
	s4 =	sor.u32 s4, s3;
	s3 =	sadd.s32 $0x4400, s0  }
0x18: {  	s8 =	sshrl.u32 s12, $0x1;
	s7 =	sadd.s32 s18, s7;
	s1 =	sadd.s32 s1, s6  }
0x19: {  	s18 =	simm.s32 $0xC080;
	s4 =	sshrl.u32 s4, $0x3;
	s5 =	ssub.s32 s12, s8  }
0x1a: {  	s21 =	sadd.s32 $0x4D5400, s7;
	s7 =	sadd.s32 $0x2D5400, s1;
	s8 =	simm.s32 $0x3  }
0x1b: {  	v2 =	vlaneseq.u32;
	s4 =	sadd.s32 s4, s0;
	s5 =	smax.u32 s5, $0x1;
	[dreg:$0x14] =	wrdreg s21  }
0x1c: {  	vm0 =	vmmov $0xffff;
	v1 =	vshrl.u32 v2, $0x3;
	s12 =	simm.s32 $0x9080;
	s4 =	sadd.s32 $0x2D4400, s4;
	[dreg:$0x13] =	wrdreg s5  }
0x1d: {  	v0 =	vand.u32 $0x7, v2;
	v2 =	vor.u32 $0x8, v2;
	v1 =	vmul.u32 $0x8, v1;
	s21 =	simm.s32 $0xD880;
	[dreg:$0x3] =	wrdreg s4;
	s4 =	sadd.s32 $0x4500, s0  }
.LBB2_1:
0x1e: {  	s31 =	smov.u32 s7;
	s6 =	rddreg [dreg:$0x14];
	s1 =	simm.s32 $0x0  }
.LBB2_2:
0x1f: {  	s5 =	rddreg [dreg:$0x3]  }
0x20: {  	s5 =	sadd.s32 s1, s5  }
0x21: {  	[tilespmem:s2], [sflag:$0x3] =	stream.linear.gather [hbm4b:s5+s2], $0x80, $0x38;
	[tilespmem:$0x14080] =	vst v63  }
0x22: {  	_ =	swait.ge [sflag:s8], $0x80  }
0x23: {  	[sflag:s8] =	ssyncset.done $0x0  }
0x24: {  	[sflag:s8] =	ssyncadd.s32 $0xFFFFFF80  }
0x25: {  	v3 =	vld [tilespmem:$0x0];
	_ =	sdelay $0x4  }
0x26: {  	v4 =	vshll.u32 v3, $0x2  }
0x27: {  	v3 =	vand.u32 $0x7, v3;
	v4 =	vand.u32 $0xFFFFFFE0, v4  }
0x28: {  	v3 =	vor.u32 v3, v4  }
0x29: {  	v4 =	vperm.xlane v3, v0;
	_ =	sdelay $0x1  }
0x2a: {  	v4 =	vadd.s32 v1, v4;
	_ =	sdelay $0x1  }
0x2b: {  	v3 =	vperm.xlane v3, v2;
	_ =	sdelay $0x1  }
0x2c: {  	v3 =	vadd.s32 v1, v3  }
0x2d: {  	[tilespmem:s9], [sflag:$0x1] =	stream.indirect_vreg.gather [hbm4b:s3+s2], $0x80, v4, vm0, $0xb8;
	[tilespmem:$0x14080] =	vst v63  }
0x2e: {  	s5 =	rddreg [dreg:$0x4]  }
0x2f: {  	[tilespmem:s5], [sflag:$0x1] =	stream.indirect_vreg.gather [hbm4b:s4+s2], $0x80, v4, vm0, $0xb8;
	[tilespmem:$0x14080] =	vst v63  }
0x30: {  	s0 =	rddreg [dreg:$0x5]  }
0x31: {  	[tilespmem:s0], [sflag:$0x1] =	stream.indirect_vreg.gather [hbm4b:s3+s2], $0x80, v3, vm0, $0xb8;
	[tilespmem:$0x14080] =	vst v63  }
0x32: {  	s5 =	rddreg [dreg:$0x6]  }
0x33: {  	[tilespmem:s5], [sflag:$0x1] =	stream.indirect_vreg.gather [hbm4b:s4+s2], $0x80, v3, vm0, $0xb8;
	[tilespmem:$0x14080] =	vst v63  }
0x34: {  	v3 =	vld [tilespmem:$0x10];
	_ =	sdelay $0x4  }
0x35: {  	v57 =	vshll.u32 v3, $0x2  }
0x36: {  	v3 =	vand.u32 $0x7, v3;
	v4 =	vand.u32 $0xFFFFFFE0, v57  }
0x37: {  	v3 =	vor.u32 v3, v4  }
0x38: {  	v4 =	vperm.xlane v3, v0;
	_ =	sdelay $0x1  }
0x39: {  	v4 =	vadd.s32 v1, v4;
	_ =	sdelay $0x1  }
0x3a: {  	v3 =	vperm.xlane v3, v2;
	_ =	sdelay $0x1  }
0x3b: {  	s0 =	rddreg [dreg:$0x7];
	v3 =	vadd.s32 v1, v3  }
0x3c: {  	[tilespmem:s0], [sflag:$0x1] =	stream.indirect_vreg.gather [hbm4b:s3+s2], $0x80, v4, vm0, $0xb8;
	[tilespmem:$0x14080] =	vst v63  }
0x3d: {  	s5 =	rddreg [dreg:$0x8]  }
0x3e: {  	[tilespmem:s5], [sflag:$0x1] =	stream.indirect_vreg.gather [hbm4b:s4+s2], $0x80, v4, vm0, $0xb8;
	[tilespmem:$0x14080] =	vst v63  }
0x3f: {  	s0 =	rddreg [dreg:$0x9]  }
0x40: {  	[tilespmem:s0], [sflag:$0x1] =	stream.indirect_vreg.gather [hbm4b:s3+s2], $0x80, v3, vm0, $0xb8;
	[tilespmem:$0x14080] =	vst v63  }
0x41: {  	s5 =	rddreg [dreg:$0xa]  }
0x42: {  	[tilespmem:s5], [sflag:$0x1] =	stream.indirect_vreg.gather [hbm4b:s4+s2], $0x80, v3, vm0, $0xb8;
	[tilespmem:$0x14080] =	vst v63  }
0x43: {  	v3 =	vld [tilespmem:$0x20];
	_ =	sdelay $0x4  }
0x44: {  	v58 =	vshll.u32 v3, $0x2  }
0x45: {  	v3 =	vand.u32 $0x7, v3;
	v4 =	vand.u32 $0xFFFFFFE0, v58  }
0x46: {  	v3 =	vor.u32 v3, v4  }
0x47: {  	v4 =	vperm.xlane v3, v0;
	_ =	sdelay $0x1  }
0x48: {  	v4 =	vadd.s32 v1, v4;
	_ =	sdelay $0x1  }
0x49: {  	v3 =	vperm.xlane v3, v2;
	_ =	sdelay $0x1  }
0x4a: {  	s0 =	rddreg [dreg:$0xb];
	v3 =	vadd.s32 v1, v3  }
0x4b: {  	[tilespmem:s0], [sflag:$0x1] =	stream.indirect_vreg.gather [hbm4b:s3+s2], $0x80, v4, vm0, $0xb8;
	[tilespmem:$0x14080] =	vst v63  }
0x4c: {  	s5 =	rddreg [dreg:$0xc]  }
0x4d: {  	[tilespmem:s5], [sflag:$0x1] =	stream.indirect_vreg.gather [hbm4b:s4+s2], $0x80, v4, vm0, $0xb8;
	[tilespmem:$0x14080] =	vst v63  }
0x4e: {  	s0 =	rddreg [dreg:$0xd]  }
0x4f: {  	[tilespmem:s0], [sflag:$0x1] =	stream.indirect_vreg.gather [hbm4b:s3+s2], $0x80, v3, vm0, $0xb8;
	[tilespmem:$0x14080] =	vst v63  }
0x50: {  	s5 =	rddreg [dreg:$0xe]  }
0x51: {  	[tilespmem:s5], [sflag:$0x1] =	stream.indirect_vreg.gather [hbm4b:s4+s2], $0x80, v3, vm0, $0xb8;
	[tilespmem:$0x14080] =	vst v63  }
0x52: {  	v3 =	vld [tilespmem:$0x30];
	_ =	sdelay $0x4  }
0x53: {  	v59 =	vshll.u32 v3, $0x2  }
0x54: {  	v3 =	vand.u32 $0x7, v3;
	v4 =	vand.u32 $0xFFFFFFE0, v59  }
0x55: {  	v3 =	vor.u32 v3, v4  }
0x56: {  	v4 =	vperm.xlane v3, v0;
	_ =	sdelay $0x1  }
0x57: {  	v4 =	vadd.s32 v1, v4;
	_ =	sdelay $0x1  }
0x58: {  	v3 =	vperm.xlane v3, v2;
	_ =	sdelay $0x1  }
0x59: {  	s0 =	rddreg [dreg:$0xf];
	v3 =	vadd.s32 v1, v3  }
0x5a: {  	[tilespmem:s0], [sflag:$0x1] =	stream.indirect_vreg.gather [hbm4b:s3+s2], $0x80, v4, vm0, $0xb8;
	[tilespmem:$0x14080] =	vst v63  }
0x5b: {  	s5 =	rddreg [dreg:$0x10]  }
0x5c: {  	[tilespmem:s5], [sflag:$0x1] =	stream.indirect_vreg.gather [hbm4b:s4+s2], $0x80, v4, vm0, $0xb8;
	[tilespmem:$0x14080] =	vst v63  }
0x5d: {  	s0 =	rddreg [dreg:$0x11]  }
0x5e: {  	[tilespmem:s0], [sflag:$0x1] =	stream.indirect_vreg.gather [hbm4b:s3+s2], $0x80, v3, vm0, $0xb8;
	[tilespmem:$0x14080] =	vst v63  }
0x5f: {  	s5 =	rddreg [dreg:$0x12]  }
0x60: {  	[tilespmem:s5], [sflag:$0x1] =	stream.indirect_vreg.gather [hbm4b:s4+s2], $0x80, v3, vm0, $0xb8;
	[tilespmem:$0x14080] =	vst v63  }
0x61: {  	v3 =	vld [tilespmem:$0x40];
	_ =	sdelay $0x4  }
0x62: {  	v60 =	vshll.u32 v3, $0x2  }
0x63: {  	v3 =	vand.u32 $0x7, v3;
	v4 =	vand.u32 $0xFFFFFFE0, v60  }
0x64: {  	v3 =	vor.u32 v3, v4  }
0x65: {  	v4 =	vperm.xlane v3, v0;
	_ =	sdelay $0x1  }
0x66: {  	v4 =	vadd.s32 v1, v4;
	_ =	sdelay $0x1  }
0x67: {  	v3 =	vperm.xlane v3, v2;
	_ =	sdelay $0x1  }
0x68: {  	v3 =	vadd.s32 v1, v3  }
0x69: {  	[tilespmem:s10], [sflag:$0x1] =	stream.indirect_vreg.gather [hbm4b:s3+s2], $0x80, v4, vm0, $0xb8;
	[tilespmem:$0x14080] =	vst v63  }
0x6a: {  	_ = 	snop  }
0x6b: {  	[tilespmem:s11], [sflag:$0x1] =	stream.indirect_vreg.gather [hbm4b:s4+s2], $0x80, v4, vm0, $0xb8;
	[tilespmem:$0x14080] =	vst v63  }
0x6c: {  	_ = 	snop  }
0x6d: {  	[tilespmem:s12], [sflag:$0x1] =	stream.indirect_vreg.gather [hbm4b:s3+s2], $0x80, v3, vm0, $0xb8;
	[tilespmem:$0x14080] =	vst v63  }
0x6e: {  	_ = 	snop  }
0x6f: {  	[tilespmem:s13], [sflag:$0x1] =	stream.indirect_vreg.gather [hbm4b:s4+s2], $0x80, v3, vm0, $0xb8;
	[tilespmem:$0x14080] =	vst v63  }
0x70: {  	v3 =	vld [tilespmem:$0x50];
	_ =	sdelay $0x4  }
0x71: {  	v61 =	vshll.u32 v3, $0x2  }
0x72: {  	v3 =	vand.u32 $0x7, v3;
	v4 =	vand.u32 $0xFFFFFFE0, v61  }
0x73: {  	v3 =	vor.u32 v3, v4  }
0x74: {  	v4 =	vperm.xlane v3, v0;
	_ =	sdelay $0x1  }
0x75: {  	v4 =	vadd.s32 v1, v4;
	_ =	sdelay $0x1  }
0x76: {  	v3 =	vperm.xlane v3, v2;
	_ =	sdelay $0x1  }
0x77: {  	v3 =	vadd.s32 v1, v3  }
0x78: {  	[tilespmem:s14], [sflag:$0x1] =	stream.indirect_vreg.gather [hbm4b:s3+s2], $0x80, v4, vm0, $0xb8;
	[tilespmem:$0x14080] =	vst v63  }
0x79: {  	_ = 	snop  }
0x7a: {  	[tilespmem:s15], [sflag:$0x1] =	stream.indirect_vreg.gather [hbm4b:s4+s2], $0x80, v4, vm0, $0xb8;
	[tilespmem:$0x14080] =	vst v63  }
0x7b: {  	_ = 	snop  }
0x7c: {  	[tilespmem:s16], [sflag:$0x1] =	stream.indirect_vreg.gather [hbm4b:s3+s2], $0x80, v3, vm0, $0xb8;
	[tilespmem:$0x14080] =	vst v63  }
0x7d: {  	_ = 	snop  }
0x7e: {  	[tilespmem:s17], [sflag:$0x1] =	stream.indirect_vreg.gather [hbm4b:s4+s2], $0x80, v3, vm0, $0xb8;
	[tilespmem:$0x14080] =	vst v63  }
0x7f: {  	v3 =	vld [tilespmem:$0x60];
	_ =	sdelay $0x4  }
0x80: {  	v62 =	vshll.u32 v3, $0x2  }
0x81: {  	v3 =	vand.u32 $0x7, v3;
	v4 =	vand.u32 $0xFFFFFFE0, v62  }
0x82: {  	v3 =	vor.u32 v3, v4  }
0x83: {  	v4 =	vperm.xlane v3, v0;
	_ =	sdelay $0x1  }
0x84: {  	v4 =	vadd.s32 v1, v4;
	_ =	sdelay $0x1  }
0x85: {  	v3 =	vperm.xlane v3, v2;
	_ =	sdelay $0x1  }
0x86: {  	v3 =	vadd.s32 v1, v3  }
0x87: {  	[tilespmem:s18], [sflag:$0x1] =	stream.indirect_vreg.gather [hbm4b:s3+s2], $0x80, v4, vm0, $0xb8;
	[tilespmem:$0x14080] =	vst v63  }
0x88: {  	_ = 	snop  }
0x89: {  	[tilespmem:s19], [sflag:$0x1] =	stream.indirect_vreg.gather [hbm4b:s4+s2], $0x80, v4, vm0, $0xb8;
	[tilespmem:$0x14080] =	vst v63  }
0x8a: {  	_ = 	snop  }
0x8b: {  	[tilespmem:s20], [sflag:$0x1] =	stream.indirect_vreg.gather [hbm4b:s3+s2], $0x80, v3, vm0, $0xb8;
	[tilespmem:$0x14080] =	vst v63  }
0x8c: {  	_ = 	snop  }
0x8d: {  	[tilespmem:s21], [sflag:$0x1] =	stream.indirect_vreg.gather [hbm4b:s4+s2], $0x80, v3, vm0, $0xb8;
	[tilespmem:$0x14080] =	vst v63  }
0x8e: {  	v3 =	vld [tilespmem:$0x70];
	_ =	sdelay $0x4  }
0x8f: {  	v63 =	vshll.u32 v3, $0x2  }
0x90: {  	v3 =	vand.u32 $0x7, v3;
	v4 =	vand.u32 $0xFFFFFFE0, v63  }
0x91: {  	v3 =	vor.u32 v3, v4  }
0x92: {  	v4 =	vperm.xlane v3, v0;
	_ =	sdelay $0x1  }
0x93: {  	v4 =	vadd.s32 v1, v4;
	_ =	sdelay $0x1  }
0x94: {  	v3 =	vperm.xlane v3, v2;
	_ =	sdelay $0x1  }
0x95: {  	v3 =	vadd.s32 v1, v3  }
0x96: {  	[tilespmem:s22], [sflag:$0x1] =	stream.indirect_vreg.gather [hbm4b:s3+s2], $0x80, v4, vm0, $0xb8;
	[tilespmem:$0x14080] =	vst v63  }
0x97: {  	_ = 	snop  }
0x98: {  	[tilespmem:s23], [sflag:$0x1] =	stream.indirect_vreg.gather [hbm4b:s4+s2], $0x80, v4, vm0, $0xb8;
	[tilespmem:$0x14080] =	vst v63  }
0x99: {  	_ = 	snop  }
0x9a: {  	[tilespmem:s24], [sflag:$0x1] =	stream.indirect_vreg.gather [hbm4b:s3+s2], $0x80, v3, vm0, $0xb8;
	[tilespmem:$0x14080] =	vst v63  }
0x9b: {  	_ = 	snop  }
0x9c: {  	[tilespmem:s25], [sflag:$0x1] =	stream.indirect_vreg.gather [hbm4b:s4+s2], $0x80, v3, vm0, $0xb8;
	[tilespmem:$0x14080] =	vst v63  }
0x9d: {  	s5 =	rddreg [dreg:$0x2]  }
0x9e: {  	[tilespmem:s26], [sflag:$0x2] =	stream.indirect.gather [hbm4b:s5+s9], $0x80, s2, s9, $0xb8;
	[tilespmem:$0x14080] =	vst v63  }
0x9f: {  	_ =	swait.ge [sflag:s28], $0x10000  }
0xa0: {  	[sflag:s28] =	ssyncset.done $0x0  }
0xa1: {  	[sflag:s28] =	ssyncadd.s32 $0xFFFF0000  }
0xa2: {  	_ =	swait.ge [sflag:s29], $0x4000  }
0xa3: {  	[sflag:s29] =	ssyncset.done $0x0  }
0xa4: {  	[sflag:s29] =	ssyncadd.s32 $0xFFFFC000  }
0xa5: {  	[hbm4b:s31+s2] =	stream.linear.scatter [tilespmem:s9], [sflag:$0x3], $0x10000, $0x38;
	[tilespmem:$0x14080] =	vst v63  }
0xa6: {  	_ =	swait.ge [sflag:s8], $0x10000  }
0xa7: {  	p0 =	sne.s32 s1, $0x70;
	[sflag:s8] =	ssyncset.done $0x0  }
.Ltmp0:
0xa8: {  	[sflag:s8] =	ssyncadd.s32 $0xFFFF0000;
	(pc) =	sbr.rel @p0 .LBB2_2-.Ltmp0, $4  }
0xa9: {  	[hbm4b:s6+s2] =	stream.linear.scatter [tilespmem:s26], [sflag:$0x3], $0x4000, $0x38;
	[tilespmem:$0x14080] =	vst v63  }
0xaa: {  	_ =	swait.ge [sflag:s8], $0x4000  }
0xab: {  	s1 =	sadd.s32 $0x10, s1;
	[sflag:s8] =	ssyncset.done $0x0  }
0xac: {  	s31 =	sadd.s32 $0x2000, s31;
	s6 =	sadd.s32 $0x800, s6;
	[sflag:s8] =	ssyncadd.s32 $0xFFFFC000  }
0xad: {  	s30 =	sadd.s32 $0x1, s30;
	s0 =	rddreg [dreg:$0x13]  }
0xae: {  	p0 =	sne.s32 s30, s0  }
.Ltmp1:
0xaf: {  	_ = 	snop;
	(pc) =	sbr.rel @p0 .LBB2_1-.Ltmp1, $1  }
0xb0: {  	_ =	sdelay $0x3  }
0xb1: {  	_ =	sfence.sel $0x180000  }
0xb2: {  	[bflag:$0x0] =	sbarrier.arrive $0xFFFF  }
0xb3: {  	_ =	strace $0x9000004A  }
0xb4: {  	s0 =	stileid.u32;
	[bflag:$0x2] =	sbarrier.arrive $0xFFFF  }
0xb5: {  	p0 =	sne.s32 s0, $0x0;
	s0 =	rddreg [dreg:$0x1]  }
0xb6: {  	s0 =	sadd.s32 @!p0 $0x100000, s0  }
0xb7: {  	[sflag:s0] =	ssyncadd.tile.s32 @!p0 $0x1;
	_ =	shalt  }
.Lfunc_end2:
_tile_overlayer_lowered:
.L_overlay_start_2:
0xb8: {  	(tag) =	ssettag $0x2  }
0xb9: {  	s0 =	rddreg [dreg:$0x0];
	s2 =	stileid.u32  }
0xba: {  	s1 =	rddreg [dreg:$0x1];
	p0 =	sne.s32 s2, $0x0  }
0xbb: {  	s3 =	rddreg [dreg:$0x2];
	[bflag:$0x3] =	sbarrier.arrive $0xFFFF;
	s2 =	simm.s32 @!p0 $0x1C03  }
0xbc: {  	[timem:s3], [sflag:s2] =	dma.local @!p0 [hbm:s0], s1  }
0xbd: {  	s0 =	simm.s32 @!p0 $0x3  }
0xbe: {  	_ =	swait.ge @!p0 [sflag:s0], s1  }
0xbf: {  	s1 =	ssub.s32 @!p0 $0x0, s1;
	[sflag:s0] =	ssyncset.done @!p0 $0x0  }
0xc0: {  	[sflag:s0] =	ssyncadd.s32 @!p0 s1  }
0xc1: {  	[bflag:$0x3] =	sbarrier.arrive $0xFFFF  }
0xc2: {  	_ =	shalt  }

// kernel: kernel.9.cloned.1.call-start
scs
__scs_entry_jumppad:
0x0: {  	(pc) =	sbr.rel $0x88, $3  }
0x1: {  	(tag) =	ssettag $0x0;
	lr =	simm.s32 $0x1  }
0x2: {  	[smem:$0x3F8E] =	sst lr;
	_ =	strace $0xD0000000  }
0x3: {  	_ = 	snop  }
0x4: {  	_ = 	snop  }
0x5: {  	_ = 	snop  }
0x6: {  	_ = 	snop  }
0x7: {  	_ = 	snop  }
__scs_overlays_trampoline_lowered:
0x8: {  	[smem:$0x3F9D] =	sst s0  }
0x9: {  	[smem:$0x3F9E] =	sst s1  }
0xa: {  	[smem:$0x3F9F] =	sst s2  }
0xb: {  	[smem:$0x3FA0] =	sst s3  }
0xc: {  	[smem:$0x3FA1] =	sst s4  }
0xd: {  	[smem:$0x3FA2] =	sst s5  }
0xe: {  	[smem:$0x3FA3] =	sst s6  }
0xf: {  	[smem:$0x3FA4] =	sst s7  }
0x10: {  	[smem:$0x3FA5] =	sst s8  }
0x11: {  	[smem:$0x3FA6] =	sst s9;
	s0 =	simm.s32 @!p0 $0x0  }
0x12: {  	s1 =	sld [smem:$0x3F8C];
	s0 =	simm.s32 @p0 $0x1  }
0x13: {  	[smem:$0x3FA7] =	sst s0;
	s0 =	simm.s32 @!p1 $0x0  }
0x14: {  	s2 =	sld [smem:$0x3F8B];
	s0 =	simm.s32 @p1 $0x1  }
0x15: {  	[smem:$0x3FA8] =	sst s0;
	s0 =	simm.s32 @!p2 $0x0  }
0x16: {  	s3 =	sld [smem:$0x3FDB];
	s0 =	simm.s32 @p2 $0x1  }
0x17: {  	s4 =	simm.s32 $0x1BF5;
	[smem:$0x3FAA] =	sst s0  }
0x18: {  	s0 =	sld [smem:$0x3F8D];
	_ =	swait.ge [sflag:s4], $0x0  }
0x19: {  	s7 =	sld [smem:$0x3F8E]  }
0x1a: {  	s8 =	sadd.s32 $0xFFFFE003, lr  }
0x1b: {  	s9 =	sadd.s32 $0xFFFFFEF7, lr;
	s5 =	simm.s32 $0xFFFFFFFF;
	p2 =	slt.u32 s8, $0xFFFFF086  }
0x1c: {  	p1 =	slt.u32 s9, $0xF7A;
	s5 =	simm.s32 @!p2 $0x0  }
0x1d: {  	s5 =	simm.s32 @p1 $0x1;
	p0 =	seq.s32 s7, s2  }
0x1e: {  	s7 =	smul.u32 @!p0 $0xF7A, s2;
	p2 =	seq.s32 @!p0 s5, $0x0  }
0x1f: {  	s9 =	smul.u32 $0xF7A, s1;
	s8 =	simm.s32 @!p0 $0x1BF5;
	p2 =	por !p2, p0  }
0x20: {  	[sflag:s8] =	ssyncset.s32 @!p0 $0xFFFFF086;
	s6 =	sadd.s32 @!p0 s3, s7;
	s7 =	simm.s32 @!p0 $0x108  }
0x21: {  	s3 =	sadd.s32 s3, s9;
	s6 =	sadd.s32 @!p0 $0x88, s6;
	s7 =	simm.s32 @p2 $0x1082  }
0x22: {  	[simem:s7], [sflag:s8] =	dma.local @!p0 [hbm:s6], $0xF7A  }
0x23: {  	s9 =	sor.u32 $0xD0000000, s2;
	s6 =	simm.s32 $0x108;
	_ =	swait.ge @!p0 [sflag:s8], $0x0  }
0x24: {  	s3 =	sadd.s32 $0x88, s3;
	s6 =	simm.s32 @!p1 $0x1082;
	[sflag:s4] =	ssyncset.s32 $0xFFFFF086  }
0x25: {  	[simem:s6], [sflag:s4] =	dma.local [hbm:s3], $0xF7A  }
0x26: {  	[smem:$0x3F8E] =	sst s1;
	(tag) =	ssettag s2;
	_ =	strace s9  }
0x27: {  	s1 =	sld [smem:$0x3F9E]  }
0x28: {  	s2 =	sld [smem:$0x3F9F]  }
0x29: {  	s4 =	sld [smem:$0x3FA1]  }
0x2a: {  	p0 =	seq.s32 s5, $0x0;
	s5 =	sld [smem:$0x3FA2]  }
0x2b: {  	s6 =	sld [smem:$0x3FA3]  }
0x2c: {  	s7 =	sld [smem:$0x3FA4]  }
0x2d: {  	s3 =	simm.s32 $0x108;
	s8 =	sld [smem:$0x3FA5]  }
0x2e: {  	s3 =	simm.s32 @!p0 $0x1082;
	s9 =	sld [smem:$0x3FA6]  }
0x2f: {  	lr =	sadd.s32 s0, s3;
	s0 =	sld [smem:$0x3F9D]  }
0x30: {  	s3 =	sld [smem:$0x3FA0]  }
0x31: {  	[smem:$0x3FA9] =	sst s10  }
0x32: {  	s10 =	sld [smem:$0x3FA7];
	_ =	sdelay $0x3  }
0x33: {  	p0 =	seq.s32 s10, $0x1;
	s10 =	sld [smem:$0x3FA9];
	_ =	sdelay $0x3  }
0x34: {  	[smem:$0x3FA9] =	sst s10  }
0x35: {  	s10 =	sld [smem:$0x3FA8];
	_ =	sdelay $0x3  }
0x36: {  	p1 =	seq.s32 s10, $0x1;
	s10 =	sld [smem:$0x3FA9];
	_ =	sdelay $0x3  }
0x37: {  	[smem:$0x3FA9] =	sst s10  }
0x38: {  	s10 =	sld [smem:$0x3FAA]  }
0x39: {  	_ = 	snop;
	(pc) =	sbr.ind lr, $3  }
0x3a: {  	_ = 	snop  }
0x3b: {  	_ = 	snop  }
0x3c: {  	p2 =	seq.s32 s10, $0x1;
	s10 =	sld [smem:$0x3FA9]  }
0x3d: {  	_ =	shalt  }
0x3e: {  	_ =	shalt  }
0x3f: {  	_ =	shalt  }
0x40: {  	_ =	shalt  }
0x41: {  	_ =	shalt  }
0x42: {  	_ =	shalt  }
0x43: {  	_ =	shalt  }
0x44: {  	_ =	shalt  }
0x45: {  	_ =	shalt  }
0x46: {  	_ =	shalt  }
0x47: {  	_ =	shalt  }
0x48: {  	_ =	shalt  }
0x49: {  	_ =	shalt  }
0x4a: {  	_ =	shalt  }
0x4b: {  	_ =	shalt  }
0x4c: {  	_ =	shalt  }
0x4d: {  	_ =	shalt  }
0x4e: {  	_ =	shalt  }
0x4f: {  	_ =	shalt  }
0x50: {  	_ =	shalt  }
0x51: {  	_ =	shalt  }
0x52: {  	_ =	shalt  }
0x53: {  	_ =	shalt  }
0x54: {  	_ =	shalt  }
0x55: {  	_ =	shalt  }
0x56: {  	_ =	shalt  }
0x57: {  	_ =	shalt  }
0x58: {  	_ =	shalt  }
0x59: {  	_ =	shalt  }
0x5a: {  	_ =	shalt  }
0x5b: {  	_ =	shalt  }
0x5c: {  	_ =	shalt  }
0x5d: {  	_ =	shalt  }
0x5e: {  	_ =	shalt  }
0x5f: {  	_ =	shalt  }
0x60: {  	_ =	shalt  }
0x61: {  	_ =	shalt  }
0x62: {  	_ =	shalt  }
0x63: {  	_ =	shalt  }
0x64: {  	_ =	shalt  }
0x65: {  	_ =	shalt  }
0x66: {  	_ =	shalt  }
0x67: {  	_ =	shalt  }
0x68: {  	_ =	shalt  }
0x69: {  	_ =	shalt  }
0x6a: {  	_ =	shalt  }
0x6b: {  	_ =	shalt  }
0x6c: {  	_ =	shalt  }
0x6d: {  	_ =	shalt  }
0x6e: {  	_ =	shalt  }
0x6f: {  	_ =	shalt  }
0x70: {  	_ =	shalt  }
0x71: {  	_ =	shalt  }
0x72: {  	_ =	shalt  }
0x73: {  	_ =	shalt  }
0x74: {  	_ =	shalt  }
0x75: {  	_ =	shalt  }
0x76: {  	_ =	shalt  }
0x77: {  	_ =	shalt  }
0x78: {  	_ =	shalt  }
0x79: {  	_ =	shalt  }
0x7a: {  	_ =	shalt  }
0x7b: {  	_ =	shalt  }
0x7c: {  	_ =	shalt  }
0x7d: {  	_ =	shalt  }
0x7e: {  	_ =	shalt  }
0x7f: {  	_ =	shalt  }
0x80: {  	_ =	shalt  }
0x81: {  	_ =	shalt  }
0x82: {  	_ =	shalt  }
0x83: {  	_ =	shalt  }
0x84: {  	_ =	shalt  }
0x85: {  	_ =	shalt  }
0x86: {  	_ =	shalt  }
0x87: {  	_ =	shalt  }
.Lfunc_end0:
.L_simem_size_0:
called_computation_lowered:
.L_overlay_start_0:
0x88: {  	s2 =	sld [smem:$0x3FD9]  }
0x89: {  	s3 =	sld [smem:$0x3FFE];
	_ =	sdelay $0x1  }
0x8a: {  	s1 =	srdreg.scid  }
0x8b: {  	s0 =	sand.u32 $0x1, s1  }
0x8c: {  	s14 =	sshll.u32 s0, $0xA;
	s2 =	sadd.s32 s3, s2  }
0x8d: {  	s2 =	sadd.s32 s2, s14  }
0x8e: {  	[smem:$0x3FB5] =	sst s2  }
0x8f: {  	_ = 	snop  }
0x90: {  	s2 =	sld [smem:$0x3FD0];
	_ =	sdelay $0x2  }
0x91: {  	s15 =	simm.s32 $0xB;
	s4 =	simm.s32 $0x10  }
0x92: {  	[smem:s4], [sflag:s15] =	dma.local [hbm:s2], $0x1  }
0x93: {  	_ =	swait.eq [sflag:s15], $0x1  }
0x94: {  	[sflag:s15] =	ssyncset.done $0x0  }
0x95: {  	[sflag:s15] =	ssyncadd.s32 $0xFFFFFFFF  }
0x96: {  	s16 =	sld [smem:$0x10];
	(tm) =	ssettm $0x1  }
0x97: {  	s17 =	sld [smem:$0x3FFB];
	_ =	sdelay $0x3  }
0x98: {  	_ =	strace s17  }
0x99: {  	s3 =	sld [smem:$0x3FFC];
	_ =	sdelay $0x3  }
0x9a: {  	_ =	strace s3  }
0x9b: {  	s3 =	sld [smem:$0x3FFD];
	_ =	sdelay $0x3  }
0x9c: {  	_ =	strace s3  }
0x9d: {  	_ =	strace $0x8FFFFFFF  }
0x9e: {  	s18 =	sld [smem:$0x3FDB];
	_ =	sdelay $0x1  }
0x9f: {  	s19 =	simm.s32 $_scs_section_size  }
0xa0: {  	s5 =	simm.s32 $_size__tile_overlayer_lowered;
	s6 =	simm.s32 $_tile_overlayer_lowered  }
0xa1: {  	s22 =	simm.s32 $0x1BFF;
	s21 =	sshll.u32 s6, $0x1;
	s3 =	sadd.s32 s19, s18  }
0xa2: {  	s7 =	simm.s32 $0x0;
	s20 =	sshll.u32 s5, $0x1;
	s5 =	sadd.s32 s21, s3  }
0xa3: {  	[timem:s7], [sflag:s22] =	dma.local [hbm:s5], s20  }
0xa4: {  	_ =	swait.ge [sflag:s22], s20  }
0xa5: {  	s4 =	ssub.s32 $0x0, s20;
	[sflag:s22] =	ssyncset.done $0x0  }
0xa6: {  	[sflag:s22] =	ssyncadd.s32 s4;
	_ =	sdelay $0x1  }
0xa7: {  	s23 =	simm.s32 $0x1B8B  }
0xa8: {  	_ =	swait.ge [sflag:s23], $0x1  }
0xa9: {  	[sflag:s23] =	ssyncset.done $0x0  }
0xaa: {  	s25 =	simm.s32 $0x1B8E;
	s24 =	sld [smem:$0x3FFE];
	[sflag:s23] =	ssyncadd.s32 $0xFFFFFFFF  }
0xab: {  	s26 =	simm.s32 $execute0_lowered;
	[smem:$0x3FD2] =	sst s25  }
0xac: {  	s5 =	sshll.u32 s26, $0x1;
	_ =	strace $0x80000046;
	[dreg:$0x1] =	wrdreg $0xFFFFFFFF  }
0xad: {  	s28 =	simm.s32 $_size_execute0_lowered;
	s3 =	sadd.s32 s3, s5;
	[dreg:$0x0] =	wrdreg $0x0  }
0xae: {  	s5 =	sshll.u32 s28, $0x1;
	[dreg:$0x2] =	wrdreg s3  }
0xaf: {  	[dreg:$0x3] =	wrdreg s5  }
0xb0: {  	[dreg:$0x4] =	wrdreg $0xC0  }
0xb1: {  	_ =	task [dreg:s7], $0x5FFFF  }
0xb2: {  	[dreg:$0x1] =	wrdreg $0xFFFFFFFF  }
0xb3: {  	[dreg:$0x0] =	wrdreg $0x60  }
0xb4: {  	[dreg:$0x2] =	wrdreg s24  }
0xb5: {  	[dreg:$0x3] =	wrdreg s16  }
0xb6: {  	[dreg:$0x4] =	wrdreg $0x9  }
0xb7: {  	_ =	task.clear_ibuf [dreg:s7], $0x5FFFF;
	_ =	strace $0x90000046  }
0xb8: {  	s29 =	simm.s32 $0x9;
	_ =	strace $0x80000048  }
0xb9: {  	_ =	swait.ge [sflag:s29], $0x1  }
0xba: {  	[sflag:s29] =	ssyncadd.s32 $0xFFFFFFFF  }
0xbb: {  	_ =	strace $0x90000048  }
0xbc: {  	_ =	sfence  }
0xbd: {  	s30 =	sld [smem:$0x0];
	_ =	sdelay $0x2  }
0xbe: {  	s31 =	sshll.u32 s1, $0xD;
	s1 =	sshrl.u32 s1, $0x2  }
0xbf: {  	s3 =	sand.u32 $0x4000, s31;
	s1 =	sadd.s32 s1, s30  }
0xc0: {  	s0 =	sor.u32 s3, s0;
	s1 =	sshll.u32 s1, $0x11  }
0xc1: {  	s0 =	sor.u32 s1, s0  }
0xc2: {  	s0 =	sadd.s32 $0x8F2B, s0  }
0xc3: {  	[sflag:s0] =	ssyncadd.remote.s32 $0x1  }
0xc4: {  	_ =	sfence.sel $0xFFFF  }
0xc5: {  	[dreg:$0x0] =	wrdreg $0xFFFFFFFF;
	(pc) =	sbr.abs _section_cstart, $3  }
0xc6: {  	[dreg:$0x1] =	wrdreg $0xFFFFFFFF  }
0xc7: {  	_ =	task.clear_ibuf [dreg:s7], $0x2FFFF;
	_ =	strace $0x9FFFFFFF  }
0xc8: {  	(tm) =	ssettm $0x7FFFFFFF  }
0xc9: {  	_ =	shalt  }
tec
execute0_lowered:
.L_overlay_start_1:
0x0: {  	(tag) =	ssettag $0x1  }
0x1: {  	s0 =	rddreg [dreg:$0x0]  }
0x2: {  	s1 =	rddreg [dreg:$0x1]  }
0x3: {  	s3 =	srdreg.scid;
	s2 =	simm.s32 $0x0;
	s8 =	stileid.u32  }
0x4: {  	s9 =	simm.s32 $0x1080;
	[smem:$0x7FF] =	sst s2;
	s26 =	sadd.s32 $0x44400, s0  }
0x5: {  	s11 =	simm.s32 $0x1880;
	_ =	strace $0x80000047;
	[dreg:$0x3] =	wrdreg s26  }
0x6: {  	s13 =	simm.s32 $0x2080;
	s14 =	simm.s32 $0x2880;
	[dreg:$0x6] =	wrdreg s9  }
0x7: {  	s15 =	simm.s32 $0x3080;
	s17 =	simm.s32 $0x3880;
	[dreg:$0x7] =	wrdreg s11  }
0x8: {  	s19 =	simm.s32 $0x4080;
	s20 =	simm.s32 $0x4880;
	[dreg:$0x8] =	wrdreg s13  }
0x9: {  	s22 =	simm.s32 $0x5080;
	s23 =	simm.s32 $0x5880;
	[dreg:$0x9] =	wrdreg s14  }
0xa: {  	s24 =	simm.s32 $0x6080;
	s25 =	simm.s32 $0x6880;
	[dreg:$0xa] =	wrdreg s15  }
0xb: {  	s28 =	simm.s32 $0x1;
	s29 =	simm.s32 $0x2;
	[dreg:$0xb] =	wrdreg s17  }
0xc: {  	s30 =	simm.s32 $0x0;
	s6 =	sand.u32 $0x1, s3;
	[dreg:$0xc] =	wrdreg s19  }
0xd: {  	s4 =	sshll.u32 s8, $0xB;
	s3 =	sadd.s32 $0x4400, s0;
	[dreg:$0xd] =	wrdreg s20  }
0xe: {  	s7 =	sshll.u32 s8, $0x11;
	s31 =	sshll.u32 s8, $0xF;
	[dreg:$0xe] =	wrdreg s22  }
0xf: {  	s5 =	sshll.u32 s6, $0xA;
	s7 =	sadd.s32 s7, s0;
	[dreg:$0xf] =	wrdreg s23  }
0x10: {  	s8 =	sadd.s32 s31, s0;
	s10 =	ssub.s32 $0x2, s6;
	[dreg:$0x10] =	wrdreg s24  }
0x11: {  	s18 =	sshll.u32 s6, $0xE;
	s6 =	sshll.u32 s6, $0x10;
	[dreg:$0x11] =	wrdreg s25  }
0x12: {  	s26 =	simm.s32 $0x7080;
	s9 =	simm.s32 $0x80;
	s31 =	simm.s32 $0x7880  }
0x13: {  	s11 =	simm.s32 $0x8880;
	s13 =	simm.s32 $0x9880;
	s14 =	simm.s32 $0xA080  }
0x14: {  	s15 =	simm.s32 $0xA880;
	s17 =	simm.s32 $0xB880;
	s19 =	simm.s32 $0xC880  }
0x15: {  	s20 =	simm.s32 $0xD080;
	s22 =	simm.s32 $0xE080;
	s23 =	simm.s32 $0xE880  }
0x16: {  	s24 =	simm.s32 $0xF080;
	s25 =	simm.s32 $0xF880;
	s4 =	sor.u32 s5, s4  }
0x17: {  	s5 =	simm.s32 $0x880;
	s12 =	sshrl.u32 s10, $0x1;
	[dreg:$0x12] =	wrdreg s26  }
0x18: {  	s6 =	sadd.s32 s6, s7;
	[dreg:$0x13] =	wrdreg s31;
	s26 =	simm.s32 $0x10080  }
0x19: {  	s4 =	sshrl.u32 s4, $0x3;
	[dreg:$0x5] =	wrdreg s5;
	s5 =	ssub.s32 s10, s12  }
0x1a: {  	s7 =	sadd.s32 $0x54400, s6;
	s10 =	simm.s32 $0x8080;
	s1 =	sadd.s32 s4, s1  }
0x1b: {  	s12 =	simm.s32 $0x9080;
	s16 =	smax.u32 s5, $0x1;
	[dreg:$0x4] =	wrdreg s1  }
0x1c: {  	v2 =	vlaneseq.u32;
	s4 =	sadd.s32 $0x4500, s0;
	[dreg:$0x14] =	wrdreg s16;
	s1 =	sadd.s32 s18, s8  }
0x1d: {  	vm0 =	vmmov $0xffff;
	v1 =	vshrl.u32 v2, $0x3;
	s8 =	simm.s32 $0x3;
	s16 =	simm.s32 $0xB080;
	s21 =	sadd.s32 $0x254400, s1  }
0x1e: {  	v0 =	vand.u32 $0x7, v2;
	v2 =	vor.u32 $0x8, v2;
	v1 =	vmul.u32 $0x8, v1;
	s18 =	simm.s32 $0xC080;
	[dreg:$0x15] =	wrdreg s21;
	s21 =	simm.s32 $0xD880  }
.LBB2_1:
0x1f: {  	s31 =	smov.u32 s7;
	s6 =	rddreg [dreg:$0x15];
	s1 =	simm.s32 $0x0  }
.LBB2_2:
0x20: {  	s5 =	rddreg [dreg:$0x4]  }
0x21: {  	s5 =	sadd.s32 s1, s5  }
0x22: {  	[tilespmem:s2], [sflag:$0x3] =	stream.linear.gather [hbm4b:s5+s2], $0x80, $0x38;
	[tilespmem:$0x14080] =	vst v63  }
0x23: {  	_ =	swait.ge [sflag:s8], $0x80  }
0x24: {  	[sflag:s8] =	ssyncset.done $0x0  }
0x25: {  	[sflag:s8] =	ssyncadd.s32 $0xFFFFFF80  }
0x26: {  	v3 =	vld [tilespmem:$0x0];
	_ =	sdelay $0x4  }
0x27: {  	v4 =	vshll.u32 v3, $0x2  }
0x28: {  	v3 =	vand.u32 $0x7, v3;
	v4 =	vand.u32 $0xFFFFFFE0, v4  }
0x29: {  	v3 =	vor.u32 v3, v4  }
0x2a: {  	v4 =	vperm.xlane v3, v0;
	_ =	sdelay $0x1  }
0x2b: {  	v4 =	vadd.s32 v1, v4;
	_ =	sdelay $0x1  }
0x2c: {  	v3 =	vperm.xlane v3, v2;
	_ =	sdelay $0x1  }
0x2d: {  	v3 =	vadd.s32 v1, v3  }
0x2e: {  	[tilespmem:s9], [sflag:$0x1] =	stream.indirect_vreg.gather [hbm4b:s3+s2], $0x80, v4, vm0, $0xb8;
	[tilespmem:$0x14080] =	vst v63  }
0x2f: {  	s5 =	rddreg [dreg:$0x5]  }
0x30: {  	[tilespmem:s5], [sflag:$0x1] =	stream.indirect_vreg.gather [hbm4b:s4+s2], $0x80, v4, vm0, $0xb8;
	[tilespmem:$0x14080] =	vst v63  }
0x31: {  	s0 =	rddreg [dreg:$0x6]  }
0x32: {  	[tilespmem:s0], [sflag:$0x1] =	stream.indirect_vreg.gather [hbm4b:s3+s2], $0x80, v3, vm0, $0xb8;
	[tilespmem:$0x14080] =	vst v63  }
0x33: {  	s5 =	rddreg [dreg:$0x7]  }
0x34: {  	[tilespmem:s5], [sflag:$0x1] =	stream.indirect_vreg.gather [hbm4b:s4+s2], $0x80, v3, vm0, $0xb8;
	[tilespmem:$0x14080] =	vst v63  }
0x35: {  	v3 =	vld [tilespmem:$0x10];
	_ =	sdelay $0x4  }
0x36: {  	v57 =	vshll.u32 v3, $0x2  }
0x37: {  	v3 =	vand.u32 $0x7, v3;
	v4 =	vand.u32 $0xFFFFFFE0, v57  }
0x38: {  	v3 =	vor.u32 v3, v4  }
0x39: {  	v4 =	vperm.xlane v3, v0;
	_ =	sdelay $0x1  }
0x3a: {  	v4 =	vadd.s32 v1, v4;
	_ =	sdelay $0x1  }
0x3b: {  	v3 =	vperm.xlane v3, v2;
	_ =	sdelay $0x1  }
0x3c: {  	s0 =	rddreg [dreg:$0x8];
	v3 =	vadd.s32 v1, v3  }
0x3d: {  	[tilespmem:s0], [sflag:$0x1] =	stream.indirect_vreg.gather [hbm4b:s3+s2], $0x80, v4, vm0, $0xb8;
	[tilespmem:$0x14080] =	vst v63  }
0x3e: {  	s5 =	rddreg [dreg:$0x9]  }
0x3f: {  	[tilespmem:s5], [sflag:$0x1] =	stream.indirect_vreg.gather [hbm4b:s4+s2], $0x80, v4, vm0, $0xb8;
	[tilespmem:$0x14080] =	vst v63  }
0x40: {  	s0 =	rddreg [dreg:$0xa]  }
0x41: {  	[tilespmem:s0], [sflag:$0x1] =	stream.indirect_vreg.gather [hbm4b:s3+s2], $0x80, v3, vm0, $0xb8;
	[tilespmem:$0x14080] =	vst v63  }
0x42: {  	s5 =	rddreg [dreg:$0xb]  }
0x43: {  	[tilespmem:s5], [sflag:$0x1] =	stream.indirect_vreg.gather [hbm4b:s4+s2], $0x80, v3, vm0, $0xb8;
	[tilespmem:$0x14080] =	vst v63  }
0x44: {  	v3 =	vld [tilespmem:$0x20];
	_ =	sdelay $0x4  }
0x45: {  	v58 =	vshll.u32 v3, $0x2  }
0x46: {  	v3 =	vand.u32 $0x7, v3;
	v4 =	vand.u32 $0xFFFFFFE0, v58  }
0x47: {  	v3 =	vor.u32 v3, v4  }
0x48: {  	v4 =	vperm.xlane v3, v0;
	_ =	sdelay $0x1  }
0x49: {  	v4 =	vadd.s32 v1, v4;
	_ =	sdelay $0x1  }
0x4a: {  	v3 =	vperm.xlane v3, v2;
	_ =	sdelay $0x1  }
0x4b: {  	s0 =	rddreg [dreg:$0xc];
	v3 =	vadd.s32 v1, v3  }
0x4c: {  	[tilespmem:s0], [sflag:$0x1] =	stream.indirect_vreg.gather [hbm4b:s3+s2], $0x80, v4, vm0, $0xb8;
	[tilespmem:$0x14080] =	vst v63  }
0x4d: {  	s5 =	rddreg [dreg:$0xd]  }
0x4e: {  	[tilespmem:s5], [sflag:$0x1] =	stream.indirect_vreg.gather [hbm4b:s4+s2], $0x80, v4, vm0, $0xb8;
	[tilespmem:$0x14080] =	vst v63  }
0x4f: {  	s0 =	rddreg [dreg:$0xe]  }
0x50: {  	[tilespmem:s0], [sflag:$0x1] =	stream.indirect_vreg.gather [hbm4b:s3+s2], $0x80, v3, vm0, $0xb8;
	[tilespmem:$0x14080] =	vst v63  }
0x51: {  	s5 =	rddreg [dreg:$0xf]  }
0x52: {  	[tilespmem:s5], [sflag:$0x1] =	stream.indirect_vreg.gather [hbm4b:s4+s2], $0x80, v3, vm0, $0xb8;
	[tilespmem:$0x14080] =	vst v63  }
0x53: {  	v3 =	vld [tilespmem:$0x30];
	_ =	sdelay $0x4  }
0x54: {  	v59 =	vshll.u32 v3, $0x2  }
0x55: {  	v3 =	vand.u32 $0x7, v3;
	v4 =	vand.u32 $0xFFFFFFE0, v59  }
0x56: {  	v3 =	vor.u32 v3, v4  }
0x57: {  	v4 =	vperm.xlane v3, v0;
	_ =	sdelay $0x1  }
0x58: {  	v4 =	vadd.s32 v1, v4;
	_ =	sdelay $0x1  }
0x59: {  	v3 =	vperm.xlane v3, v2;
	_ =	sdelay $0x1  }
0x5a: {  	s0 =	rddreg [dreg:$0x10];
	v3 =	vadd.s32 v1, v3  }
0x5b: {  	[tilespmem:s0], [sflag:$0x1] =	stream.indirect_vreg.gather [hbm4b:s3+s2], $0x80, v4, vm0, $0xb8;
	[tilespmem:$0x14080] =	vst v63  }
0x5c: {  	s5 =	rddreg [dreg:$0x11]  }
0x5d: {  	[tilespmem:s5], [sflag:$0x1] =	stream.indirect_vreg.gather [hbm4b:s4+s2], $0x80, v4, vm0, $0xb8;
	[tilespmem:$0x14080] =	vst v63  }
0x5e: {  	s0 =	rddreg [dreg:$0x12]  }
0x5f: {  	[tilespmem:s0], [sflag:$0x1] =	stream.indirect_vreg.gather [hbm4b:s3+s2], $0x80, v3, vm0, $0xb8;
	[tilespmem:$0x14080] =	vst v63  }
0x60: {  	s5 =	rddreg [dreg:$0x13]  }
0x61: {  	[tilespmem:s5], [sflag:$0x1] =	stream.indirect_vreg.gather [hbm4b:s4+s2], $0x80, v3, vm0, $0xb8;
	[tilespmem:$0x14080] =	vst v63  }
0x62: {  	v3 =	vld [tilespmem:$0x40];
	_ =	sdelay $0x4  }
0x63: {  	v60 =	vshll.u32 v3, $0x2  }
0x64: {  	v3 =	vand.u32 $0x7, v3;
	v4 =	vand.u32 $0xFFFFFFE0, v60  }
0x65: {  	v3 =	vor.u32 v3, v4  }
0x66: {  	v4 =	vperm.xlane v3, v0;
	_ =	sdelay $0x1  }
0x67: {  	v4 =	vadd.s32 v1, v4;
	_ =	sdelay $0x1  }
0x68: {  	v3 =	vperm.xlane v3, v2;
	_ =	sdelay $0x1  }
0x69: {  	v3 =	vadd.s32 v1, v3  }
0x6a: {  	[tilespmem:s10], [sflag:$0x1] =	stream.indirect_vreg.gather [hbm4b:s3+s2], $0x80, v4, vm0, $0xb8;
	[tilespmem:$0x14080] =	vst v63  }
0x6b: {  	_ = 	snop  }
0x6c: {  	[tilespmem:s11], [sflag:$0x1] =	stream.indirect_vreg.gather [hbm4b:s4+s2], $0x80, v4, vm0, $0xb8;
	[tilespmem:$0x14080] =	vst v63  }
0x6d: {  	_ = 	snop  }
0x6e: {  	[tilespmem:s12], [sflag:$0x1] =	stream.indirect_vreg.gather [hbm4b:s3+s2], $0x80, v3, vm0, $0xb8;
	[tilespmem:$0x14080] =	vst v63  }
0x6f: {  	_ = 	snop  }
0x70: {  	[tilespmem:s13], [sflag:$0x1] =	stream.indirect_vreg.gather [hbm4b:s4+s2], $0x80, v3, vm0, $0xb8;
	[tilespmem:$0x14080] =	vst v63  }
0x71: {  	v3 =	vld [tilespmem:$0x50];
	_ =	sdelay $0x4  }
0x72: {  	v61 =	vshll.u32 v3, $0x2  }
0x73: {  	v3 =	vand.u32 $0x7, v3;
	v4 =	vand.u32 $0xFFFFFFE0, v61  }
0x74: {  	v3 =	vor.u32 v3, v4  }
0x75: {  	v4 =	vperm.xlane v3, v0;
	_ =	sdelay $0x1  }
0x76: {  	v4 =	vadd.s32 v1, v4;
	_ =	sdelay $0x1  }
0x77: {  	v3 =	vperm.xlane v3, v2;
	_ =	sdelay $0x1  }
0x78: {  	v3 =	vadd.s32 v1, v3  }
0x79: {  	[tilespmem:s14], [sflag:$0x1] =	stream.indirect_vreg.gather [hbm4b:s3+s2], $0x80, v4, vm0, $0xb8;
	[tilespmem:$0x14080] =	vst v63  }
0x7a: {  	_ = 	snop  }
0x7b: {  	[tilespmem:s15], [sflag:$0x1] =	stream.indirect_vreg.gather [hbm4b:s4+s2], $0x80, v4, vm0, $0xb8;
	[tilespmem:$0x14080] =	vst v63  }
0x7c: {  	_ = 	snop  }
0x7d: {  	[tilespmem:s16], [sflag:$0x1] =	stream.indirect_vreg.gather [hbm4b:s3+s2], $0x80, v3, vm0, $0xb8;
	[tilespmem:$0x14080] =	vst v63  }
0x7e: {  	_ = 	snop  }
0x7f: {  	[tilespmem:s17], [sflag:$0x1] =	stream.indirect_vreg.gather [hbm4b:s4+s2], $0x80, v3, vm0, $0xb8;
	[tilespmem:$0x14080] =	vst v63  }
0x80: {  	v3 =	vld [tilespmem:$0x60];
	_ =	sdelay $0x4  }
0x81: {  	v62 =	vshll.u32 v3, $0x2  }
0x82: {  	v3 =	vand.u32 $0x7, v3;
	v4 =	vand.u32 $0xFFFFFFE0, v62  }
0x83: {  	v3 =	vor.u32 v3, v4  }
0x84: {  	v4 =	vperm.xlane v3, v0;
	_ =	sdelay $0x1  }
0x85: {  	v4 =	vadd.s32 v1, v4;
	_ =	sdelay $0x1  }
0x86: {  	v3 =	vperm.xlane v3, v2;
	_ =	sdelay $0x1  }
0x87: {  	v3 =	vadd.s32 v1, v3  }
0x88: {  	[tilespmem:s18], [sflag:$0x1] =	stream.indirect_vreg.gather [hbm4b:s3+s2], $0x80, v4, vm0, $0xb8;
	[tilespmem:$0x14080] =	vst v63  }
0x89: {  	_ = 	snop  }
0x8a: {  	[tilespmem:s19], [sflag:$0x1] =	stream.indirect_vreg.gather [hbm4b:s4+s2], $0x80, v4, vm0, $0xb8;
	[tilespmem:$0x14080] =	vst v63  }
0x8b: {  	_ = 	snop  }
0x8c: {  	[tilespmem:s20], [sflag:$0x1] =	stream.indirect_vreg.gather [hbm4b:s3+s2], $0x80, v3, vm0, $0xb8;
	[tilespmem:$0x14080] =	vst v63  }
0x8d: {  	_ = 	snop  }
0x8e: {  	[tilespmem:s21], [sflag:$0x1] =	stream.indirect_vreg.gather [hbm4b:s4+s2], $0x80, v3, vm0, $0xb8;
	[tilespmem:$0x14080] =	vst v63  }
0x8f: {  	v3 =	vld [tilespmem:$0x70];
	_ =	sdelay $0x4  }
0x90: {  	v63 =	vshll.u32 v3, $0x2  }
0x91: {  	v3 =	vand.u32 $0x7, v3;
	v4 =	vand.u32 $0xFFFFFFE0, v63  }
0x92: {  	v3 =	vor.u32 v3, v4  }
0x93: {  	v4 =	vperm.xlane v3, v0;
	_ =	sdelay $0x1  }
0x94: {  	v4 =	vadd.s32 v1, v4;
	_ =	sdelay $0x1  }
0x95: {  	v3 =	vperm.xlane v3, v2;
	_ =	sdelay $0x1  }
0x96: {  	v3 =	vadd.s32 v1, v3  }
0x97: {  	[tilespmem:s22], [sflag:$0x1] =	stream.indirect_vreg.gather [hbm4b:s3+s2], $0x80, v4, vm0, $0xb8;
	[tilespmem:$0x14080] =	vst v63  }
0x98: {  	_ = 	snop  }
0x99: {  	[tilespmem:s23], [sflag:$0x1] =	stream.indirect_vreg.gather [hbm4b:s4+s2], $0x80, v4, vm0, $0xb8;
	[tilespmem:$0x14080] =	vst v63  }
0x9a: {  	_ = 	snop  }
0x9b: {  	[tilespmem:s24], [sflag:$0x1] =	stream.indirect_vreg.gather [hbm4b:s3+s2], $0x80, v3, vm0, $0xb8;
	[tilespmem:$0x14080] =	vst v63  }
0x9c: {  	_ = 	snop  }
0x9d: {  	[tilespmem:s25], [sflag:$0x1] =	stream.indirect_vreg.gather [hbm4b:s4+s2], $0x80, v3, vm0, $0xb8;
	[tilespmem:$0x14080] =	vst v63  }
0x9e: {  	s5 =	rddreg [dreg:$0x3]  }
0x9f: {  	[tilespmem:s26], [sflag:$0x2] =	stream.indirect.gather [hbm4b:s5+s9], $0x80, s2, s9, $0xb8;
	[tilespmem:$0x14080] =	vst v63  }
0xa0: {  	_ =	swait.ge [sflag:s28], $0x10000  }
0xa1: {  	[sflag:s28] =	ssyncset.done $0x0  }
0xa2: {  	[sflag:s28] =	ssyncadd.s32 $0xFFFF0000  }
0xa3: {  	_ =	swait.ge [sflag:s29], $0x4000  }
0xa4: {  	[sflag:s29] =	ssyncset.done $0x0  }
0xa5: {  	[sflag:s29] =	ssyncadd.s32 $0xFFFFC000  }
0xa6: {  	[hbm4b:s31+s2] =	stream.linear.scatter [tilespmem:s9], [sflag:$0x3], $0x10000, $0x38;
	[tilespmem:$0x14080] =	vst v63  }
0xa7: {  	_ =	swait.ge [sflag:s8], $0x10000  }
0xa8: {  	p0 =	sne.s32 s1, $0x70;
	[sflag:s8] =	ssyncset.done $0x0  }
.Ltmp0:
0xa9: {  	[sflag:s8] =	ssyncadd.s32 $0xFFFF0000;
	(pc) =	sbr.rel @p0 .LBB2_2-.Ltmp0, $4  }
0xaa: {  	[hbm4b:s6+s2] =	stream.linear.scatter [tilespmem:s26], [sflag:$0x3], $0x4000, $0x38;
	[tilespmem:$0x14080] =	vst v63  }
0xab: {  	_ =	swait.ge [sflag:s8], $0x4000  }
0xac: {  	s1 =	sadd.s32 $0x10, s1;
	[sflag:s8] =	ssyncset.done $0x0  }
0xad: {  	s31 =	sadd.s32 $0x2000, s31;
	s6 =	sadd.s32 $0x800, s6;
	[sflag:s8] =	ssyncadd.s32 $0xFFFFC000  }
0xae: {  	s30 =	sadd.s32 $0x1, s30;
	s0 =	rddreg [dreg:$0x14]  }
0xaf: {  	p0 =	sne.s32 s30, s0  }
.Ltmp1:
0xb0: {  	_ = 	snop;
	(pc) =	sbr.rel @p0 .LBB2_1-.Ltmp1, $1  }
0xb1: {  	_ =	sdelay $0x3  }
0xb2: {  	_ =	sfence.sel $0x180000  }
0xb3: {  	[bflag:$0x0] =	sbarrier.arrive $0xFFFF  }
0xb4: {  	_ =	strace $0x90000047  }
0xb5: {  	s0 =	stileid.u32;
	[bflag:$0x2] =	sbarrier.arrive $0xFFFF  }
0xb6: {  	p0 =	sne.s32 s0, $0x0;
	s0 =	rddreg [dreg:$0x2]  }
0xb7: {  	s0 =	sadd.s32 @!p0 $0x100000, s0  }
0xb8: {  	[sflag:s0] =	ssyncadd.tile.s32 @!p0 $0x1;
	_ =	shalt  }
.Lfunc_end2:
_tile_overlayer_lowered:
.L_overlay_start_2:
0xb9: {  	(tag) =	ssettag $0x2  }
0xba: {  	s0 =	rddreg [dreg:$0x0];
	s2 =	stileid.u32  }
0xbb: {  	s1 =	rddreg [dreg:$0x1];
	p0 =	sne.s32 s2, $0x0  }
0xbc: {  	s3 =	rddreg [dreg:$0x2];
	[bflag:$0x3] =	sbarrier.arrive $0xFFFF;
	s2 =	simm.s32 @!p0 $0x1C03  }
0xbd: {  	[timem:s3], [sflag:s2] =	dma.local @!p0 [hbm:s0], s1  }
0xbe: {  	s0 =	simm.s32 @!p0 $0x3  }
0xbf: {  	_ =	swait.ge @!p0 [sflag:s0], s1  }
0xc0: {  	s1 =	ssub.s32 @!p0 $0x0, s1;
	[sflag:s0] =	ssyncset.done @!p0 $0x0  }
0xc1: {  	[sflag:s0] =	ssyncadd.s32 @!p0 s1  }
0xc2: {  	[bflag:$0x3] =	sbarrier.arrive $0xFFFF  }
0xc3: {  	_ =	shalt  }

</sc_bundles>
